<compile_context>
chip_gen: v7x
topology: tpu7x:2x2x1
jax: 0.10.2.dev20260603
libtpu: 0.0.44.dev20260713+nightly
codegen_flags: <defaults>
</compile_context>

<pallas_src>
import functools

import jax
import jax.numpy as jnp
from jax import lax
from jax.experimental import pallas as pl
from jax.experimental.pallas import tpu as pltpu
from jax.experimental.pallas import tpu_sc as plsc

_B = 4096
_L = 200
_TD = 64
_NC = 2
_NS = 16
_NW = _NC * _NS
_BPW = _B // _NW
_CHA = 96
_CHB = 104
_NBUF = 4



_FC = 4096


def _format_body(tT_ref, out_ref):
  x = tT_ref[...]
  n = jnp.sqrt(jnp.sum(x * x, axis=0, keepdims=True))
  s = jnp.where(n > 1.0, 1.0 / jnp.maximum(n, 1e-12), 1.0)
  xs = x * s
  h = _FC // 2
  eye = (lax.broadcasted_iota(jnp.int32, (64, 64), 0)
         == lax.broadcasted_iota(jnp.int32, (64, 64), 1)).astype(jnp.float32)
  out_ref[:, 0:64] = jnp.swapaxes(xs[:, :h], 0, 1)
  out_ref[:, 64:128] = lax.dot_general(
      xs[:, h:], eye, (((0,), (0,)), ((), ())),
      preferred_element_type=jnp.float32)


_FG = (1000000 + _FC - 1) // _FC
_FPAD = _FG * _FC


def _format_table(tT, interpret=False):
  return pl.pallas_call(
      _format_body,
      grid=(_FG,),
      in_specs=[pl.BlockSpec((64, _FC), lambda i: (0, i))],
      out_specs=pl.BlockSpec((_FC // 2, 128), lambda i: (i, 0)),
      out_shape=jax.ShapeDtypeStruct((_FPAD // 2, 128), jnp.float32),
      interpret=interpret,
  )(tT)


def _accum_chunk(rows, acc):
  def row_body(r, acc):
    a0, a1, a2, a3 = acc
    return (a0 + rows[r, pl.ds(0, 16)],
            a1 + rows[r, pl.ds(16, 16)],
            a2 + rows[r, pl.ds(32, 16)],
            a3 + rows[r, pl.ds(48, 16)])

  n = rows.shape[0]
  return lax.fori_loop(0, n, row_body, acc, unroll=4)


def _make_text_bag(interpret=False):
  mesh = plsc.VectorSubcoreMesh(
      core_axis_name="c", subcore_axis_name="s",
      num_cores=_NC, num_subcores=_NS)

  @functools.partial(
      pl.kernel,
      out_type=jax.ShapeDtypeStruct((_B, _TD), jnp.float32),
      mesh=mesh,
      scratch_types=[
          pltpu.VMEM((_BPW, _L), jnp.int32),
          pltpu.VMEM((_NBUF, _CHA, _TD), jnp.float32),
          pltpu.VMEM((_NBUF, _CHB, _TD), jnp.float32),
          pltpu.VMEM((_BPW, _TD), jnp.float32),
      ] + [pltpu.SemaphoreType.DMA] * (2 * _NBUF),
      compiler_params=pltpu.CompilerParams(use_tc_tiling_on_sc=False),
      interpret=interpret,
  )
  def text_bag(tbl, idx, out, idx_v, rab, rbb, obuf, *sems):
    wid = lax.axis_index("s") * _NC + lax.axis_index("c")

    def cha(d):
      return idx_v.at[d, pl.ds(0, _CHA)]

    def chb(d):
      return idx_v.at[d, pl.ds(_CHA, _CHB)]

    pltpu.sync_copy(idx.at[pl.ds(wid * _BPW, _BPW)], idx_v)
    for b in range(_NBUF):
      pltpu.async_copy(tbl.at[cha(b)], rab.at[b], sems[2 * b])
      pltpu.async_copy(tbl.at[chb(b)], rbb.at[b], sems[2 * b + 1])

    def store(d, acc):
      a0, a1, a2, a3 = acc
      obuf[d, pl.ds(0, 16)] = a0
      obuf[d, pl.ds(16, 16)] = a1
      obuf[d, pl.ds(32, 16)] = a2
      obuf[d, pl.ds(48, 16)] = a3

    def one_doc(d, b):
      zero = jnp.zeros((16,), jnp.float32)
      sa, sb = sems[2 * b], sems[2 * b + 1]
      pltpu.make_async_copy(tbl.at[cha(d)], rab.at[b], sa).wait()
      acc = _accum_chunk(rab.at[b], (zero, zero, zero, zero))

      @pl.when(d + _NBUF < _BPW)
      def _():
        pltpu.async_copy(tbl.at[cha(d + _NBUF)], rab.at[b], sa)

      pltpu.make_async_copy(tbl.at[chb(d)], rbb.at[b], sb).wait()
      acc = _accum_chunk(rbb.at[b], acc)

      @pl.when(d + _NBUF < _BPW)
      def _():
        pltpu.async_copy(tbl.at[chb(d + _NBUF)], rbb.at[b], sb)

      store(d, acc)

    def group_body(g, carry):
      for b in range(_NBUF):
        one_doc(_NBUF * g + b, b)
      return carry

    lax.fori_loop(0, _BPW // _NBUF, group_body, 0)
    pltpu.sync_copy(obuf, out.at[pl.ds(wid * _BPW, _BPW)])

  return text_bag


_text_bag_cache = {}


def _text_bag(tbl, idx3):
  if "k" not in _text_bag_cache:
    _text_bag_cache["k"] = _make_text_bag()
  return _text_bag_cache["k"](tbl, idx3)


_BLK = 512


def _head_body(lang_ref, brk_ref, caps_ref, tsum_ref, lt_ref, bt_ref,
               ct_ref, tw_ref, tb_ref, pa_ref, dw_ref, db_ref, out_ref):
  f32 = jnp.float32

  def renorm(t):
    n = jnp.sqrt(jnp.sum(t * t, axis=1, keepdims=True))
    return t * jnp.where(n > 1.0, 1.0 / jnp.maximum(n, 1e-12), 1.0)

  rb = renorm(bt_ref[...])
  rc = renorm(ct_ref[...])
  rl = renorm(lt_ref[...])

  brk = brk_ref[...]
  caps = caps_ref[...]
  bsum = jnp.zeros((_BLK, 8), f32)
  csum = jnp.zeros((_BLK, 8), f32)
  for k in range(4):
    cb = jnp.sum((brk == k).astype(f32), axis=1, keepdims=True)
    cc = jnp.sum((caps == k).astype(f32), axis=1, keepdims=True)
    bsum = bsum + cb * rb[k:k + 1, :]
    csum = csum + cc * rc[k:k + 1, :]

  tw = tw_ref[...]
  dnT = (((1,), (1,)), ((), ()))
  summed = (
      lax.dot_general(tsum_ref[...], tw[:, 16:], dnT, preferred_element_type=f32)
      + lax.dot_general(bsum, tw[:, 0:8], dnT, preferred_element_type=f32)
      + lax.dot_general(csum, tw[:, 8:16], dnT, preferred_element_type=f32)
      + jnp.float32(_L) * tb_ref[...])
  a = pa_ref[0, 0]
  phrase = jnp.where(summed >= 0, summed, a * summed)

  oh = (lax.broadcasted_iota(jnp.int32, (_BLK, 128), 1) == lang_ref[...]).astype(f32)
  dn = (((1,), (0,)), ((), ()))
  lemb = lax.dot_general(oh, rl, dn, preferred_element_type=f32)

  dw = dw_ref[...]
  out_ref[...] = (
      lax.dot_general(lemb, dw[:, 0:16], dnT, preferred_element_type=f32)
      + lax.dot_general(phrase, dw[:, 16:], dnT, preferred_element_type=f32)
      + db_ref[...])


def _head(lang2, brk, caps, tsum, lt, bt, ct, tw, tb2, pa2, dw, db2,
          interpret=False):
  def ix(i):
    return (i, 0)

  def fx(i):
    return (0, 0)

  return pl.pallas_call(
      _head_body,
      grid=(_B // _BLK,),
      in_specs=[
          pl.BlockSpec((_BLK, 1), ix),
          pl.BlockSpec((_BLK, _L), ix),
          pl.BlockSpec((_BLK, _L), ix),
          pl.BlockSpec((_BLK, _TD), ix),
          pl.BlockSpec((128, 16), fx),
          pl.BlockSpec((4, 8), fx),
          pl.BlockSpec((4, 8), fx),
          pl.BlockSpec((64, 80), fx),
          pl.BlockSpec((1, 64), fx),
          pl.BlockSpec(memory_space=pltpu.SMEM),
          pl.BlockSpec((128, 80), fx),
          pl.BlockSpec((1, 128), fx),
      ],
      out_specs=pl.BlockSpec((_BLK, 128), ix),
      out_shape=jax.ShapeDtypeStruct((_B, 128), jnp.float32),
      interpret=interpret,
  )(lang2, brk, caps, tsum, lt, bt, ct, tw, tb2, pa2, dw, db2)


def kernel(lang_inputs, toks_inputs, lang_table, break_table, caps_table,
           text_table, toks_W, toks_b, prelu_a, docs_W, docs_b):
  brk = toks_inputs[0]
  caps = toks_inputs[1]
  tidx = toks_inputs[2].astype(jnp.int32)
  fmt = _format_table(text_table.T)
  b = tidx & (_FC - 1)
  sidx = (tidx - b) + ((b & (_FC // 2 - 1)) << 1) + (b >> ((_FC // 2).bit_length() - 1))
  tsum = _text_bag(fmt.reshape(_FPAD, 64), sidx)

  pa2 = jnp.reshape(prelu_a, (1, 1))
  tb2 = jnp.reshape(toks_b, (1, 64))
  db2 = jnp.reshape(docs_b, (1, 128))
  return _head(lang_inputs, brk, caps, tsum, lang_table, break_table,
               caps_table, toks_W, tb2, pa2, docs_W, db2)

# --- scband reference (transcript-rebuilt; emitter-appended) ---
"""Pipeline reference for scband-doc-embedding-22445499088926 (READ-ONLY COPY).

The authoritative reference and input builder live on the scoring server;
editing this copy changes nothing except your own understanding.
"""

import jax, jax.numpy as jnp
import numpy as np

LANG_VOCAB = 128
TEXT_VOCAB = 1000000
N_BREAK = 4
N_CAPS = 4
LANG_D = 16
BRK_D = 8
CAPS_D = 8
TEXT_D = 64
TOKS_D = 64
EMBED = 128
B = 4096
L = 200


def _renorm(e):
    # emulate torch.nn.Embedding(max_norm=1.0): rescale rows whose L2 norm exceeds 1
    n = jnp.linalg.norm(e, axis=-1, keepdims=True)
    return e * jnp.where(n > 1.0, 1.0 / jnp.maximum(n, 1e-12), 1.0)


def setup_inputs(seed: int = 0) -> dict:
    key = jax.random.key(seed)
    ks = jax.random.split(key, 12)
    lang_inputs = jax.random.randint(ks[0], (B, 1), 0, LANG_VOCAB)
    brk_idx = jax.random.randint(ks[1], (B, L), 0, N_BREAK)
    caps_idx = jax.random.randint(ks[2], (B, L), 0, N_CAPS)
    text_idx = jax.random.randint(ks[3], (B, L), 0, TEXT_VOCAB)
    toks_inputs = jnp.stack([brk_idx, caps_idx, text_idx], axis=0)
    lang_table = jax.random.normal(ks[4], (LANG_VOCAB, LANG_D), dtype=jnp.float32)
    break_table = jax.random.normal(ks[5], (N_BREAK, BRK_D), dtype=jnp.float32)
    caps_table = jax.random.normal(ks[6], (N_CAPS, CAPS_D), dtype=jnp.float32)
    text_table = jax.random.normal(ks[7], (TEXT_VOCAB, TEXT_D), dtype=jnp.float32)
    text_table = text_table.at[0].set(0.0)  # padding_idx=0
    toks_W = jax.random.normal(ks[8], (TOKS_D, BRK_D + CAPS_D + TEXT_D), dtype=jnp.float32) * 0.05
    toks_b = jnp.zeros((TOKS_D,), dtype=jnp.float32)
    prelu_a = jnp.array(0.25, dtype=jnp.float32)
    docs_W = jax.random.normal(ks[9], (EMBED, TOKS_D + LANG_D), dtype=jnp.float32) * 0.05
    docs_b = jnp.zeros((EMBED,), dtype=jnp.float32)
    return {
        'lang_inputs': lang_inputs,
        'toks_inputs': toks_inputs,
        'lang_table': lang_table,
        'break_table': break_table,
        'caps_table': caps_table,
        'text_table': text_table,
        'toks_W': toks_W,
        'toks_b': toks_b,
        'prelu_a': prelu_a,
        'docs_W': docs_W,
        'docs_b': docs_b,
    }


def reference(lang_inputs, toks_inputs, lang_table, break_table, caps_table, text_table, toks_W, toks_b, prelu_a, docs_W, docs_b):
    brks = _renorm(jnp.take(break_table, toks_inputs[0], axis=0))
    caps = _renorm(jnp.take(caps_table, toks_inputs[1], axis=0))
    text = _renorm(jnp.take(text_table, toks_inputs[2], axis=0))
    toks_input = jnp.concatenate((brks, caps, text), axis=2)
    toks_embed = toks_input @ toks_W.T + toks_b
    summed = toks_embed.sum(axis=-2)
    phrase_embed = jnp.where(summed >= 0, summed, prelu_a * summed)  # PReLU; dropout is identity in eval
    lang_embed = _renorm(jnp.take(lang_table, jnp.squeeze(lang_inputs), axis=0))
    docs_input = jnp.concatenate((lang_embed, phrase_embed), axis=1)
    docs_embed = docs_input @ docs_W.T + docs_b
    return docs_embed

if __name__ == "__main__":
    import jax
    _d = setup_inputs()
    print(jax.jit(kernel)(*tuple(_d.values())))

</pallas_src>

<mosaic_0001>
#map = affine_map<(d0, d1) -> (0, 0)>
module attributes {stable_mosaic.version = 14 : i64} {
  func.func @text_bag(%arg0: i32, %arg1: i32, %arg2: memref<1003520x64xf32, #tpu.memory_space<hbm>>, %arg3: memref<4096x200xi32, #tpu.memory_space<hbm>>, %arg4: memref<4096x64xf32, #tpu.memory_space<hbm>>, %arg5: memref<128x200xi32, #tpu.memory_space<vmem>>, %arg6: memref<4x96x64xf32, #tpu.memory_space<vmem>>, %arg7: memref<4x104x64xf32, #tpu.memory_space<vmem>>, %arg8: memref<128x64xf32, #tpu.memory_space<vmem>>, %arg9: memref<!tpu.dma_semaphore, #tpu.memory_space<semaphore_mem>>, %arg10: memref<!tpu.dma_semaphore, #tpu.memory_space<semaphore_mem>>, %arg11: memref<!tpu.dma_semaphore, #tpu.memory_space<semaphore_mem>>, %arg12: memref<!tpu.dma_semaphore, #tpu.memory_space<semaphore_mem>>, %arg13: memref<!tpu.dma_semaphore, #tpu.memory_space<semaphore_mem>>, %arg14: memref<!tpu.dma_semaphore, #tpu.memory_space<semaphore_mem>>, %arg15: memref<!tpu.dma_semaphore, #tpu.memory_space<semaphore_mem>>, %arg16: memref<!tpu.dma_semaphore, #tpu.memory_space<semaphore_mem>>) attributes {dimension_semantics = [#tpu.dimension_semantics<core_parallel>, #tpu.dimension_semantics<subcore_parallel>], iteration_bounds = array<i64: 2, 16>, scalar_prefetch = 0 : i64, scratch_operands = 12 : i64, tpu.core_type = #tpu.core_type<sc_vector_subcore>, window_params = [{transform_indices = #map}, {transform_indices = #map}, {transform_indices = #map}]} {
    %mul3A = arith.constant 2 : i32
    %mul3A_0 = arith.muli %arg1, %mul3A : i32
    %add3A = arith.addi %mul3A_0, %arg0 : i32
    %mul3A_1 = arith.constant 128 : i32
    %mul3A_2 = arith.muli %add3A, %mul3A_1 : i32
    "tpu.region"() ({
      %run_scoped3A = tpu.sem_alloc : memref<!tpu.dma_semaphore, #tpu.memory_space<semaphore_mem>>
      %dma_start3A_105 = arith.constant 0 : i32
      %dma_start3A_106 = tpu.memref_slice %arg3[%mul3A_2, %dma_start3A_105] : memref<4096x200xi32, #tpu.memory_space<hbm>> -> memref<128x200xi32, #tpu.memory_space<hbm>>
      %dma_start3A_107 = arith.constant 0 : i32
      %dma_start3A_108 = tpu.memref_slice %arg3[%mul3A_2, %dma_start3A_107] : memref<4096x200xi32, #tpu.memory_space<hbm>> -> memref<128x200xi32, #tpu.memory_space<hbm>>
      tpu.enqueue_dma source(%dma_start3A_108 : memref<128x200xi32, #tpu.memory_space<hbm>>) target(%arg5 : memref<128x200xi32, #tpu.memory_space<vmem>>) target_semaphore(%run_scoped3A : memref<!tpu.dma_semaphore, #tpu.memory_space<semaphore_mem>>)
      %dma_wait3A = arith.constant 0 : i32
      %dma_wait3A_109 = tpu.memref_slice %arg3[%mul3A_2, %dma_wait3A] : memref<4096x200xi32, #tpu.memory_space<hbm>> -> memref<128x200xi32, #tpu.memory_space<hbm>>
      %dma_wait3A_110 = arith.constant 0 : i32
      %dma_wait3A_111 = tpu.memref_slice %arg3[%mul3A_2, %dma_wait3A_110] : memref<4096x200xi32, #tpu.memory_space<hbm>> -> memref<128x200xi32, #tpu.memory_space<hbm>>
      tpu.wait_dma2 semaphore(%run_scoped3A : memref<!tpu.dma_semaphore, #tpu.memory_space<semaphore_mem>>) src(%dma_wait3A_111 : memref<128x200xi32, #tpu.memory_space<hbm>>) dst(%arg5 : memref<128x200xi32, #tpu.memory_space<vmem>>)
      tpu.yield
    }) : () -> ()
    %dma_start3A = arith.constant 0 : i32
    %dma_start3A_3 = arith.constant 0 : i32
    %dma_start3A_4 = arith.constant 0 : i32
    %dma_start3A_5 = arith.constant 0 : i32
    %dma_start3A_6 = tpu.memref_slice %arg6[%dma_start3A_3, %dma_start3A_4, %dma_start3A_5] : memref<4x96x64xf32, #tpu.memory_space<vmem>> -> memref<1x96x64xf32, #tpu.memory_space<vmem>>
    %dma_start3A_7 = tpu.memref_squeeze %dma_start3A_6 : memref<1x96x64xf32, #tpu.memory_space<vmem>> -> memref<96x64xf32, #tpu.memory_space<vmem>>
    %dma_start3A_8 = arith.constant 0 : i32
    %dma_start3A_9 = tpu.memref_slice %arg5[%dma_start3A, %dma_start3A_8] : memref<128x200xi32, #tpu.memory_space<vmem>> -> memref<1x96xi32, #tpu.memory_space<vmem>>
    %dma_start3A_10 = tpu.memref_squeeze %dma_start3A_9 : memref<1x96xi32, #tpu.memory_space<vmem>> -> memref<96xi32, #tpu.memory_space<vmem>>
    %dma_start3A_11 = arith.constant 0 : i32
    %dma_start3A_12 = arith.constant 0 : i32
    %dma_start3A_13 = tpu.memref_slice %arg2[%dma_start3A_11, %dma_start3A_12] : memref<1003520x64xf32, #tpu.memory_space<hbm>> -> memref<1003520x64xf32, #tpu.memory_space<hbm>>
    tpu.enqueue_indirect_dma source(%dma_start3A_13 : memref<1003520x64xf32, #tpu.memory_space<hbm>>) target(%dma_start3A_7 : memref<96x64xf32, #tpu.memory_space<vmem>>) offsets(%dma_start3A_10 : memref<96xi32, #tpu.memory_space<vmem>>) semaphore(%arg9 : memref<!tpu.dma_semaphore, #tpu.memory_space<semaphore_mem>>)
    %dma_start3A_14 = arith.constant 0 : i32
    %dma_start3A_15 = arith.constant 0 : i32
    %dma_start3A_16 = arith.constant 0 : i32
    %dma_start3A_17 = arith.constant 0 : i32
    %dma_start3A_18 = tpu.memref_slice %arg7[%dma_start3A_15, %dma_start3A_16, %dma_start3A_17] : memref<4x104x64xf32, #tpu.memory_space<vmem>> -> memref<1x104x64xf32, #tpu.memory_space<vmem>>
    %dma_start3A_19 = tpu.memref_squeeze %dma_start3A_18 : memref<1x104x64xf32, #tpu.memory_space<vmem>> -> memref<104x64xf32, #tpu.memory_space<vmem>>
    %dma_start3A_20 = arith.constant 96 : i32
    %dma_start3A_21 = tpu.memref_slice %arg5[%dma_start3A_14, %dma_start3A_20] : memref<128x200xi32, #tpu.memory_space<vmem>> -> memref<1x104xi32, #tpu.memory_space<vmem>>
    %dma_start3A_22 = tpu.memref_squeeze %dma_start3A_21 : memref<1x104xi32, #tpu.memory_space<vmem>> -> memref<104xi32, #tpu.memory_space<vmem>>
    %dma_start3A_23 = arith.constant 0 : i32
    %dma_start3A_24 = arith.constant 0 : i32
    %dma_start3A_25 = tpu.memref_slice %arg2[%dma_start3A_23, %dma_start3A_24] : memref<1003520x64xf32, #tpu.memory_space<hbm>> -> memref<1003520x64xf32, #tpu.memory_space<hbm>>
    tpu.enqueue_indirect_dma source(%dma_start3A_25 : memref<1003520x64xf32, #tpu.memory_space<hbm>>) target(%dma_start3A_19 : memref<104x64xf32, #tpu.memory_space<vmem>>) offsets(%dma_start3A_22 : memref<104xi32, #tpu.memory_space<vmem>>) semaphore(%arg10 : memref<!tpu.dma_semaphore, #tpu.memory_space<semaphore_mem>>)
    %dma_start3A_26 = arith.constant 1 : i32
    %dma_start3A_27 = arith.constant 1 : i32
    %dma_start3A_28 = arith.constant 0 : i32
    %dma_start3A_29 = arith.constant 0 : i32
    %dma_start3A_30 = tpu.memref_slice %arg6[%dma_start3A_27, %dma_start3A_28, %dma_start3A_29] : memref<4x96x64xf32, #tpu.memory_space<vmem>> -> memref<1x96x64xf32, #tpu.memory_space<vmem>>
    %dma_start3A_31 = tpu.memref_squeeze %dma_start3A_30 : memref<1x96x64xf32, #tpu.memory_space<vmem>> -> memref<96x64xf32, #tpu.memory_space<vmem>>
    %dma_start3A_32 = arith.constant 0 : i32
    %dma_start3A_33 = tpu.memref_slice %arg5[%dma_start3A_26, %dma_start3A_32] : memref<128x200xi32, #tpu.memory_space<vmem>> -> memref<1x96xi32, #tpu.memory_space<vmem>>
    %dma_start3A_34 = tpu.memref_squeeze %dma_start3A_33 : memref<1x96xi32, #tpu.memory_space<vmem>> -> memref<96xi32, #tpu.memory_space<vmem>>
    %dma_start3A_35 = arith.constant 0 : i32
    %dma_start3A_36 = arith.constant 0 : i32
    %dma_start3A_37 = tpu.memref_slice %arg2[%dma_start3A_35, %dma_start3A_36] : memref<1003520x64xf32, #tpu.memory_space<hbm>> -> memref<1003520x64xf32, #tpu.memory_space<hbm>>
    tpu.enqueue_indirect_dma source(%dma_start3A_37 : memref<1003520x64xf32, #tpu.memory_space<hbm>>) target(%dma_start3A_31 : memref<96x64xf32, #tpu.memory_space<vmem>>) offsets(%dma_start3A_34 : memref<96xi32, #tpu.memory_space<vmem>>) semaphore(%arg11 : memref<!tpu.dma_semaphore, #tpu.memory_space<semaphore_mem>>)
    %dma_start3A_38 = arith.constant 1 : i32
    %dma_start3A_39 = arith.constant 1 : i32
    %dma_start3A_40 = arith.constant 0 : i32
    %dma_start3A_41 = arith.constant 0 : i32
    %dma_start3A_42 = tpu.memref_slice %arg7[%dma_start3A_39, %dma_start3A_40, %dma_start3A_41] : memref<4x104x64xf32, #tpu.memory_space<vmem>> -> memref<1x104x64xf32, #tpu.memory_space<vmem>>
    %dma_start3A_43 = tpu.memref_squeeze %dma_start3A_42 : memref<1x104x64xf32, #tpu.memory_space<vmem>> -> memref<104x64xf32, #tpu.memory_space<vmem>>
    %dma_start3A_44 = arith.constant 96 : i32
    %dma_start3A_45 = tpu.memref_slice %arg5[%dma_start3A_38, %dma_start3A_44] : memref<128x200xi32, #tpu.memory_space<vmem>> -> memref<1x104xi32, #tpu.memory_space<vmem>>
    %dma_start3A_46 = tpu.memref_squeeze %dma_start3A_45 : memref<1x104xi32, #tpu.memory_space<vmem>> -> memref<104xi32, #tpu.memory_space<vmem>>
    %dma_start3A_47 = arith.constant 0 : i32
    %dma_start3A_48 = arith.constant 0 : i32
    %dma_start3A_49 = tpu.memref_slice %arg2[%dma_start3A_47, %dma_start3A_48] : memref<1003520x64xf32, #tpu.memory_space<hbm>> -> memref<1003520x64xf32, #tpu.memory_space<hbm>>
    tpu.enqueue_indirect_dma source(%dma_start3A_49 : memref<1003520x64xf32, #tpu.memory_space<hbm>>) target(%dma_start3A_43 : memref<104x64xf32, #tpu.memory_space<vmem>>) offsets(%dma_start3A_46 : memref<104xi32, #tpu.memory_space<vmem>>) semaphore(%arg12 : memref<!tpu.dma_semaphore, #tpu.memory_space<semaphore_mem>>)
    %dma_start3A_50 = arith.constant 2 : i32
    %dma_start3A_51 = arith.constant 2 : i32
    %dma_start3A_52 = arith.constant 0 : i32
    %dma_start3A_53 = arith.constant 0 : i32
    %dma_start3A_54 = tpu.memref_slice %arg6[%dma_start3A_51, %dma_start3A_52, %dma_start3A_53] : memref<4x96x64xf32, #tpu.memory_space<vmem>> -> memref<1x96x64xf32, #tpu.memory_space<vmem>>
    %dma_start3A_55 = tpu.memref_squeeze %dma_start3A_54 : memref<1x96x64xf32, #tpu.memory_space<vmem>> -> memref<96x64xf32, #tpu.memory_space<vmem>>
    %dma_start3A_56 = arith.constant 0 : i32
    %dma_start3A_57 = tpu.memref_slice %arg5[%dma_start3A_50, %dma_start3A_56] : memref<128x200xi32, #tpu.memory_space<vmem>> -> memref<1x96xi32, #tpu.memory_space<vmem>>
    %dma_start3A_58 = tpu.memref_squeeze %dma_start3A_57 : memref<1x96xi32, #tpu.memory_space<vmem>> -> memref<96xi32, #tpu.memory_space<vmem>>
    %dma_start3A_59 = arith.constant 0 : i32
    %dma_start3A_60 = arith.constant 0 : i32
    %dma_start3A_61 = tpu.memref_slice %arg2[%dma_start3A_59, %dma_start3A_60] : memref<1003520x64xf32, #tpu.memory_space<hbm>> -> memref<1003520x64xf32, #tpu.memory_space<hbm>>
    tpu.enqueue_indirect_dma source(%dma_start3A_61 : memref<1003520x64xf32, #tpu.memory_space<hbm>>) target(%dma_start3A_55 : memref<96x64xf32, #tpu.memory_space<vmem>>) offsets(%dma_start3A_58 : memref<96xi32, #tpu.memory_space<vmem>>) semaphore(%arg13 : memref<!tpu.dma_semaphore, #tpu.memory_space<semaphore_mem>>)
    %dma_start3A_62 = arith.constant 2 : i32
    %dma_start3A_63 = arith.constant 2 : i32
    %dma_start3A_64 = arith.constant 0 : i32
    %dma_start3A_65 = arith.constant 0 : i32
    %dma_start3A_66 = tpu.memref_slice %arg7[%dma_start3A_63, %dma_start3A_64, %dma_start3A_65] : memref<4x104x64xf32, #tpu.memory_space<vmem>> -> memref<1x104x64xf32, #tpu.memory_space<vmem>>
    %dma_start3A_67 = tpu.memref_squeeze %dma_start3A_66 : memref<1x104x64xf32, #tpu.memory_space<vmem>> -> memref<104x64xf32, #tpu.memory_space<vmem>>
    %dma_start3A_68 = arith.constant 96 : i32
    %dma_start3A_69 = tpu.memref_slice %arg5[%dma_start3A_62, %dma_start3A_68] : memref<128x200xi32, #tpu.memory_space<vmem>> -> memref<1x104xi32, #tpu.memory_space<vmem>>
    %dma_start3A_70 = tpu.memref_squeeze %dma_start3A_69 : memref<1x104xi32, #tpu.memory_space<vmem>> -> memref<104xi32, #tpu.memory_space<vmem>>
    %dma_start3A_71 = arith.constant 0 : i32
    %dma_start3A_72 = arith.constant 0 : i32
    %dma_start3A_73 = tpu.memref_slice %arg2[%dma_start3A_71, %dma_start3A_72] : memref<1003520x64xf32, #tpu.memory_space<hbm>> -> memref<1003520x64xf32, #tpu.memory_space<hbm>>
    tpu.enqueue_indirect_dma source(%dma_start3A_73 : memref<1003520x64xf32, #tpu.memory_space<hbm>>) target(%dma_start3A_67 : memref<104x64xf32, #tpu.memory_space<vmem>>) offsets(%dma_start3A_70 : memref<104xi32, #tpu.memory_space<vmem>>) semaphore(%arg14 : memref<!tpu.dma_semaphore, #tpu.memory_space<semaphore_mem>>)
    %dma_start3A_74 = arith.constant 3 : i32
    %dma_start3A_75 = arith.constant 3 : i32
    %dma_start3A_76 = arith.constant 0 : i32
    %dma_start3A_77 = arith.constant 0 : i32
    %dma_start3A_78 = tpu.memref_slice %arg6[%dma_start3A_75, %dma_start3A_76, %dma_start3A_77] : memref<4x96x64xf32, #tpu.memory_space<vmem>> -> memref<1x96x64xf32, #tpu.memory_space<vmem>>
    %dma_start3A_79 = tpu.memref_squeeze %dma_start3A_78 : memref<1x96x64xf32, #tpu.memory_space<vmem>> -> memref<96x64xf32, #tpu.memory_space<vmem>>
    %dma_start3A_80 = arith.constant 0 : i32
    %dma_start3A_81 = tpu.memref_slice %arg5[%dma_start3A_74, %dma_start3A_80] : memref<128x200xi32, #tpu.memory_space<vmem>> -> memref<1x96xi32, #tpu.memory_space<vmem>>
    %dma_start3A_82 = tpu.memref_squeeze %dma_start3A_81 : memref<1x96xi32, #tpu.memory_space<vmem>> -> memref<96xi32, #tpu.memory_space<vmem>>
    %dma_start3A_83 = arith.constant 0 : i32
    %dma_start3A_84 = arith.constant 0 : i32
    %dma_start3A_85 = tpu.memref_slice %arg2[%dma_start3A_83, %dma_start3A_84] : memref<1003520x64xf32, #tpu.memory_space<hbm>> -> memref<1003520x64xf32, #tpu.memory_space<hbm>>
    tpu.enqueue_indirect_dma source(%dma_start3A_85 : memref<1003520x64xf32, #tpu.memory_space<hbm>>) target(%dma_start3A_79 : memref<96x64xf32, #tpu.memory_space<vmem>>) offsets(%dma_start3A_82 : memref<96xi32, #tpu.memory_space<vmem>>) semaphore(%arg15 : memref<!tpu.dma_semaphore, #tpu.memory_space<semaphore_mem>>)
    %dma_start3A_86 = arith.constant 3 : i32
    %dma_start3A_87 = arith.constant 3 : i32
    %dma_start3A_88 = arith.constant 0 : i32
    %dma_start3A_89 = arith.constant 0 : i32
    %dma_start3A_90 = tpu.memref_slice %arg7[%dma_start3A_87, %dma_start3A_88, %dma_start3A_89] : memref<4x104x64xf32, #tpu.memory_space<vmem>> -> memref<1x104x64xf32, #tpu.memory_space<vmem>>
    %dma_start3A_91 = tpu.memref_squeeze %dma_start3A_90 : memref<1x104x64xf32, #tpu.memory_space<vmem>> -> memref<104x64xf32, #tpu.memory_space<vmem>>
    %dma_start3A_92 = arith.constant 96 : i32
    %dma_start3A_93 = tpu.memref_slice %arg5[%dma_start3A_86, %dma_start3A_92] : memref<128x200xi32, #tpu.memory_space<vmem>> -> memref<1x104xi32, #tpu.memory_space<vmem>>
    %dma_start3A_94 = tpu.memref_squeeze %dma_start3A_93 : memref<1x104xi32, #tpu.memory_space<vmem>> -> memref<104xi32, #tpu.memory_space<vmem>>
    %dma_start3A_95 = arith.constant 0 : i32
    %dma_start3A_96 = arith.constant 0 : i32
    %dma_start3A_97 = tpu.memref_slice %arg2[%dma_start3A_95, %dma_start3A_96] : memref<1003520x64xf32, #tpu.memory_space<hbm>> -> memref<1003520x64xf32, #tpu.memory_space<hbm>>
    tpu.enqueue_indirect_dma source(%dma_start3A_97 : memref<1003520x64xf32, #tpu.memory_space<hbm>>) target(%dma_start3A_91 : memref<104x64xf32, #tpu.memory_space<vmem>>) offsets(%dma_start3A_94 : memref<104xi32, #tpu.memory_space<vmem>>) semaphore(%arg16 : memref<!tpu.dma_semaphore, #tpu.memory_space<semaphore_mem>>)
    %scan3A = arith.constant 0 : i32
    %scan3A_98 = arith.constant 0 : i32
    %scan3A_99 = arith.constant 32 : i32
    %scan3A_100 = arith.addi %scan3A_98, %scan3A_99 : i32
    %scan3A_101 = arith.constant 1 : i32
    scf.for %scan3A_105 = %scan3A_98 to %scan3A_100 step %scan3A_101  : i32 {
      %mul3A_106 = arith.constant 4 : i32
      %mul3A_107 = arith.muli %mul3A_106, %scan3A_105 : i32
      %add3A_108 = arith.constant 0 : i32
      %add3A_109 = arith.addi %mul3A_107, %add3A_108 : i32
      %broadcast_in_dim3A = arith.constant 0.000000e+00 : f32
      %broadcast_in_dim3A_110 = vector.broadcast %broadcast_in_dim3A : f32 to vector<16xf32>
      %dma_wait3A = arith.constant 0 : i32
      %dma_wait3A_111 = arith.constant 0 : i32
      %dma_wait3A_112 = arith.constant 0 : i32
      %dma_wait3A_113 = tpu.memref_slice %arg6[%dma_wait3A, %dma_wait3A_111, %dma_wait3A_112] : memref<4x96x64xf32, #tpu.memory_space<vmem>> -> memref<1x96x64xf32, #tpu.memory_space<vmem>>
      %dma_wait3A_114 = tpu.memref_squeeze %dma_wait3A_113 : memref<1x96x64xf32, #tpu.memory_space<vmem>> -> memref<96x64xf32, #tpu.memory_space<vmem>>
      %dma_wait3A_115 = arith.constant 0 : i32
      %dma_wait3A_116 = tpu.memref_slice %arg5[%add3A_109, %dma_wait3A_115] : memref<128x200xi32, #tpu.memory_space<vmem>> -> memref<1x96xi32, #tpu.memory_space<vmem>>
      %dma_wait3A_117 = tpu.memref_squeeze %dma_wait3A_116 : memref<1x96xi32, #tpu.memory_space<vmem>> -> memref<96xi32, #tpu.memory_space<vmem>>
      %dma_wait3A_118 = arith.constant 0 : i32
      %dma_wait3A_119 = arith.constant 0 : i32
      %dma_wait3A_120 = tpu.memref_slice %arg2[%dma_wait3A_118, %dma_wait3A_119] : memref<1003520x64xf32, #tpu.memory_space<hbm>> -> memref<1003520x64xf32, #tpu.memory_space<hbm>>
      tpu.wait_indirect_dma semaphore(%arg9 : memref<!tpu.dma_semaphore, #tpu.memory_space<semaphore_mem>>) src(%dma_wait3A_120 : memref<1003520x64xf32, #tpu.memory_space<hbm>>) dst(%dma_wait3A_114 : memref<96x64xf32, #tpu.memory_space<vmem>>)
      %scan3A_121 = arith.constant 0 : i32
      %scan3A_122 = arith.constant 0 : i32
      %scan3A_123 = arith.constant 96 : i32
      %scan3A_124 = arith.addi %scan3A_122, %scan3A_123 : i32
      %scan3A_125 = arith.constant 4 : i32
      %scan3A_126:4 = scf.for %scan3A_404 = %scan3A_122 to %scan3A_124 step %scan3A_125 iter_args(%scan3A_405 = %broadcast_in_dim3A_110, %scan3A_406 = %broadcast_in_dim3A_110, %scan3A_407 = %broadcast_in_dim3A_110, %scan3A_408 = %broadcast_in_dim3A_110) -> (vector<16xf32>, vector<16xf32>, vector<16xf32>, vector<16xf32>)  : i32 {
        %get3A = arith.constant 0 : i32
        %get3A_409 = arith.constant 0 : i32
        %get3A_410 = tpu.memref_slice %arg6[%scan3A_121, %get3A, %get3A_409] : memref<4x96x64xf32, #tpu.memory_space<vmem>> -> memref<1x96x64xf32, #tpu.memory_space<vmem>>
        %get3A_411 = tpu.memref_squeeze %get3A_410 : memref<1x96x64xf32, #tpu.memory_space<vmem>> -> memref<96x64xf32, #tpu.memory_space<vmem>>
        %get3A_412 = arith.index_cast %scan3A_404 : i32 to index
        %get3A_413 = arith.constant 0 : index
        %get3A_414 = tpu.vector_load %get3A_411[%get3A_412, %get3A_413] {strides = array<i32>} : memref<96x64xf32, #tpu.memory_space<vmem>>, vector<1x16xf32>,
        %get3A_415 = vector.shape_cast %get3A_414 : vector<1x16xf32> to vector<16xf32>
        %add3A_416 = arith.addf %scan3A_405, %get3A_415 : vector<16xf32>
        %get3A_417 = arith.constant 0 : i32
        %get3A_418 = arith.constant 0 : i32
        %get3A_419 = tpu.memref_slice %arg6[%scan3A_121, %get3A_417, %get3A_418] : memref<4x96x64xf32, #tpu.memory_space<vmem>> -> memref<1x96x64xf32, #tpu.memory_space<vmem>>
        %get3A_420 = tpu.memref_squeeze %get3A_419 : memref<1x96x64xf32, #tpu.memory_space<vmem>> -> memref<96x64xf32, #tpu.memory_space<vmem>>
        %get3A_421 = arith.index_cast %scan3A_404 : i32 to index
        %get3A_422 = arith.constant 16 : index
        %get3A_423 = tpu.vector_load %get3A_420[%get3A_421, %get3A_422] {strides = array<i32>} : memref<96x64xf32, #tpu.memory_space<vmem>>, vector<1x16xf32>,
        %get3A_424 = vector.shape_cast %get3A_423 : vector<1x16xf32> to vector<16xf32>
        %add3A_425 = arith.addf %scan3A_406, %get3A_424 : vector<16xf32>
        %get3A_426 = arith.constant 0 : i32
        %get3A_427 = arith.constant 0 : i32
        %get3A_428 = tpu.memref_slice %arg6[%scan3A_121, %get3A_426, %get3A_427] : memref<4x96x64xf32, #tpu.memory_space<vmem>> -> memref<1x96x64xf32, #tpu.memory_space<vmem>>
        %get3A_429 = tpu.memref_squeeze %get3A_428 : memref<1x96x64xf32, #tpu.memory_space<vmem>> -> memref<96x64xf32, #tpu.memory_space<vmem>>
        %get3A_430 = arith.index_cast %scan3A_404 : i32 to index
        %get3A_431 = arith.constant 32 : index
        %get3A_432 = tpu.vector_load %get3A_429[%get3A_430, %get3A_431] {strides = array<i32>} : memref<96x64xf32, #tpu.memory_space<vmem>>, vector<1x16xf32>,
        %get3A_433 = vector.shape_cast %get3A_432 : vector<1x16xf32> to vector<16xf32>
        %add3A_434 = arith.addf %scan3A_407, %get3A_433 : vector<16xf32>
        %get3A_435 = arith.constant 0 : i32
        %get3A_436 = arith.constant 0 : i32
        %get3A_437 = tpu.memref_slice %arg6[%scan3A_121, %get3A_435, %get3A_436] : memref<4x96x64xf32, #tpu.memory_space<vmem>> -> memref<1x96x64xf32, #tpu.memory_space<vmem>>
        %get3A_438 = tpu.memref_squeeze %get3A_437 : memref<1x96x64xf32, #tpu.memory_space<vmem>> -> memref<96x64xf32, #tpu.memory_space<vmem>>
        %get3A_439 = arith.index_cast %scan3A_404 : i32 to index
        %get3A_440 = arith.constant 48 : index
        %get3A_441 = tpu.vector_load %get3A_438[%get3A_439, %get3A_440] {strides = array<i32>} : memref<96x64xf32, #tpu.memory_space<vmem>>, vector<1x16xf32>,
        %get3A_442 = vector.shape_cast %get3A_441 : vector<1x16xf32> to vector<16xf32>
        %add3A_443 = arith.addf %scan3A_408, %get3A_442 : vector<16xf32>
        %scan3A_444 = arith.constant 1 : i32
        %scan3A_445 = arith.addi %scan3A_404, %scan3A_444 : i32
        %get3A_446 = arith.constant 0 : i32
        %get3A_447 = arith.constant 0 : i32
        %get3A_448 = tpu.memref_slice %arg6[%scan3A_121, %get3A_446, %get3A_447] : memref<4x96x64xf32, #tpu.memory_space<vmem>> -> memref<1x96x64xf32, #tpu.memory_space<vmem>>
        %get3A_449 = tpu.memref_squeeze %get3A_448 : memref<1x96x64xf32, #tpu.memory_space<vmem>> -> memref<96x64xf32, #tpu.memory_space<vmem>>
        %get3A_450 = arith.index_cast %scan3A_445 : i32 to index
        %get3A_451 = arith.constant 0 : index
        %get3A_452 = tpu.vector_load %get3A_449[%get3A_450, %get3A_451] {strides = array<i32>} : memref<96x64xf32, #tpu.memory_space<vmem>>, vector<1x16xf32>,
        %get3A_453 = vector.shape_cast %get3A_452 : vector<1x16xf32> to vector<16xf32>
        %add3A_454 = arith.addf %add3A_416, %get3A_453 : vector<16xf32>
        %get3A_455 = arith.constant 0 : i32
        %get3A_456 = arith.constant 0 : i32
        %get3A_457 = tpu.memref_slice %arg6[%scan3A_121, %get3A_455, %get3A_456] : memref<4x96x64xf32, #tpu.memory_space<vmem>> -> memref<1x96x64xf32, #tpu.memory_space<vmem>>
        %get3A_458 = tpu.memref_squeeze %get3A_457 : memref<1x96x64xf32, #tpu.memory_space<vmem>> -> memref<96x64xf32, #tpu.memory_space<vmem>>
        %get3A_459 = arith.index_cast %scan3A_445 : i32 to index
        %get3A_460 = arith.constant 16 : index
        %get3A_461 = tpu.vector_load %get3A_458[%get3A_459, %get3A_460] {strides = array<i32>} : memref<96x64xf32, #tpu.memory_space<vmem>>, vector<1x16xf32>,
        %get3A_462 = vector.shape_cast %get3A_461 : vector<1x16xf32> to vector<16xf32>
        %add3A_463 = arith.addf %add3A_425, %get3A_462 : vector<16xf32>
        %get3A_464 = arith.constant 0 : i32
        %get3A_465 = arith.constant 0 : i32
        %get3A_466 = tpu.memref_slice %arg6[%scan3A_121, %get3A_464, %get3A_465] : memref<4x96x64xf32, #tpu.memory_space<vmem>> -> memref<1x96x64xf32, #tpu.memory_space<vmem>>
        %get3A_467 = tpu.memref_squeeze %get3A_466 : memref<1x96x64xf32, #tpu.memory_space<vmem>> -> memref<96x64xf32, #tpu.memory_space<vmem>>
        %get3A_468 = arith.index_cast %scan3A_445 : i32 to index
        %get3A_469 = arith.constant 32 : index
        %get3A_470 = tpu.vector_load %get3A_467[%get3A_468, %get3A_469] {strides = array<i32>} : memref<96x64xf32, #tpu.memory_space<vmem>>, vector<1x16xf32>,
        %get3A_471 = vector.shape_cast %get3A_470 : vector<1x16xf32> to vector<16xf32>
        %add3A_472 = arith.addf %add3A_434, %get3A_471 : vector<16xf32>
        %get3A_473 = arith.constant 0 : i32
        %get3A_474 = arith.constant 0 : i32
        %get3A_475 = tpu.memref_slice %arg6[%scan3A_121, %get3A_473, %get3A_474] : memref<4x96x64xf32, #tpu.memory_space<vmem>> -> memref<1x96x64xf32, #tpu.memory_space<vmem>>
        %get3A_476 = tpu.memref_squeeze %get3A_475 : memref<1x96x64xf32, #tpu.memory_space<vmem>> -> memref<96x64xf32, #tpu.memory_space<vmem>>
        %get3A_477 = arith.index_cast %scan3A_445 : i32 to index
        %get3A_478 = arith.constant 48 : index
        %get3A_479 = tpu.vector_load %get3A_476[%get3A_477, %get3A_478] {strides = array<i32>} : memref<96x64xf32, #tpu.memory_space<vmem>>, vector<1x16xf32>,
        %get3A_480 = vector.shape_cast %get3A_479 : vector<1x16xf32> to vector<16xf32>
        %add3A_481 = arith.addf %add3A_443, %get3A_480 : vector<16xf32>
        %scan3A_482 = arith.constant 2 : i32
        %scan3A_483 = arith.addi %scan3A_404, %scan3A_482 : i32
        %get3A_484 = arith.constant 0 : i32
        %get3A_485 = arith.constant 0 : i32
        %get3A_486 = tpu.memref_slice %arg6[%scan3A_121, %get3A_484, %get3A_485] : memref<4x96x64xf32, #tpu.memory_space<vmem>> -> memref<1x96x64xf32, #tpu.memory_space<vmem>>
        %get3A_487 = tpu.memref_squeeze %get3A_486 : memref<1x96x64xf32, #tpu.memory_space<vmem>> -> memref<96x64xf32, #tpu.memory_space<vmem>>
        %get3A_488 = arith.index_cast %scan3A_483 : i32 to index
        %get3A_489 = arith.constant 0 : index
        %get3A_490 = tpu.vector_load %get3A_487[%get3A_488, %get3A_489] {strides = array<i32>} : memref<96x64xf32, #tpu.memory_space<vmem>>, vector<1x16xf32>,
        %get3A_491 = vector.shape_cast %get3A_490 : vector<1x16xf32> to vector<16xf32>
        %add3A_492 = arith.addf %add3A_454, %get3A_491 : vector<16xf32>
        %get3A_493 = arith.constant 0 : i32
        %get3A_494 = arith.constant 0 : i32
        %get3A_495 = tpu.memref_slice %arg6[%scan3A_121, %get3A_493, %get3A_494] : memref<4x96x64xf32, #tpu.memory_space<vmem>> -> memref<1x96x64xf32, #tpu.memory_space<vmem>>
        %get3A_496 = tpu.memref_squeeze %get3A_495 : memref<1x96x64xf32, #tpu.memory_space<vmem>> -> memref<96x64xf32, #tpu.memory_space<vmem>>
        %get3A_497 = arith.index_cast %scan3A_483 : i32 to index
        %get3A_498 = arith.constant 16 : index
        %get3A_499 = tpu.vector_load %get3A_496[%get3A_497, %get3A_498] {strides = array<i32>} : memref<96x64xf32, #tpu.memory_space<vmem>>, vector<1x16xf32>,
        %get3A_500 = vector.shape_cast %get3A_499 : vector<1x16xf32> to vector<16xf32>
        %add3A_501 = arith.addf %add3A_463, %get3A_500 : vector<16xf32>
        %get3A_502 = arith.constant 0 : i32
        %get3A_503 = arith.constant 0 : i32
        %get3A_504 = tpu.memref_slice %arg6[%scan3A_121, %get3A_502, %get3A_503] : memref<4x96x64xf32, #tpu.memory_space<vmem>> -> memref<1x96x64xf32, #tpu.memory_space<vmem>>
        %get3A_505 = tpu.memref_squeeze %get3A_504 : memref<1x96x64xf32, #tpu.memory_space<vmem>> -> memref<96x64xf32, #tpu.memory_space<vmem>>
        %get3A_506 = arith.index_cast %scan3A_483 : i32 to index
        %get3A_507 = arith.constant 32 : index
        %get3A_508 = tpu.vector_load %get3A_505[%get3A_506, %get3A_507] {strides = array<i32>} : memref<96x64xf32, #tpu.memory_space<vmem>>, vector<1x16xf32>,
        %get3A_509 = vector.shape_cast %get3A_508 : vector<1x16xf32> to vector<16xf32>
        %add3A_510 = arith.addf %add3A_472, %get3A_509 : vector<16xf32>
        %get3A_511 = arith.constant 0 : i32
        %get3A_512 = arith.constant 0 : i32
        %get3A_513 = tpu.memref_slice %arg6[%scan3A_121, %get3A_511, %get3A_512] : memref<4x96x64xf32, #tpu.memory_space<vmem>> -> memref<1x96x64xf32, #tpu.memory_space<vmem>>
        %get3A_514 = tpu.memref_squeeze %get3A_513 : memref<1x96x64xf32, #tpu.memory_space<vmem>> -> memref<96x64xf32, #tpu.memory_space<vmem>>
        %get3A_515 = arith.index_cast %scan3A_483 : i32 to index
        %get3A_516 = arith.constant 48 : index
        %get3A_517 = tpu.vector_load %get3A_514[%get3A_515, %get3A_516] {strides = array<i32>} : memref<96x64xf32, #tpu.memory_space<vmem>>, vector<1x16xf32>,
        %get3A_518 = vector.shape_cast %get3A_517 : vector<1x16xf32> to vector<16xf32>
        %add3A_519 = arith.addf %add3A_481, %get3A_518 : vector<16xf32>
        %scan3A_520 = arith.constant 3 : i32
        %scan3A_521 = arith.addi %scan3A_404, %scan3A_520 : i32
        %get3A_522 = arith.constant 0 : i32
        %get3A_523 = arith.constant 0 : i32
        %get3A_524 = tpu.memref_slice %arg6[%scan3A_121, %get3A_522, %get3A_523] : memref<4x96x64xf32, #tpu.memory_space<vmem>> -> memref<1x96x64xf32, #tpu.memory_space<vmem>>
        %get3A_525 = tpu.memref_squeeze %get3A_524 : memref<1x96x64xf32, #tpu.memory_space<vmem>> -> memref<96x64xf32, #tpu.memory_space<vmem>>
        %get3A_526 = arith.index_cast %scan3A_521 : i32 to index
        %get3A_527 = arith.constant 0 : index
        %get3A_528 = tpu.vector_load %get3A_525[%get3A_526, %get3A_527] {strides = array<i32>} : memref<96x64xf32, #tpu.memory_space<vmem>>, vector<1x16xf32>,
        %get3A_529 = vector.shape_cast %get3A_528 : vector<1x16xf32> to vector<16xf32>
        %add3A_530 = arith.addf %add3A_492, %get3A_529 : vector<16xf32>
        %get3A_531 = arith.constant 0 : i32
        %get3A_532 = arith.constant 0 : i32
        %get3A_533 = tpu.memref_slice %arg6[%scan3A_121, %get3A_531, %get3A_532] : memref<4x96x64xf32, #tpu.memory_space<vmem>> -> memref<1x96x64xf32, #tpu.memory_space<vmem>>
        %get3A_534 = tpu.memref_squeeze %get3A_533 : memref<1x96x64xf32, #tpu.memory_space<vmem>> -> memref<96x64xf32, #tpu.memory_space<vmem>>
        %get3A_535 = arith.index_cast %scan3A_521 : i32 to index
        %get3A_536 = arith.constant 16 : index
        %get3A_537 = tpu.vector_load %get3A_534[%get3A_535, %get3A_536] {strides = array<i32>} : memref<96x64xf32, #tpu.memory_space<vmem>>, vector<1x16xf32>,
        %get3A_538 = vector.shape_cast %get3A_537 : vector<1x16xf32> to vector<16xf32>
        %add3A_539 = arith.addf %add3A_501, %get3A_538 : vector<16xf32>
        %get3A_540 = arith.constant 0 : i32
        %get3A_541 = arith.constant 0 : i32
        %get3A_542 = tpu.memref_slice %arg6[%scan3A_121, %get3A_540, %get3A_541] : memref<4x96x64xf32, #tpu.memory_space<vmem>> -> memref<1x96x64xf32, #tpu.memory_space<vmem>>
        %get3A_543 = tpu.memref_squeeze %get3A_542 : memref<1x96x64xf32, #tpu.memory_space<vmem>> -> memref<96x64xf32, #tpu.memory_space<vmem>>
        %get3A_544 = arith.index_cast %scan3A_521 : i32 to index
        %get3A_545 = arith.constant 32 : index
        %get3A_546 = tpu.vector_load %get3A_543[%get3A_544, %get3A_545] {strides = array<i32>} : memref<96x64xf32, #tpu.memory_space<vmem>>, vector<1x16xf32>,
        %get3A_547 = vector.shape_cast %get3A_546 : vector<1x16xf32> to vector<16xf32>
        %add3A_548 = arith.addf %add3A_510, %get3A_547 : vector<16xf32>
        %get3A_549 = arith.constant 0 : i32
        %get3A_550 = arith.constant 0 : i32
        %get3A_551 = tpu.memref_slice %arg6[%scan3A_121, %get3A_549, %get3A_550] : memref<4x96x64xf32, #tpu.memory_space<vmem>> -> memref<1x96x64xf32, #tpu.memory_space<vmem>>
        %get3A_552 = tpu.memref_squeeze %get3A_551 : memref<1x96x64xf32, #tpu.memory_space<vmem>> -> memref<96x64xf32, #tpu.memory_space<vmem>>
        %get3A_553 = arith.index_cast %scan3A_521 : i32 to index
        %get3A_554 = arith.constant 48 : index
        %get3A_555 = tpu.vector_load %get3A_552[%get3A_553, %get3A_554] {strides = array<i32>} : memref<96x64xf32, #tpu.memory_space<vmem>>, vector<1x16xf32>,
        %get3A_556 = vector.shape_cast %get3A_555 : vector<1x16xf32> to vector<16xf32>
        %add3A_557 = arith.addf %add3A_519, %get3A_556 : vector<16xf32>
        scf.yield %add3A_530, %add3A_539, %add3A_548, %add3A_557 : vector<16xf32>, vector<16xf32>, vector<16xf32>, vector<16xf32>
      }
      %scan3A_127 = arith.constant 96 : i32
      %add3A_128 = arith.constant 4 : i32
      %add3A_129 = arith.addi %add3A_109, %add3A_128 : i32
      %lt3A = arith.constant 128 : i32
      %lt3A_130 = arith.cmpi slt, %add3A_129, %lt3A : i32
      %convert_element_type3A = arith.extui %lt3A_130 : i1 to i32
      %cond3A = arith.constant 0 : i32
      %cond3A_131 = arith.cmpi ne, %convert_element_type3A, %cond3A : i32
      scf.if %cond3A_131 {
        %add3A_404 = arith.constant 4 : i32
        %add3A_405 = arith.addi %add3A_109, %add3A_404 : i32
        %dma_start3A_406 = arith.constant 0 : i32
        %dma_start3A_407 = arith.constant 0 : i32
        %dma_start3A_408 = arith.constant 0 : i32
        %dma_start3A_409 = tpu.memref_slice %arg6[%dma_start3A_406, %dma_start3A_407, %dma_start3A_408] : memref<4x96x64xf32, #tpu.memory_space<vmem>> -> memref<1x96x64xf32, #tpu.memory_space<vmem>>
        %dma_start3A_410 = tpu.memref_squeeze %dma_start3A_409 : memref<1x96x64xf32, #tpu.memory_space<vmem>> -> memref<96x64xf32, #tpu.memory_space<vmem>>
        %dma_start3A_411 = arith.constant 0 : i32
        %dma_start3A_412 = tpu.memref_slice %arg5[%add3A_405, %dma_start3A_411] : memref<128x200xi32, #tpu.memory_space<vmem>> -> memref<1x96xi32, #tpu.memory_space<vmem>>
        %dma_start3A_413 = tpu.memref_squeeze %dma_start3A_412 : memref<1x96xi32, #tpu.memory_space<vmem>> -> memref<96xi32, #tpu.memory_space<vmem>>
        %dma_start3A_414 = arith.constant 0 : i32
        %dma_start3A_415 = arith.constant 0 : i32
        %dma_start3A_416 = tpu.memref_slice %arg2[%dma_start3A_414, %dma_start3A_415] : memref<1003520x64xf32, #tpu.memory_space<hbm>> -> memref<1003520x64xf32, #tpu.memory_space<hbm>>
        tpu.enqueue_indirect_dma source(%dma_start3A_416 : memref<1003520x64xf32, #tpu.memory_space<hbm>>) target(%dma_start3A_410 : memref<96x64xf32, #tpu.memory_space<vmem>>) offsets(%dma_start3A_413 : memref<96xi32, #tpu.memory_space<vmem>>) semaphore(%arg9 : memref<!tpu.dma_semaphore, #tpu.memory_space<semaphore_mem>>)
      } else {
      }
      %dma_wait3A_132 = arith.constant 0 : i32
      %dma_wait3A_133 = arith.constant 0 : i32
      %dma_wait3A_134 = arith.constant 0 : i32
      %dma_wait3A_135 = tpu.memref_slice %arg7[%dma_wait3A_132, %dma_wait3A_133, %dma_wait3A_134] : memref<4x104x64xf32, #tpu.memory_space<vmem>> -> memref<1x104x64xf32, #tpu.memory_space<vmem>>
      %dma_wait3A_136 = tpu.memref_squeeze %dma_wait3A_135 : memref<1x104x64xf32, #tpu.memory_space<vmem>> -> memref<104x64xf32, #tpu.memory_space<vmem>>
      %dma_wait3A_137 = arith.constant 96 : i32
      %dma_wait3A_138 = tpu.memref_slice %arg5[%add3A_109, %dma_wait3A_137] : memref<128x200xi32, #tpu.memory_space<vmem>> -> memref<1x104xi32, #tpu.memory_space<vmem>>
      %dma_wait3A_139 = tpu.memref_squeeze %dma_wait3A_138 : memref<1x104xi32, #tpu.memory_space<vmem>> -> memref<104xi32, #tpu.memory_space<vmem>>
      %dma_wait3A_140 = arith.constant 0 : i32
      %dma_wait3A_141 = arith.constant 0 : i32
      %dma_wait3A_142 = tpu.memref_slice %arg2[%dma_wait3A_140, %dma_wait3A_141] : memref<1003520x64xf32, #tpu.memory_space<hbm>> -> memref<1003520x64xf32, #tpu.memory_space<hbm>>
      tpu.wait_indirect_dma semaphore(%arg10 : memref<!tpu.dma_semaphore, #tpu.memory_space<semaphore_mem>>) src(%dma_wait3A_142 : memref<1003520x64xf32, #tpu.memory_space<hbm>>) dst(%dma_wait3A_136 : memref<104x64xf32, #tpu.memory_space<vmem>>)
      %scan3A_143 = arith.constant 0 : i32
      %scan3A_144 = arith.constant 0 : i32
      %scan3A_145 = arith.constant 104 : i32
      %scan3A_146 = arith.addi %scan3A_144, %scan3A_145 : i32
      %scan3A_147 = arith.constant 4 : i32
      %scan3A_148:4 = scf.for %scan3A_404 = %scan3A_144 to %scan3A_146 step %scan3A_147 iter_args(%scan3A_405 = %scan3A_126#0, %scan3A_406 = %scan3A_126#1, %scan3A_407 = %scan3A_126#2, %scan3A_408 = %scan3A_126#3) -> (vector<16xf32>, vector<16xf32>, vector<16xf32>, vector<16xf32>)  : i32 {
        %get3A = arith.constant 0 : i32
        %get3A_409 = arith.constant 0 : i32
        %get3A_410 = tpu.memref_slice %arg7[%scan3A_143, %get3A, %get3A_409] : memref<4x104x64xf32, #tpu.memory_space<vmem>> -> memref<1x104x64xf32, #tpu.memory_space<vmem>>
        %get3A_411 = tpu.memref_squeeze %get3A_410 : memref<1x104x64xf32, #tpu.memory_space<vmem>> -> memref<104x64xf32, #tpu.memory_space<vmem>>
        %get3A_412 = arith.index_cast %scan3A_404 : i32 to index
        %get3A_413 = arith.constant 0 : index
        %get3A_414 = tpu.vector_load %get3A_411[%get3A_412, %get3A_413] {strides = array<i32>} : memref<104x64xf32, #tpu.memory_space<vmem>>, vector<1x16xf32>,
        %get3A_415 = vector.shape_cast %get3A_414 : vector<1x16xf32> to vector<16xf32>
        %add3A_416 = arith.addf %scan3A_405, %get3A_415 : vector<16xf32>
        %get3A_417 = arith.constant 0 : i32
        %get3A_418 = arith.constant 0 : i32
        %get3A_419 = tpu.memref_slice %arg7[%scan3A_143, %get3A_417, %get3A_418] : memref<4x104x64xf32, #tpu.memory_space<vmem>> -> memref<1x104x64xf32, #tpu.memory_space<vmem>>
        %get3A_420 = tpu.memref_squeeze %get3A_419 : memref<1x104x64xf32, #tpu.memory_space<vmem>> -> memref<104x64xf32, #tpu.memory_space<vmem>>
        %get3A_421 = arith.index_cast %scan3A_404 : i32 to index
        %get3A_422 = arith.constant 16 : index
        %get3A_423 = tpu.vector_load %get3A_420[%get3A_421, %get3A_422] {strides = array<i32>} : memref<104x64xf32, #tpu.memory_space<vmem>>, vector<1x16xf32>,
        %get3A_424 = vector.shape_cast %get3A_423 : vector<1x16xf32> to vector<16xf32>
        %add3A_425 = arith.addf %scan3A_406, %get3A_424 : vector<16xf32>
        %get3A_426 = arith.constant 0 : i32
        %get3A_427 = arith.constant 0 : i32
        %get3A_428 = tpu.memref_slice %arg7[%scan3A_143, %get3A_426, %get3A_427] : memref<4x104x64xf32, #tpu.memory_space<vmem>> -> memref<1x104x64xf32, #tpu.memory_space<vmem>>
        %get3A_429 = tpu.memref_squeeze %get3A_428 : memref<1x104x64xf32, #tpu.memory_space<vmem>> -> memref<104x64xf32, #tpu.memory_space<vmem>>
        %get3A_430 = arith.index_cast %scan3A_404 : i32 to index
        %get3A_431 = arith.constant 32 : index
        %get3A_432 = tpu.vector_load %get3A_429[%get3A_430, %get3A_431] {strides = array<i32>} : memref<104x64xf32, #tpu.memory_space<vmem>>, vector<1x16xf32>,
        %get3A_433 = vector.shape_cast %get3A_432 : vector<1x16xf32> to vector<16xf32>
        %add3A_434 = arith.addf %scan3A_407, %get3A_433 : vector<16xf32>
        %get3A_435 = arith.constant 0 : i32
        %get3A_436 = arith.constant 0 : i32
        %get3A_437 = tpu.memref_slice %arg7[%scan3A_143, %get3A_435, %get3A_436] : memref<4x104x64xf32, #tpu.memory_space<vmem>> -> memref<1x104x64xf32, #tpu.memory_space<vmem>>
        %get3A_438 = tpu.memref_squeeze %get3A_437 : memref<1x104x64xf32, #tpu.memory_space<vmem>> -> memref<104x64xf32, #tpu.memory_space<vmem>>
        %get3A_439 = arith.index_cast %scan3A_404 : i32 to index
        %get3A_440 = arith.constant 48 : index
        %get3A_441 = tpu.vector_load %get3A_438[%get3A_439, %get3A_440] {strides = array<i32>} : memref<104x64xf32, #tpu.memory_space<vmem>>, vector<1x16xf32>,
        %get3A_442 = vector.shape_cast %get3A_441 : vector<1x16xf32> to vector<16xf32>
        %add3A_443 = arith.addf %scan3A_408, %get3A_442 : vector<16xf32>
        %scan3A_444 = arith.constant 1 : i32
        %scan3A_445 = arith.addi %scan3A_404, %scan3A_444 : i32
        %get3A_446 = arith.constant 0 : i32
        %get3A_447 = arith.constant 0 : i32
        %get3A_448 = tpu.memref_slice %arg7[%scan3A_143, %get3A_446, %get3A_447] : memref<4x104x64xf32, #tpu.memory_space<vmem>> -> memref<1x104x64xf32, #tpu.memory_space<vmem>>
        %get3A_449 = tpu.memref_squeeze %get3A_448 : memref<1x104x64xf32, #tpu.memory_space<vmem>> -> memref<104x64xf32, #tpu.memory_space<vmem>>
        %get3A_450 = arith.index_cast %scan3A_445 : i32 to index
        %get3A_451 = arith.constant 0 : index
        %get3A_452 = tpu.vector_load %get3A_449[%get3A_450, %get3A_451] {strides = array<i32>} : memref<104x64xf32, #tpu.memory_space<vmem>>, vector<1x16xf32>,
        %get3A_453 = vector.shape_cast %get3A_452 : vector<1x16xf32> to vector<16xf32>
        %add3A_454 = arith.addf %add3A_416, %get3A_453 : vector<16xf32>
        %get3A_455 = arith.constant 0 : i32
        %get3A_456 = arith.constant 0 : i32
        %get3A_457 = tpu.memref_slice %arg7[%scan3A_143, %get3A_455, %get3A_456] : memref<4x104x64xf32, #tpu.memory_space<vmem>> -> memref<1x104x64xf32, #tpu.memory_space<vmem>>
        %get3A_458 = tpu.memref_squeeze %get3A_457 : memref<1x104x64xf32, #tpu.memory_space<vmem>> -> memref<104x64xf32, #tpu.memory_space<vmem>>
        %get3A_459 = arith.index_cast %scan3A_445 : i32 to index
        %get3A_460 = arith.constant 16 : index
        %get3A_461 = tpu.vector_load %get3A_458[%get3A_459, %get3A_460] {strides = array<i32>} : memref<104x64xf32, #tpu.memory_space<vmem>>, vector<1x16xf32>,
        %get3A_462 = vector.shape_cast %get3A_461 : vector<1x16xf32> to vector<16xf32>
        %add3A_463 = arith.addf %add3A_425, %get3A_462 : vector<16xf32>
        %get3A_464 = arith.constant 0 : i32
        %get3A_465 = arith.constant 0 : i32
        %get3A_466 = tpu.memref_slice %arg7[%scan3A_143, %get3A_464, %get3A_465] : memref<4x104x64xf32, #tpu.memory_space<vmem>> -> memref<1x104x64xf32, #tpu.memory_space<vmem>>
        %get3A_467 = tpu.memref_squeeze %get3A_466 : memref<1x104x64xf32, #tpu.memory_space<vmem>> -> memref<104x64xf32, #tpu.memory_space<vmem>>
        %get3A_468 = arith.index_cast %scan3A_445 : i32 to index
        %get3A_469 = arith.constant 32 : index
        %get3A_470 = tpu.vector_load %get3A_467[%get3A_468, %get3A_469] {strides = array<i32>} : memref<104x64xf32, #tpu.memory_space<vmem>>, vector<1x16xf32>,
        %get3A_471 = vector.shape_cast %get3A_470 : vector<1x16xf32> to vector<16xf32>
        %add3A_472 = arith.addf %add3A_434, %get3A_471 : vector<16xf32>
        %get3A_473 = arith.constant 0 : i32
        %get3A_474 = arith.constant 0 : i32
        %get3A_475 = tpu.memref_slice %arg7[%scan3A_143, %get3A_473, %get3A_474] : memref<4x104x64xf32, #tpu.memory_space<vmem>> -> memref<1x104x64xf32, #tpu.memory_space<vmem>>
        %get3A_476 = tpu.memref_squeeze %get3A_475 : memref<1x104x64xf32, #tpu.memory_space<vmem>> -> memref<104x64xf32, #tpu.memory_space<vmem>>
        %get3A_477 = arith.index_cast %scan3A_445 : i32 to index
        %get3A_478 = arith.constant 48 : index
        %get3A_479 = tpu.vector_load %get3A_476[%get3A_477, %get3A_478] {strides = array<i32>} : memref<104x64xf32, #tpu.memory_space<vmem>>, vector<1x16xf32>,
        %get3A_480 = vector.shape_cast %get3A_479 : vector<1x16xf32> to vector<16xf32>
        %add3A_481 = arith.addf %add3A_443, %get3A_480 : vector<16xf32>
        %scan3A_482 = arith.constant 2 : i32
        %scan3A_483 = arith.addi %scan3A_404, %scan3A_482 : i32
        %get3A_484 = arith.constant 0 : i32
        %get3A_485 = arith.constant 0 : i32
        %get3A_486 = tpu.memref_slice %arg7[%scan3A_143, %get3A_484, %get3A_485] : memref<4x104x64xf32, #tpu.memory_space<vmem>> -> memref<1x104x64xf32, #tpu.memory_space<vmem>>
        %get3A_487 = tpu.memref_squeeze %get3A_486 : memref<1x104x64xf32, #tpu.memory_space<vmem>> -> memref<104x64xf32, #tpu.memory_space<vmem>>
        %get3A_488 = arith.index_cast %scan3A_483 : i32 to index
        %get3A_489 = arith.constant 0 : index
        %get3A_490 = tpu.vector_load %get3A_487[%get3A_488, %get3A_489] {strides = array<i32>} : memref<104x64xf32, #tpu.memory_space<vmem>>, vector<1x16xf32>,
        %get3A_491 = vector.shape_cast %get3A_490 : vector<1x16xf32> to vector<16xf32>
        %add3A_492 = arith.addf %add3A_454, %get3A_491 : vector<16xf32>
        %get3A_493 = arith.constant 0 : i32
        %get3A_494 = arith.constant 0 : i32
        %get3A_495 = tpu.memref_slice %arg7[%scan3A_143, %get3A_493, %get3A_494] : memref<4x104x64xf32, #tpu.memory_space<vmem>> -> memref<1x104x64xf32, #tpu.memory_space<vmem>>
        %get3A_496 = tpu.memref_squeeze %get3A_495 : memref<1x104x64xf32, #tpu.memory_space<vmem>> -> memref<104x64xf32, #tpu.memory_space<vmem>>
        %get3A_497 = arith.index_cast %scan3A_483 : i32 to index
        %get3A_498 = arith.constant 16 : index
        %get3A_499 = tpu.vector_load %get3A_496[%get3A_497, %get3A_498] {strides = array<i32>} : memref<104x64xf32, #tpu.memory_space<vmem>>, vector<1x16xf32>,
        %get3A_500 = vector.shape_cast %get3A_499 : vector<1x16xf32> to vector<16xf32>
        %add3A_501 = arith.addf %add3A_463, %get3A_500 : vector<16xf32>
        %get3A_502 = arith.constant 0 : i32
        %get3A_503 = arith.constant 0 : i32
        %get3A_504 = tpu.memref_slice %arg7[%scan3A_143, %get3A_502, %get3A_503] : memref<4x104x64xf32, #tpu.memory_space<vmem>> -> memref<1x104x64xf32, #tpu.memory_space<vmem>>
        %get3A_505 = tpu.memref_squeeze %get3A_504 : memref<1x104x64xf32, #tpu.memory_space<vmem>> -> memref<104x64xf32, #tpu.memory_space<vmem>>
        %get3A_506 = arith.index_cast %scan3A_483 : i32 to index
        %get3A_507 = arith.constant 32 : index
        %get3A_508 = tpu.vector_load %get3A_505[%get3A_506, %get3A_507] {strides = array<i32>} : memref<104x64xf32, #tpu.memory_space<vmem>>, vector<1x16xf32>,
        %get3A_509 = vector.shape_cast %get3A_508 : vector<1x16xf32> to vector<16xf32>
        %add3A_510 = arith.addf %add3A_472, %get3A_509 : vector<16xf32>
        %get3A_511 = arith.constant 0 : i32
        %get3A_512 = arith.constant 0 : i32
        %get3A_513 = tpu.memref_slice %arg7[%scan3A_143, %get3A_511, %get3A_512] : memref<4x104x64xf32, #tpu.memory_space<vmem>> -> memref<1x104x64xf32, #tpu.memory_space<vmem>>
        %get3A_514 = tpu.memref_squeeze %get3A_513 : memref<1x104x64xf32, #tpu.memory_space<vmem>> -> memref<104x64xf32, #tpu.memory_space<vmem>>
        %get3A_515 = arith.index_cast %scan3A_483 : i32 to index
        %get3A_516 = arith.constant 48 : index
        %get3A_517 = tpu.vector_load %get3A_514[%get3A_515, %get3A_516] {strides = array<i32>} : memref<104x64xf32, #tpu.memory_space<vmem>>, vector<1x16xf32>,
        %get3A_518 = vector.shape_cast %get3A_517 : vector<1x16xf32> to vector<16xf32>
        %add3A_519 = arith.addf %add3A_481, %get3A_518 : vector<16xf32>
        %scan3A_520 = arith.constant 3 : i32
        %scan3A_521 = arith.addi %scan3A_404, %scan3A_520 : i32
        %get3A_522 = arith.constant 0 : i32
        %get3A_523 = arith.constant 0 : i32
        %get3A_524 = tpu.memref_slice %arg7[%scan3A_143, %get3A_522, %get3A_523] : memref<4x104x64xf32, #tpu.memory_space<vmem>> -> memref<1x104x64xf32, #tpu.memory_space<vmem>>
        %get3A_525 = tpu.memref_squeeze %get3A_524 : memref<1x104x64xf32, #tpu.memory_space<vmem>> -> memref<104x64xf32, #tpu.memory_space<vmem>>
        %get3A_526 = arith.index_cast %scan3A_521 : i32 to index
        %get3A_527 = arith.constant 0 : index
        %get3A_528 = tpu.vector_load %get3A_525[%get3A_526, %get3A_527] {strides = array<i32>} : memref<104x64xf32, #tpu.memory_space<vmem>>, vector<1x16xf32>,
        %get3A_529 = vector.shape_cast %get3A_528 : vector<1x16xf32> to vector<16xf32>
        %add3A_530 = arith.addf %add3A_492, %get3A_529 : vector<16xf32>
        %get3A_531 = arith.constant 0 : i32
        %get3A_532 = arith.constant 0 : i32
        %get3A_533 = tpu.memref_slice %arg7[%scan3A_143, %get3A_531, %get3A_532] : memref<4x104x64xf32, #tpu.memory_space<vmem>> -> memref<1x104x64xf32, #tpu.memory_space<vmem>>
        %get3A_534 = tpu.memref_squeeze %get3A_533 : memref<1x104x64xf32, #tpu.memory_space<vmem>> -> memref<104x64xf32, #tpu.memory_space<vmem>>
        %get3A_535 = arith.index_cast %scan3A_521 : i32 to index
        %get3A_536 = arith.constant 16 : index
        %get3A_537 = tpu.vector_load %get3A_534[%get3A_535, %get3A_536] {strides = array<i32>} : memref<104x64xf32, #tpu.memory_space<vmem>>, vector<1x16xf32>,
        %get3A_538 = vector.shape_cast %get3A_537 : vector<1x16xf32> to vector<16xf32>
        %add3A_539 = arith.addf %add3A_501, %get3A_538 : vector<16xf32>
        %get3A_540 = arith.constant 0 : i32
        %get3A_541 = arith.constant 0 : i32
        %get3A_542 = tpu.memref_slice %arg7[%scan3A_143, %get3A_540, %get3A_541] : memref<4x104x64xf32, #tpu.memory_space<vmem>> -> memref<1x104x64xf32, #tpu.memory_space<vmem>>
        %get3A_543 = tpu.memref_squeeze %get3A_542 : memref<1x104x64xf32, #tpu.memory_space<vmem>> -> memref<104x64xf32, #tpu.memory_space<vmem>>
        %get3A_544 = arith.index_cast %scan3A_521 : i32 to index
        %get3A_545 = arith.constant 32 : index
        %get3A_546 = tpu.vector_load %get3A_543[%get3A_544, %get3A_545] {strides = array<i32>} : memref<104x64xf32, #tpu.memory_space<vmem>>, vector<1x16xf32>,
        %get3A_547 = vector.shape_cast %get3A_546 : vector<1x16xf32> to vector<16xf32>
        %add3A_548 = arith.addf %add3A_510, %get3A_547 : vector<16xf32>
        %get3A_549 = arith.constant 0 : i32
        %get3A_550 = arith.constant 0 : i32
        %get3A_551 = tpu.memref_slice %arg7[%scan3A_143, %get3A_549, %get3A_550] : memref<4x104x64xf32, #tpu.memory_space<vmem>> -> memref<1x104x64xf32, #tpu.memory_space<vmem>>
        %get3A_552 = tpu.memref_squeeze %get3A_551 : memref<1x104x64xf32, #tpu.memory_space<vmem>> -> memref<104x64xf32, #tpu.memory_space<vmem>>
        %get3A_553 = arith.index_cast %scan3A_521 : i32 to index
        %get3A_554 = arith.constant 48 : index
        %get3A_555 = tpu.vector_load %get3A_552[%get3A_553, %get3A_554] {strides = array<i32>} : memref<104x64xf32, #tpu.memory_space<vmem>>, vector<1x16xf32>,
        %get3A_556 = vector.shape_cast %get3A_555 : vector<1x16xf32> to vector<16xf32>
        %add3A_557 = arith.addf %add3A_519, %get3A_556 : vector<16xf32>
        scf.yield %add3A_530, %add3A_539, %add3A_548, %add3A_557 : vector<16xf32>, vector<16xf32>, vector<16xf32>, vector<16xf32>
      }
      %scan3A_149 = arith.constant 104 : i32
      %add3A_150 = arith.constant 4 : i32
      %add3A_151 = arith.addi %add3A_109, %add3A_150 : i32
      %lt3A_152 = arith.constant 128 : i32
      %lt3A_153 = arith.cmpi slt, %add3A_151, %lt3A_152 : i32
      %convert_element_type3A_154 = arith.extui %lt3A_153 : i1 to i32
      %cond3A_155 = arith.constant 0 : i32
      %cond3A_156 = arith.cmpi ne, %convert_element_type3A_154, %cond3A_155 : i32
      scf.if %cond3A_156 {
        %add3A_404 = arith.constant 4 : i32
        %add3A_405 = arith.addi %add3A_109, %add3A_404 : i32
        %dma_start3A_406 = arith.constant 0 : i32
        %dma_start3A_407 = arith.constant 0 : i32
        %dma_start3A_408 = arith.constant 0 : i32
        %dma_start3A_409 = tpu.memref_slice %arg7[%dma_start3A_406, %dma_start3A_407, %dma_start3A_408] : memref<4x104x64xf32, #tpu.memory_space<vmem>> -> memref<1x104x64xf32, #tpu.memory_space<vmem>>
        %dma_start3A_410 = tpu.memref_squeeze %dma_start3A_409 : memref<1x104x64xf32, #tpu.memory_space<vmem>> -> memref<104x64xf32, #tpu.memory_space<vmem>>
        %dma_start3A_411 = arith.constant 96 : i32
        %dma_start3A_412 = tpu.memref_slice %arg5[%add3A_405, %dma_start3A_411] : memref<128x200xi32, #tpu.memory_space<vmem>> -> memref<1x104xi32, #tpu.memory_space<vmem>>
        %dma_start3A_413 = tpu.memref_squeeze %dma_start3A_412 : memref<1x104xi32, #tpu.memory_space<vmem>> -> memref<104xi32, #tpu.memory_space<vmem>>
        %dma_start3A_414 = arith.constant 0 : i32
        %dma_start3A_415 = arith.constant 0 : i32
        %dma_start3A_416 = tpu.memref_slice %arg2[%dma_start3A_414, %dma_start3A_415] : memref<1003520x64xf32, #tpu.memory_space<hbm>> -> memref<1003520x64xf32, #tpu.memory_space<hbm>>
        tpu.enqueue_indirect_dma source(%dma_start3A_416 : memref<1003520x64xf32, #tpu.memory_space<hbm>>) target(%dma_start3A_410 : memref<104x64xf32, #tpu.memory_space<vmem>>) offsets(%dma_start3A_413 : memref<104xi32, #tpu.memory_space<vmem>>) semaphore(%arg10 : memref<!tpu.dma_semaphore, #tpu.memory_space<semaphore_mem>>)
      } else {
      }
      %swap3A = arith.index_cast %add3A_109 : i32 to index
      %swap3A_157 = arith.constant 0 : index
      %swap3A_158 = tpu.vector_load %arg8[%swap3A, %swap3A_157] {strides = array<i32>} : memref<128x64xf32, #tpu.memory_space<vmem>>, vector<1x16xf32>,
      %swap3A_159 = vector.shape_cast %swap3A_158 : vector<1x16xf32> to vector<16xf32>
      %swap3A_160 = vector.shape_cast %scan3A_148#0 : vector<16xf32> to vector<1x16xf32>
      tpu.vector_store %arg8[%swap3A, %swap3A_157], %swap3A_160 {strides = array<i32>} : memref<128x64xf32, #tpu.memory_space<vmem>>, vector<1x16xf32>,
      %swap3A_161 = arith.index_cast %add3A_109 : i32 to index
      %swap3A_162 = arith.constant 16 : index
      %swap3A_163 = tpu.vector_load %arg8[%swap3A_161, %swap3A_162] {strides = array<i32>} : memref<128x64xf32, #tpu.memory_space<vmem>>, vector<1x16xf32>,
      %swap3A_164 = vector.shape_cast %swap3A_163 : vector<1x16xf32> to vector<16xf32>
      %swap3A_165 = vector.shape_cast %scan3A_148#1 : vector<16xf32> to vector<1x16xf32>
      tpu.vector_store %arg8[%swap3A_161, %swap3A_162], %swap3A_165 {strides = array<i32>} : memref<128x64xf32, #tpu.memory_space<vmem>>, vector<1x16xf32>,
      %swap3A_166 = arith.index_cast %add3A_109 : i32 to index
      %swap3A_167 = arith.constant 32 : index
      %swap3A_168 = tpu.vector_load %arg8[%swap3A_166, %swap3A_167] {strides = array<i32>} : memref<128x64xf32, #tpu.memory_space<vmem>>, vector<1x16xf32>,
      %swap3A_169 = vector.shape_cast %swap3A_168 : vector<1x16xf32> to vector<16xf32>
      %swap3A_170 = vector.shape_cast %scan3A_148#2 : vector<16xf32> to vector<1x16xf32>
      tpu.vector_store %arg8[%swap3A_166, %swap3A_167], %swap3A_170 {strides = array<i32>} : memref<128x64xf32, #tpu.memory_space<vmem>>, vector<1x16xf32>,
      %swap3A_171 = arith.index_cast %add3A_109 : i32 to index
      %swap3A_172 = arith.constant 48 : index
      %swap3A_173 = tpu.vector_load %arg8[%swap3A_171, %swap3A_172] {strides = array<i32>} : memref<128x64xf32, #tpu.memory_space<vmem>>, vector<1x16xf32>,
      %swap3A_174 = vector.shape_cast %swap3A_173 : vector<1x16xf32> to vector<16xf32>
      %swap3A_175 = vector.shape_cast %scan3A_148#3 : vector<16xf32> to vector<1x16xf32>
      tpu.vector_store %arg8[%swap3A_171, %swap3A_172], %swap3A_175 {strides = array<i32>} : memref<128x64xf32, #tpu.memory_space<vmem>>, vector<1x16xf32>,
      %mul3A_176 = arith.constant 4 : i32
      %mul3A_177 = arith.muli %mul3A_176, %scan3A_105 : i32
      %add3A_178 = arith.constant 1 : i32
      %add3A_179 = arith.addi %mul3A_177, %add3A_178 : i32
      %broadcast_in_dim3A_180 = arith.constant 0.000000e+00 : f32
      %broadcast_in_dim3A_181 = vector.broadcast %broadcast_in_dim3A_180 : f32 to vector<16xf32>
      %dma_wait3A_182 = arith.constant 1 : i32
      %dma_wait3A_183 = arith.constant 0 : i32
      %dma_wait3A_184 = arith.constant 0 : i32
      %dma_wait3A_185 = tpu.memref_slice %arg6[%dma_wait3A_182, %dma_wait3A_183, %dma_wait3A_184] : memref<4x96x64xf32, #tpu.memory_space<vmem>> -> memref<1x96x64xf32, #tpu.memory_space<vmem>>
      %dma_wait3A_186 = tpu.memref_squeeze %dma_wait3A_185 : memref<1x96x64xf32, #tpu.memory_space<vmem>> -> memref<96x64xf32, #tpu.memory_space<vmem>>
      %dma_wait3A_187 = arith.constant 0 : i32
      %dma_wait3A_188 = tpu.memref_slice %arg5[%add3A_179, %dma_wait3A_187] : memref<128x200xi32, #tpu.memory_space<vmem>> -> memref<1x96xi32, #tpu.memory_space<vmem>>
      %dma_wait3A_189 = tpu.memref_squeeze %dma_wait3A_188 : memref<1x96xi32, #tpu.memory_space<vmem>> -> memref<96xi32, #tpu.memory_space<vmem>>
      %dma_wait3A_190 = arith.constant 0 : i32
      %dma_wait3A_191 = arith.constant 0 : i32
      %dma_wait3A_192 = tpu.memref_slice %arg2[%dma_wait3A_190, %dma_wait3A_191] : memref<1003520x64xf32, #tpu.memory_space<hbm>> -> memref<1003520x64xf32, #tpu.memory_space<hbm>>
      tpu.wait_indirect_dma semaphore(%arg11 : memref<!tpu.dma_semaphore, #tpu.memory_space<semaphore_mem>>) src(%dma_wait3A_192 : memref<1003520x64xf32, #tpu.memory_space<hbm>>) dst(%dma_wait3A_186 : memref<96x64xf32, #tpu.memory_space<vmem>>)
      %scan3A_193 = arith.constant 1 : i32
      %scan3A_194 = arith.constant 0 : i32
      %scan3A_195 = arith.constant 96 : i32
      %scan3A_196 = arith.addi %scan3A_194, %scan3A_195 : i32
      %scan3A_197 = arith.constant 4 : i32
      %scan3A_198:4 = scf.for %scan3A_404 = %scan3A_194 to %scan3A_196 step %scan3A_197 iter_args(%scan3A_405 = %broadcast_in_dim3A_181, %scan3A_406 = %broadcast_in_dim3A_181, %scan3A_407 = %broadcast_in_dim3A_181, %scan3A_408 = %broadcast_in_dim3A_181) -> (vector<16xf32>, vector<16xf32>, vector<16xf32>, vector<16xf32>)  : i32 {
        %get3A = arith.constant 0 : i32
        %get3A_409 = arith.constant 0 : i32
        %get3A_410 = tpu.memref_slice %arg6[%scan3A_193, %get3A, %get3A_409] : memref<4x96x64xf32, #tpu.memory_space<vmem>> -> memref<1x96x64xf32, #tpu.memory_space<vmem>>
        %get3A_411 = tpu.memref_squeeze %get3A_410 : memref<1x96x64xf32, #tpu.memory_space<vmem>> -> memref<96x64xf32, #tpu.memory_space<vmem>>
        %get3A_412 = arith.index_cast %scan3A_404 : i32 to index
        %get3A_413 = arith.constant 0 : index
        %get3A_414 = tpu.vector_load %get3A_411[%get3A_412, %get3A_413] {strides = array<i32>} : memref<96x64xf32, #tpu.memory_space<vmem>>, vector<1x16xf32>,
        %get3A_415 = vector.shape_cast %get3A_414 : vector<1x16xf32> to vector<16xf32>
        %add3A_416 = arith.addf %scan3A_405, %get3A_415 : vector<16xf32>
        %get3A_417 = arith.constant 0 : i32
        %get3A_418 = arith.constant 0 : i32
        %get3A_419 = tpu.memref_slice %arg6[%scan3A_193, %get3A_417, %get3A_418] : memref<4x96x64xf32, #tpu.memory_space<vmem>> -> memref<1x96x64xf32, #tpu.memory_space<vmem>>
        %get3A_420 = tpu.memref_squeeze %get3A_419 : memref<1x96x64xf32, #tpu.memory_space<vmem>> -> memref<96x64xf32, #tpu.memory_space<vmem>>
        %get3A_421 = arith.index_cast %scan3A_404 : i32 to index
        %get3A_422 = arith.constant 16 : index
        %get3A_423 = tpu.vector_load %get3A_420[%get3A_421, %get3A_422] {strides = array<i32>} : memref<96x64xf32, #tpu.memory_space<vmem>>, vector<1x16xf32>,
        %get3A_424 = vector.shape_cast %get3A_423 : vector<1x16xf32> to vector<16xf32>
        %add3A_425 = arith.addf %scan3A_406, %get3A_424 : vector<16xf32>
        %get3A_426 = arith.constant 0 : i32
        %get3A_427 = arith.constant 0 : i32
        %get3A_428 = tpu.memref_slice %arg6[%scan3A_193, %get3A_426, %get3A_427] : memref<4x96x64xf32, #tpu.memory_space<vmem>> -> memref<1x96x64xf32, #tpu.memory_space<vmem>>
        %get3A_429 = tpu.memref_squeeze %get3A_428 : memref<1x96x64xf32, #tpu.memory_space<vmem>> -> memref<96x64xf32, #tpu.memory_space<vmem>>
        %get3A_430 = arith.index_cast %scan3A_404 : i32 to index
        %get3A_431 = arith.constant 32 : index
        %get3A_432 = tpu.vector_load %get3A_429[%get3A_430, %get3A_431] {strides = array<i32>} : memref<96x64xf32, #tpu.memory_space<vmem>>, vector<1x16xf32>,
        %get3A_433 = vector.shape_cast %get3A_432 : vector<1x16xf32> to vector<16xf32>
        %add3A_434 = arith.addf %scan3A_407, %get3A_433 : vector<16xf32>
        %get3A_435 = arith.constant 0 : i32
        %get3A_436 = arith.constant 0 : i32
        %get3A_437 = tpu.memref_slice %arg6[%scan3A_193, %get3A_435, %get3A_436] : memref<4x96x64xf32, #tpu.memory_space<vmem>> -> memref<1x96x64xf32, #tpu.memory_space<vmem>>
        %get3A_438 = tpu.memref_squeeze %get3A_437 : memref<1x96x64xf32, #tpu.memory_space<vmem>> -> memref<96x64xf32, #tpu.memory_space<vmem>>
        %get3A_439 = arith.index_cast %scan3A_404 : i32 to index
        %get3A_440 = arith.constant 48 : index
        %get3A_441 = tpu.vector_load %get3A_438[%get3A_439, %get3A_440] {strides = array<i32>} : memref<96x64xf32, #tpu.memory_space<vmem>>, vector<1x16xf32>,
        %get3A_442 = vector.shape_cast %get3A_441 : vector<1x16xf32> to vector<16xf32>
        %add3A_443 = arith.addf %scan3A_408, %get3A_442 : vector<16xf32>
        %scan3A_444 = arith.constant 1 : i32
        %scan3A_445 = arith.addi %scan3A_404, %scan3A_444 : i32
        %get3A_446 = arith.constant 0 : i32
        %get3A_447 = arith.constant 0 : i32
        %get3A_448 = tpu.memref_slice %arg6[%scan3A_193, %get3A_446, %get3A_447] : memref<4x96x64xf32, #tpu.memory_space<vmem>> -> memref<1x96x64xf32, #tpu.memory_space<vmem>>
        %get3A_449 = tpu.memref_squeeze %get3A_448 : memref<1x96x64xf32, #tpu.memory_space<vmem>> -> memref<96x64xf32, #tpu.memory_space<vmem>>
        %get3A_450 = arith.index_cast %scan3A_445 : i32 to index
        %get3A_451 = arith.constant 0 : index
        %get3A_452 = tpu.vector_load %get3A_449[%get3A_450, %get3A_451] {strides = array<i32>} : memref<96x64xf32, #tpu.memory_space<vmem>>, vector<1x16xf32>,
        %get3A_453 = vector.shape_cast %get3A_452 : vector<1x16xf32> to vector<16xf32>
        %add3A_454 = arith.addf %add3A_416, %get3A_453 : vector<16xf32>
        %get3A_455 = arith.constant 0 : i32
        %get3A_456 = arith.constant 0 : i32
        %get3A_457 = tpu.memref_slice %arg6[%scan3A_193, %get3A_455, %get3A_456] : memref<4x96x64xf32, #tpu.memory_space<vmem>> -> memref<1x96x64xf32, #tpu.memory_space<vmem>>
        %get3A_458 = tpu.memref_squeeze %get3A_457 : memref<1x96x64xf32, #tpu.memory_space<vmem>> -> memref<96x64xf32, #tpu.memory_space<vmem>>
        %get3A_459 = arith.index_cast %scan3A_445 : i32 to index
        %get3A_460 = arith.constant 16 : index
        %get3A_461 = tpu.vector_load %get3A_458[%get3A_459, %get3A_460] {strides = array<i32>} : memref<96x64xf32, #tpu.memory_space<vmem>>, vector<1x16xf32>,
        %get3A_462 = vector.shape_cast %get3A_461 : vector<1x16xf32> to vector<16xf32>
        %add3A_463 = arith.addf %add3A_425, %get3A_462 : vector<16xf32>
        %get3A_464 = arith.constant 0 : i32
        %get3A_465 = arith.constant 0 : i32
        %get3A_466 = tpu.memref_slice %arg6[%scan3A_193, %get3A_464, %get3A_465] : memref<4x96x64xf32, #tpu.memory_space<vmem>> -> memref<1x96x64xf32, #tpu.memory_space<vmem>>
        %get3A_467 = tpu.memref_squeeze %get3A_466 : memref<1x96x64xf32, #tpu.memory_space<vmem>> -> memref<96x64xf32, #tpu.memory_space<vmem>>
        %get3A_468 = arith.index_cast %scan3A_445 : i32 to index
        %get3A_469 = arith.constant 32 : index
        %get3A_470 = tpu.vector_load %get3A_467[%get3A_468, %get3A_469] {strides = array<i32>} : memref<96x64xf32, #tpu.memory_space<vmem>>, vector<1x16xf32>,
        %get3A_471 = vector.shape_cast %get3A_470 : vector<1x16xf32> to vector<16xf32>
        %add3A_472 = arith.addf %add3A_434, %get3A_471 : vector<16xf32>
        %get3A_473 = arith.constant 0 : i32
        %get3A_474 = arith.constant 0 : i32
        %get3A_475 = tpu.memref_slice %arg6[%scan3A_193, %get3A_473, %get3A_474] : memref<4x96x64xf32, #tpu.memory_space<vmem>> -> memref<1x96x64xf32, #tpu.memory_space<vmem>>
        %get3A_476 = tpu.memref_squeeze %get3A_475 : memref<1x96x64xf32, #tpu.memory_space<vmem>> -> memref<96x64xf32, #tpu.memory_space<vmem>>
        %get3A_477 = arith.index_cast %scan3A_445 : i32 to index
        %get3A_478 = arith.constant 48 : index
        %get3A_479 = tpu.vector_load %get3A_476[%get3A_477, %get3A_478] {strides = array<i32>} : memref<96x64xf32, #tpu.memory_space<vmem>>, vector<1x16xf32>,
        %get3A_480 = vector.shape_cast %get3A_479 : vector<1x16xf32> to vector<16xf32>
        %add3A_481 = arith.addf %add3A_443, %get3A_480 : vector<16xf32>
        %scan3A_482 = arith.constant 2 : i32
        %scan3A_483 = arith.addi %scan3A_404, %scan3A_482 : i32
        %get3A_484 = arith.constant 0 : i32
        %get3A_485 = arith.constant 0 : i32
        %get3A_486 = tpu.memref_slice %arg6[%scan3A_193, %get3A_484, %get3A_485] : memref<4x96x64xf32, #tpu.memory_space<vmem>> -> memref<1x96x64xf32, #tpu.memory_space<vmem>>
        %get3A_487 = tpu.memref_squeeze %get3A_486 : memref<1x96x64xf32, #tpu.memory_space<vmem>> -> memref<96x64xf32, #tpu.memory_space<vmem>>
        %get3A_488 = arith.index_cast %scan3A_483 : i32 to index
        %get3A_489 = arith.constant 0 : index
        %get3A_490 = tpu.vector_load %get3A_487[%get3A_488, %get3A_489] {strides = array<i32>} : memref<96x64xf32, #tpu.memory_space<vmem>>, vector<1x16xf32>,
        %get3A_491 = vector.shape_cast %get3A_490 : vector<1x16xf32> to vector<16xf32>
        %add3A_492 = arith.addf %add3A_454, %get3A_491 : vector<16xf32>
        %get3A_493 = arith.constant 0 : i32
        %get3A_494 = arith.constant 0 : i32
        %get3A_495 = tpu.memref_slice %arg6[%scan3A_193, %get3A_493, %get3A_494] : memref<4x96x64xf32, #tpu.memory_space<vmem>> -> memref<1x96x64xf32, #tpu.memory_space<vmem>>
        %get3A_496 = tpu.memref_squeeze %get3A_495 : memref<1x96x64xf32, #tpu.memory_space<vmem>> -> memref<96x64xf32, #tpu.memory_space<vmem>>
        %get3A_497 = arith.index_cast %scan3A_483 : i32 to index
        %get3A_498 = arith.constant 16 : index
        %get3A_499 = tpu.vector_load %get3A_496[%get3A_497, %get3A_498] {strides = array<i32>} : memref<96x64xf32, #tpu.memory_space<vmem>>, vector<1x16xf32>,
        %get3A_500 = vector.shape_cast %get3A_499 : vector<1x16xf32> to vector<16xf32>
        %add3A_501 = arith.addf %add3A_463, %get3A_500 : vector<16xf32>
        %get3A_502 = arith.constant 0 : i32
        %get3A_503 = arith.constant 0 : i32
        %get3A_504 = tpu.memref_slice %arg6[%scan3A_193, %get3A_502, %get3A_503] : memref<4x96x64xf32, #tpu.memory_space<vmem>> -> memref<1x96x64xf32, #tpu.memory_space<vmem>>
        %get3A_505 = tpu.memref_squeeze %get3A_504 : memref<1x96x64xf32, #tpu.memory_space<vmem>> -> memref<96x64xf32, #tpu.memory_space<vmem>>
        %get3A_506 = arith.index_cast %scan3A_483 : i32 to index
        %get3A_507 = arith.constant 32 : index
        %get3A_508 = tpu.vector_load %get3A_505[%get3A_506, %get3A_507] {strides = array<i32>} : memref<96x64xf32, #tpu.memory_space<vmem>>, vector<1x16xf32>,
        %get3A_509 = vector.shape_cast %get3A_508 : vector<1x16xf32> to vector<16xf32>
        %add3A_510 = arith.addf %add3A_472, %get3A_509 : vector<16xf32>
        %get3A_511 = arith.constant 0 : i32
        %get3A_512 = arith.constant 0 : i32
        %get3A_513 = tpu.memref_slice %arg6[%scan3A_193, %get3A_511, %get3A_512] : memref<4x96x64xf32, #tpu.memory_space<vmem>> -> memref<1x96x64xf32, #tpu.memory_space<vmem>>
        %get3A_514 = tpu.memref_squeeze %get3A_513 : memref<1x96x64xf32, #tpu.memory_space<vmem>> -> memref<96x64xf32, #tpu.memory_space<vmem>>
        %get3A_515 = arith.index_cast %scan3A_483 : i32 to index
        %get3A_516 = arith.constant 48 : index
        %get3A_517 = tpu.vector_load %get3A_514[%get3A_515, %get3A_516] {strides = array<i32>} : memref<96x64xf32, #tpu.memory_space<vmem>>, vector<1x16xf32>,
        %get3A_518 = vector.shape_cast %get3A_517 : vector<1x16xf32> to vector<16xf32>
        %add3A_519 = arith.addf %add3A_481, %get3A_518 : vector<16xf32>
        %scan3A_520 = arith.constant 3 : i32
        %scan3A_521 = arith.addi %scan3A_404, %scan3A_520 : i32
        %get3A_522 = arith.constant 0 : i32
        %get3A_523 = arith.constant 0 : i32
        %get3A_524 = tpu.memref_slice %arg6[%scan3A_193, %get3A_522, %get3A_523] : memref<4x96x64xf32, #tpu.memory_space<vmem>> -> memref<1x96x64xf32, #tpu.memory_space<vmem>>
        %get3A_525 = tpu.memref_squeeze %get3A_524 : memref<1x96x64xf32, #tpu.memory_space<vmem>> -> memref<96x64xf32, #tpu.memory_space<vmem>>
        %get3A_526 = arith.index_cast %scan3A_521 : i32 to index
        %get3A_527 = arith.constant 0 : index
        %get3A_528 = tpu.vector_load %get3A_525[%get3A_526, %get3A_527] {strides = array<i32>} : memref<96x64xf32, #tpu.memory_space<vmem>>, vector<1x16xf32>,
        %get3A_529 = vector.shape_cast %get3A_528 : vector<1x16xf32> to vector<16xf32>
        %add3A_530 = arith.addf %add3A_492, %get3A_529 : vector<16xf32>
        %get3A_531 = arith.constant 0 : i32
        %get3A_532 = arith.constant 0 : i32
        %get3A_533 = tpu.memref_slice %arg6[%scan3A_193, %get3A_531, %get3A_532] : memref<4x96x64xf32, #tpu.memory_space<vmem>> -> memref<1x96x64xf32, #tpu.memory_space<vmem>>
        %get3A_534 = tpu.memref_squeeze %get3A_533 : memref<1x96x64xf32, #tpu.memory_space<vmem>> -> memref<96x64xf32, #tpu.memory_space<vmem>>
        %get3A_535 = arith.index_cast %scan3A_521 : i32 to index
        %get3A_536 = arith.constant 16 : index
        %get3A_537 = tpu.vector_load %get3A_534[%get3A_535, %get3A_536] {strides = array<i32>} : memref<96x64xf32, #tpu.memory_space<vmem>>, vector<1x16xf32>,
        %get3A_538 = vector.shape_cast %get3A_537 : vector<1x16xf32> to vector<16xf32>
        %add3A_539 = arith.addf %add3A_501, %get3A_538 : vector<16xf32>
        %get3A_540 = arith.constant 0 : i32
        %get3A_541 = arith.constant 0 : i32
        %get3A_542 = tpu.memref_slice %arg6[%scan3A_193, %get3A_540, %get3A_541] : memref<4x96x64xf32, #tpu.memory_space<vmem>> -> memref<1x96x64xf32, #tpu.memory_space<vmem>>
        %get3A_543 = tpu.memref_squeeze %get3A_542 : memref<1x96x64xf32, #tpu.memory_space<vmem>> -> memref<96x64xf32, #tpu.memory_space<vmem>>
        %get3A_544 = arith.index_cast %scan3A_521 : i32 to index
        %get3A_545 = arith.constant 32 : index
        %get3A_546 = tpu.vector_load %get3A_543[%get3A_544, %get3A_545] {strides = array<i32>} : memref<96x64xf32, #tpu.memory_space<vmem>>, vector<1x16xf32>,
        %get3A_547 = vector.shape_cast %get3A_546 : vector<1x16xf32> to vector<16xf32>
        %add3A_548 = arith.addf %add3A_510, %get3A_547 : vector<16xf32>
        %get3A_549 = arith.constant 0 : i32
        %get3A_550 = arith.constant 0 : i32
        %get3A_551 = tpu.memref_slice %arg6[%scan3A_193, %get3A_549, %get3A_550] : memref<4x96x64xf32, #tpu.memory_space<vmem>> -> memref<1x96x64xf32, #tpu.memory_space<vmem>>
        %get3A_552 = tpu.memref_squeeze %get3A_551 : memref<1x96x64xf32, #tpu.memory_space<vmem>> -> memref<96x64xf32, #tpu.memory_space<vmem>>
        %get3A_553 = arith.index_cast %scan3A_521 : i32 to index
        %get3A_554 = arith.constant 48 : index
        %get3A_555 = tpu.vector_load %get3A_552[%get3A_553, %get3A_554] {strides = array<i32>} : memref<96x64xf32, #tpu.memory_space<vmem>>, vector<1x16xf32>,
        %get3A_556 = vector.shape_cast %get3A_555 : vector<1x16xf32> to vector<16xf32>
        %add3A_557 = arith.addf %add3A_519, %get3A_556 : vector<16xf32>
        scf.yield %add3A_530, %add3A_539, %add3A_548, %add3A_557 : vector<16xf32>, vector<16xf32>, vector<16xf32>, vector<16xf32>
      }
      %scan3A_199 = arith.constant 96 : i32
      %add3A_200 = arith.constant 4 : i32
      %add3A_201 = arith.addi %add3A_179, %add3A_200 : i32
      %lt3A_202 = arith.constant 128 : i32
      %lt3A_203 = arith.cmpi slt, %add3A_201, %lt3A_202 : i32
      %convert_element_type3A_204 = arith.extui %lt3A_203 : i1 to i32
      %cond3A_205 = arith.constant 0 : i32
      %cond3A_206 = arith.cmpi ne, %convert_element_type3A_204, %cond3A_205 : i32
      scf.if %cond3A_206 {
        %add3A_404 = arith.constant 4 : i32
        %add3A_405 = arith.addi %add3A_179, %add3A_404 : i32
        %dma_start3A_406 = arith.constant 1 : i32
        %dma_start3A_407 = arith.constant 0 : i32
        %dma_start3A_408 = arith.constant 0 : i32
        %dma_start3A_409 = tpu.memref_slice %arg6[%dma_start3A_406, %dma_start3A_407, %dma_start3A_408] : memref<4x96x64xf32, #tpu.memory_space<vmem>> -> memref<1x96x64xf32, #tpu.memory_space<vmem>>
        %dma_start3A_410 = tpu.memref_squeeze %dma_start3A_409 : memref<1x96x64xf32, #tpu.memory_space<vmem>> -> memref<96x64xf32, #tpu.memory_space<vmem>>
        %dma_start3A_411 = arith.constant 0 : i32
        %dma_start3A_412 = tpu.memref_slice %arg5[%add3A_405, %dma_start3A_411] : memref<128x200xi32, #tpu.memory_space<vmem>> -> memref<1x96xi32, #tpu.memory_space<vmem>>
        %dma_start3A_413 = tpu.memref_squeeze %dma_start3A_412 : memref<1x96xi32, #tpu.memory_space<vmem>> -> memref<96xi32, #tpu.memory_space<vmem>>
        %dma_start3A_414 = arith.constant 0 : i32
        %dma_start3A_415 = arith.constant 0 : i32
        %dma_start3A_416 = tpu.memref_slice %arg2[%dma_start3A_414, %dma_start3A_415] : memref<1003520x64xf32, #tpu.memory_space<hbm>> -> memref<1003520x64xf32, #tpu.memory_space<hbm>>
        tpu.enqueue_indirect_dma source(%dma_start3A_416 : memref<1003520x64xf32, #tpu.memory_space<hbm>>) target(%dma_start3A_410 : memref<96x64xf32, #tpu.memory_space<vmem>>) offsets(%dma_start3A_413 : memref<96xi32, #tpu.memory_space<vmem>>) semaphore(%arg11 : memref<!tpu.dma_semaphore, #tpu.memory_space<semaphore_mem>>)
      } else {
      }
      %dma_wait3A_207 = arith.constant 1 : i32
      %dma_wait3A_208 = arith.constant 0 : i32
      %dma_wait3A_209 = arith.constant 0 : i32
      %dma_wait3A_210 = tpu.memref_slice %arg7[%dma_wait3A_207, %dma_wait3A_208, %dma_wait3A_209] : memref<4x104x64xf32, #tpu.memory_space<vmem>> -> memref<1x104x64xf32, #tpu.memory_space<vmem>>
      %dma_wait3A_211 = tpu.memref_squeeze %dma_wait3A_210 : memref<1x104x64xf32, #tpu.memory_space<vmem>> -> memref<104x64xf32, #tpu.memory_space<vmem>>
      %dma_wait3A_212 = arith.constant 96 : i32
      %dma_wait3A_213 = tpu.memref_slice %arg5[%add3A_179, %dma_wait3A_212] : memref<128x200xi32, #tpu.memory_space<vmem>> -> memref<1x104xi32, #tpu.memory_space<vmem>>
      %dma_wait3A_214 = tpu.memref_squeeze %dma_wait3A_213 : memref<1x104xi32, #tpu.memory_space<vmem>> -> memref<104xi32, #tpu.memory_space<vmem>>
      %dma_wait3A_215 = arith.constant 0 : i32
      %dma_wait3A_216 = arith.constant 0 : i32
      %dma_wait3A_217 = tpu.memref_slice %arg2[%dma_wait3A_215, %dma_wait3A_216] : memref<1003520x64xf32, #tpu.memory_space<hbm>> -> memref<1003520x64xf32, #tpu.memory_space<hbm>>
      tpu.wait_indirect_dma semaphore(%arg12 : memref<!tpu.dma_semaphore, #tpu.memory_space<semaphore_mem>>) src(%dma_wait3A_217 : memref<1003520x64xf32, #tpu.memory_space<hbm>>) dst(%dma_wait3A_211 : memref<104x64xf32, #tpu.memory_space<vmem>>)
      %scan3A_218 = arith.constant 1 : i32
      %scan3A_219 = arith.constant 0 : i32
      %scan3A_220 = arith.constant 104 : i32
      %scan3A_221 = arith.addi %scan3A_219, %scan3A_220 : i32
      %scan3A_222 = arith.constant 4 : i32
      %scan3A_223:4 = scf.for %scan3A_404 = %scan3A_219 to %scan3A_221 step %scan3A_222 iter_args(%scan3A_405 = %scan3A_198#0, %scan3A_406 = %scan3A_198#1, %scan3A_407 = %scan3A_198#2, %scan3A_408 = %scan3A_198#3) -> (vector<16xf32>, vector<16xf32>, vector<16xf32>, vector<16xf32>)  : i32 {
        %get3A = arith.constant 0 : i32
        %get3A_409 = arith.constant 0 : i32
        %get3A_410 = tpu.memref_slice %arg7[%scan3A_218, %get3A, %get3A_409] : memref<4x104x64xf32, #tpu.memory_space<vmem>> -> memref<1x104x64xf32, #tpu.memory_space<vmem>>
        %get3A_411 = tpu.memref_squeeze %get3A_410 : memref<1x104x64xf32, #tpu.memory_space<vmem>> -> memref<104x64xf32, #tpu.memory_space<vmem>>
        %get3A_412 = arith.index_cast %scan3A_404 : i32 to index
        %get3A_413 = arith.constant 0 : index
        %get3A_414 = tpu.vector_load %get3A_411[%get3A_412, %get3A_413] {strides = array<i32>} : memref<104x64xf32, #tpu.memory_space<vmem>>, vector<1x16xf32>,
        %get3A_415 = vector.shape_cast %get3A_414 : vector<1x16xf32> to vector<16xf32>
        %add3A_416 = arith.addf %scan3A_405, %get3A_415 : vector<16xf32>
        %get3A_417 = arith.constant 0 : i32
        %get3A_418 = arith.constant 0 : i32
        %get3A_419 = tpu.memref_slice %arg7[%scan3A_218, %get3A_417, %get3A_418] : memref<4x104x64xf32, #tpu.memory_space<vmem>> -> memref<1x104x64xf32, #tpu.memory_space<vmem>>
        %get3A_420 = tpu.memref_squeeze %get3A_419 : memref<1x104x64xf32, #tpu.memory_space<vmem>> -> memref<104x64xf32, #tpu.memory_space<vmem>>
        %get3A_421 = arith.index_cast %scan3A_404 : i32 to index
        %get3A_422 = arith.constant 16 : index
        %get3A_423 = tpu.vector_load %get3A_420[%get3A_421, %get3A_422] {strides = array<i32>} : memref<104x64xf32, #tpu.memory_space<vmem>>, vector<1x16xf32>,
        %get3A_424 = vector.shape_cast %get3A_423 : vector<1x16xf32> to vector<16xf32>
        %add3A_425 = arith.addf %scan3A_406, %get3A_424 : vector<16xf32>
        %get3A_426 = arith.constant 0 : i32
        %get3A_427 = arith.constant 0 : i32
        %get3A_428 = tpu.memref_slice %arg7[%scan3A_218, %get3A_426, %get3A_427] : memref<4x104x64xf32, #tpu.memory_space<vmem>> -> memref<1x104x64xf32, #tpu.memory_space<vmem>>
        %get3A_429 = tpu.memref_squeeze %get3A_428 : memref<1x104x64xf32, #tpu.memory_space<vmem>> -> memref<104x64xf32, #tpu.memory_space<vmem>>
        %get3A_430 = arith.index_cast %scan3A_404 : i32 to index
        %get3A_431 = arith.constant 32 : index
        %get3A_432 = tpu.vector_load %get3A_429[%get3A_430, %get3A_431] {strides = array<i32>} : memref<104x64xf32, #tpu.memory_space<vmem>>, vector<1x16xf32>,
        %get3A_433 = vector.shape_cast %get3A_432 : vector<1x16xf32> to vector<16xf32>
        %add3A_434 = arith.addf %scan3A_407, %get3A_433 : vector<16xf32>
        %get3A_435 = arith.constant 0 : i32
        %get3A_436 = arith.constant 0 : i32
        %get3A_437 = tpu.memref_slice %arg7[%scan3A_218, %get3A_435, %get3A_436] : memref<4x104x64xf32, #tpu.memory_space<vmem>> -> memref<1x104x64xf32, #tpu.memory_space<vmem>>
        %get3A_438 = tpu.memref_squeeze %get3A_437 : memref<1x104x64xf32, #tpu.memory_space<vmem>> -> memref<104x64xf32, #tpu.memory_space<vmem>>
        %get3A_439 = arith.index_cast %scan3A_404 : i32 to index
        %get3A_440 = arith.constant 48 : index
        %get3A_441 = tpu.vector_load %get3A_438[%get3A_439, %get3A_440] {strides = array<i32>} : memref<104x64xf32, #tpu.memory_space<vmem>>, vector<1x16xf32>,
        %get3A_442 = vector.shape_cast %get3A_441 : vector<1x16xf32> to vector<16xf32>
        %add3A_443 = arith.addf %scan3A_408, %get3A_442 : vector<16xf32>
        %scan3A_444 = arith.constant 1 : i32
        %scan3A_445 = arith.addi %scan3A_404, %scan3A_444 : i32
        %get3A_446 = arith.constant 0 : i32
        %get3A_447 = arith.constant 0 : i32
        %get3A_448 = tpu.memref_slice %arg7[%scan3A_218, %get3A_446, %get3A_447] : memref<4x104x64xf32, #tpu.memory_space<vmem>> -> memref<1x104x64xf32, #tpu.memory_space<vmem>>
        %get3A_449 = tpu.memref_squeeze %get3A_448 : memref<1x104x64xf32, #tpu.memory_space<vmem>> -> memref<104x64xf32, #tpu.memory_space<vmem>>
        %get3A_450 = arith.index_cast %scan3A_445 : i32 to index
        %get3A_451 = arith.constant 0 : index
        %get3A_452 = tpu.vector_load %get3A_449[%get3A_450, %get3A_451] {strides = array<i32>} : memref<104x64xf32, #tpu.memory_space<vmem>>, vector<1x16xf32>,
        %get3A_453 = vector.shape_cast %get3A_452 : vector<1x16xf32> to vector<16xf32>
        %add3A_454 = arith.addf %add3A_416, %get3A_453 : vector<16xf32>
        %get3A_455 = arith.constant 0 : i32
        %get3A_456 = arith.constant 0 : i32
        %get3A_457 = tpu.memref_slice %arg7[%scan3A_218, %get3A_455, %get3A_456] : memref<4x104x64xf32, #tpu.memory_space<vmem>> -> memref<1x104x64xf32, #tpu.memory_space<vmem>>
        %get3A_458 = tpu.memref_squeeze %get3A_457 : memref<1x104x64xf32, #tpu.memory_space<vmem>> -> memref<104x64xf32, #tpu.memory_space<vmem>>
        %get3A_459 = arith.index_cast %scan3A_445 : i32 to index
        %get3A_460 = arith.constant 16 : index
        %get3A_461 = tpu.vector_load %get3A_458[%get3A_459, %get3A_460] {strides = array<i32>} : memref<104x64xf32, #tpu.memory_space<vmem>>, vector<1x16xf32>,
        %get3A_462 = vector.shape_cast %get3A_461 : vector<1x16xf32> to vector<16xf32>
        %add3A_463 = arith.addf %add3A_425, %get3A_462 : vector<16xf32>
        %get3A_464 = arith.constant 0 : i32
        %get3A_465 = arith.constant 0 : i32
        %get3A_466 = tpu.memref_slice %arg7[%scan3A_218, %get3A_464, %get3A_465] : memref<4x104x64xf32, #tpu.memory_space<vmem>> -> memref<1x104x64xf32, #tpu.memory_space<vmem>>
        %get3A_467 = tpu.memref_squeeze %get3A_466 : memref<1x104x64xf32, #tpu.memory_space<vmem>> -> memref<104x64xf32, #tpu.memory_space<vmem>>
        %get3A_468 = arith.index_cast %scan3A_445 : i32 to index
        %get3A_469 = arith.constant 32 : index
        %get3A_470 = tpu.vector_load %get3A_467[%get3A_468, %get3A_469] {strides = array<i32>} : memref<104x64xf32, #tpu.memory_space<vmem>>, vector<1x16xf32>,
        %get3A_471 = vector.shape_cast %get3A_470 : vector<1x16xf32> to vector<16xf32>
        %add3A_472 = arith.addf %add3A_434, %get3A_471 : vector<16xf32>
        %get3A_473 = arith.constant 0 : i32
        %get3A_474 = arith.constant 0 : i32
        %get3A_475 = tpu.memref_slice %arg7[%scan3A_218, %get3A_473, %get3A_474] : memref<4x104x64xf32, #tpu.memory_space<vmem>> -> memref<1x104x64xf32, #tpu.memory_space<vmem>>
        %get3A_476 = tpu.memref_squeeze %get3A_475 : memref<1x104x64xf32, #tpu.memory_space<vmem>> -> memref<104x64xf32, #tpu.memory_space<vmem>>
        %get3A_477 = arith.index_cast %scan3A_445 : i32 to index
        %get3A_478 = arith.constant 48 : index
        %get3A_479 = tpu.vector_load %get3A_476[%get3A_477, %get3A_478] {strides = array<i32>} : memref<104x64xf32, #tpu.memory_space<vmem>>, vector<1x16xf32>,
        %get3A_480 = vector.shape_cast %get3A_479 : vector<1x16xf32> to vector<16xf32>
        %add3A_481 = arith.addf %add3A_443, %get3A_480 : vector<16xf32>
        %scan3A_482 = arith.constant 2 : i32
        %scan3A_483 = arith.addi %scan3A_404, %scan3A_482 : i32
        %get3A_484 = arith.constant 0 : i32
        %get3A_485 = arith.constant 0 : i32
        %get3A_486 = tpu.memref_slice %arg7[%scan3A_218, %get3A_484, %get3A_485] : memref<4x104x64xf32, #tpu.memory_space<vmem>> -> memref<1x104x64xf32, #tpu.memory_space<vmem>>
        %get3A_487 = tpu.memref_squeeze %get3A_486 : memref<1x104x64xf32, #tpu.memory_space<vmem>> -> memref<104x64xf32, #tpu.memory_space<vmem>>
        %get3A_488 = arith.index_cast %scan3A_483 : i32 to index
        %get3A_489 = arith.constant 0 : index
        %get3A_490 = tpu.vector_load %get3A_487[%get3A_488, %get3A_489] {strides = array<i32>} : memref<104x64xf32, #tpu.memory_space<vmem>>, vector<1x16xf32>,
        %get3A_491 = vector.shape_cast %get3A_490 : vector<1x16xf32> to vector<16xf32>
        %add3A_492 = arith.addf %add3A_454, %get3A_491 : vector<16xf32>
        %get3A_493 = arith.constant 0 : i32
        %get3A_494 = arith.constant 0 : i32
        %get3A_495 = tpu.memref_slice %arg7[%scan3A_218, %get3A_493, %get3A_494] : memref<4x104x64xf32, #tpu.memory_space<vmem>> -> memref<1x104x64xf32, #tpu.memory_space<vmem>>
        %get3A_496 = tpu.memref_squeeze %get3A_495 : memref<1x104x64xf32, #tpu.memory_space<vmem>> -> memref<104x64xf32, #tpu.memory_space<vmem>>
        %get3A_497 = arith.index_cast %scan3A_483 : i32 to index
        %get3A_498 = arith.constant 16 : index
        %get3A_499 = tpu.vector_load %get3A_496[%get3A_497, %get3A_498] {strides = array<i32>} : memref<104x64xf32, #tpu.memory_space<vmem>>, vector<1x16xf32>,
        %get3A_500 = vector.shape_cast %get3A_499 : vector<1x16xf32> to vector<16xf32>
        %add3A_501 = arith.addf %add3A_463, %get3A_500 : vector<16xf32>
        %get3A_502 = arith.constant 0 : i32
        %get3A_503 = arith.constant 0 : i32
        %get3A_504 = tpu.memref_slice %arg7[%scan3A_218, %get3A_502, %get3A_503] : memref<4x104x64xf32, #tpu.memory_space<vmem>> -> memref<1x104x64xf32, #tpu.memory_space<vmem>>
        %get3A_505 = tpu.memref_squeeze %get3A_504 : memref<1x104x64xf32, #tpu.memory_space<vmem>> -> memref<104x64xf32, #tpu.memory_space<vmem>>
        %get3A_506 = arith.index_cast %scan3A_483 : i32 to index
        %get3A_507 = arith.constant 32 : index
        %get3A_508 = tpu.vector_load %get3A_505[%get3A_506, %get3A_507] {strides = array<i32>} : memref<104x64xf32, #tpu.memory_space<vmem>>, vector<1x16xf32>,
        %get3A_509 = vector.shape_cast %get3A_508 : vector<1x16xf32> to vector<16xf32>
        %add3A_510 = arith.addf %add3A_472, %get3A_509 : vector<16xf32>
        %get3A_511 = arith.constant 0 : i32
        %get3A_512 = arith.constant 0 : i32
        %get3A_513 = tpu.memref_slice %arg7[%scan3A_218, %get3A_511, %get3A_512] : memref<4x104x64xf32, #tpu.memory_space<vmem>> -> memref<1x104x64xf32, #tpu.memory_space<vmem>>
        %get3A_514 = tpu.memref_squeeze %get3A_513 : memref<1x104x64xf32, #tpu.memory_space<vmem>> -> memref<104x64xf32, #tpu.memory_space<vmem>>
        %get3A_515 = arith.index_cast %scan3A_483 : i32 to index
        %get3A_516 = arith.constant 48 : index
        %get3A_517 = tpu.vector_load %get3A_514[%get3A_515, %get3A_516] {strides = array<i32>} : memref<104x64xf32, #tpu.memory_space<vmem>>, vector<1x16xf32>,
        %get3A_518 = vector.shape_cast %get3A_517 : vector<1x16xf32> to vector<16xf32>
        %add3A_519 = arith.addf %add3A_481, %get3A_518 : vector<16xf32>
        %scan3A_520 = arith.constant 3 : i32
        %scan3A_521 = arith.addi %scan3A_404, %scan3A_520 : i32
        %get3A_522 = arith.constant 0 : i32
        %get3A_523 = arith.constant 0 : i32
        %get3A_524 = tpu.memref_slice %arg7[%scan3A_218, %get3A_522, %get3A_523] : memref<4x104x64xf32, #tpu.memory_space<vmem>> -> memref<1x104x64xf32, #tpu.memory_space<vmem>>
        %get3A_525 = tpu.memref_squeeze %get3A_524 : memref<1x104x64xf32, #tpu.memory_space<vmem>> -> memref<104x64xf32, #tpu.memory_space<vmem>>
        %get3A_526 = arith.index_cast %scan3A_521 : i32 to index
        %get3A_527 = arith.constant 0 : index
        %get3A_528 = tpu.vector_load %get3A_525[%get3A_526, %get3A_527] {strides = array<i32>} : memref<104x64xf32, #tpu.memory_space<vmem>>, vector<1x16xf32>,
        %get3A_529 = vector.shape_cast %get3A_528 : vector<1x16xf32> to vector<16xf32>
        %add3A_530 = arith.addf %add3A_492, %get3A_529 : vector<16xf32>
        %get3A_531 = arith.constant 0 : i32
        %get3A_532 = arith.constant 0 : i32
        %get3A_533 = tpu.memref_slice %arg7[%scan3A_218, %get3A_531, %get3A_532] : memref<4x104x64xf32, #tpu.memory_space<vmem>> -> memref<1x104x64xf32, #tpu.memory_space<vmem>>
        %get3A_534 = tpu.memref_squeeze %get3A_533 : memref<1x104x64xf32, #tpu.memory_space<vmem>> -> memref<104x64xf32, #tpu.memory_space<vmem>>
        %get3A_535 = arith.index_cast %scan3A_521 : i32 to index
        %get3A_536 = arith.constant 16 : index
        %get3A_537 = tpu.vector_load %get3A_534[%get3A_535, %get3A_536] {strides = array<i32>} : memref<104x64xf32, #tpu.memory_space<vmem>>, vector<1x16xf32>,
        %get3A_538 = vector.shape_cast %get3A_537 : vector<1x16xf32> to vector<16xf32>
        %add3A_539 = arith.addf %add3A_501, %get3A_538 : vector<16xf32>
        %get3A_540 = arith.constant 0 : i32
        %get3A_541 = arith.constant 0 : i32
        %get3A_542 = tpu.memref_slice %arg7[%scan3A_218, %get3A_540, %get3A_541] : memref<4x104x64xf32, #tpu.memory_space<vmem>> -> memref<1x104x64xf32, #tpu.memory_space<vmem>>
        %get3A_543 = tpu.memref_squeeze %get3A_542 : memref<1x104x64xf32, #tpu.memory_space<vmem>> -> memref<104x64xf32, #tpu.memory_space<vmem>>
        %get3A_544 = arith.index_cast %scan3A_521 : i32 to index
        %get3A_545 = arith.constant 32 : index
        %get3A_546 = tpu.vector_load %get3A_543[%get3A_544, %get3A_545] {strides = array<i32>} : memref<104x64xf32, #tpu.memory_space<vmem>>, vector<1x16xf32>,
        %get3A_547 = vector.shape_cast %get3A_546 : vector<1x16xf32> to vector<16xf32>
        %add3A_548 = arith.addf %add3A_510, %get3A_547 : vector<16xf32>
        %get3A_549 = arith.constant 0 : i32
        %get3A_550 = arith.constant 0 : i32
        %get3A_551 = tpu.memref_slice %arg7[%scan3A_218, %get3A_549, %get3A_550] : memref<4x104x64xf32, #tpu.memory_space<vmem>> -> memref<1x104x64xf32, #tpu.memory_space<vmem>>
        %get3A_552 = tpu.memref_squeeze %get3A_551 : memref<1x104x64xf32, #tpu.memory_space<vmem>> -> memref<104x64xf32, #tpu.memory_space<vmem>>
        %get3A_553 = arith.index_cast %scan3A_521 : i32 to index
        %get3A_554 = arith.constant 48 : index
        %get3A_555 = tpu.vector_load %get3A_552[%get3A_553, %get3A_554] {strides = array<i32>} : memref<104x64xf32, #tpu.memory_space<vmem>>, vector<1x16xf32>,
        %get3A_556 = vector.shape_cast %get3A_555 : vector<1x16xf32> to vector<16xf32>
        %add3A_557 = arith.addf %add3A_519, %get3A_556 : vector<16xf32>
        scf.yield %add3A_530, %add3A_539, %add3A_548, %add3A_557 : vector<16xf32>, vector<16xf32>, vector<16xf32>, vector<16xf32>
      }
      %scan3A_224 = arith.constant 104 : i32
      %add3A_225 = arith.constant 4 : i32
      %add3A_226 = arith.addi %add3A_179, %add3A_225 : i32
      %lt3A_227 = arith.constant 128 : i32
      %lt3A_228 = arith.cmpi slt, %add3A_226, %lt3A_227 : i32
      %convert_element_type3A_229 = arith.extui %lt3A_228 : i1 to i32
      %cond3A_230 = arith.constant 0 : i32
      %cond3A_231 = arith.cmpi ne, %convert_element_type3A_229, %cond3A_230 : i32
      scf.if %cond3A_231 {
        %add3A_404 = arith.constant 4 : i32
        %add3A_405 = arith.addi %add3A_179, %add3A_404 : i32
        %dma_start3A_406 = arith.constant 1 : i32
        %dma_start3A_407 = arith.constant 0 : i32
        %dma_start3A_408 = arith.constant 0 : i32
        %dma_start3A_409 = tpu.memref_slice %arg7[%dma_start3A_406, %dma_start3A_407, %dma_start3A_408] : memref<4x104x64xf32, #tpu.memory_space<vmem>> -> memref<1x104x64xf32, #tpu.memory_space<vmem>>
        %dma_start3A_410 = tpu.memref_squeeze %dma_start3A_409 : memref<1x104x64xf32, #tpu.memory_space<vmem>> -> memref<104x64xf32, #tpu.memory_space<vmem>>
        %dma_start3A_411 = arith.constant 96 : i32
        %dma_start3A_412 = tpu.memref_slice %arg5[%add3A_405, %dma_start3A_411] : memref<128x200xi32, #tpu.memory_space<vmem>> -> memref<1x104xi32, #tpu.memory_space<vmem>>
        %dma_start3A_413 = tpu.memref_squeeze %dma_start3A_412 : memref<1x104xi32, #tpu.memory_space<vmem>> -> memref<104xi32, #tpu.memory_space<vmem>>
        %dma_start3A_414 = arith.constant 0 : i32
        %dma_start3A_415 = arith.constant 0 : i32
        %dma_start3A_416 = tpu.memref_slice %arg2[%dma_start3A_414, %dma_start3A_415] : memref<1003520x64xf32, #tpu.memory_space<hbm>> -> memref<1003520x64xf32, #tpu.memory_space<hbm>>
        tpu.enqueue_indirect_dma source(%dma_start3A_416 : memref<1003520x64xf32, #tpu.memory_space<hbm>>) target(%dma_start3A_410 : memref<104x64xf32, #tpu.memory_space<vmem>>) offsets(%dma_start3A_413 : memref<104xi32, #tpu.memory_space<vmem>>) semaphore(%arg12 : memref<!tpu.dma_semaphore, #tpu.memory_space<semaphore_mem>>)
      } else {
      }
      %swap3A_232 = arith.index_cast %add3A_179 : i32 to index
      %swap3A_233 = arith.constant 0 : index
      %swap3A_234 = tpu.vector_load %arg8[%swap3A_232, %swap3A_233] {strides = array<i32>} : memref<128x64xf32, #tpu.memory_space<vmem>>, vector<1x16xf32>,
      %swap3A_235 = vector.shape_cast %swap3A_234 : vector<1x16xf32> to vector<16xf32>
      %swap3A_236 = vector.shape_cast %scan3A_223#0 : vector<16xf32> to vector<1x16xf32>
      tpu.vector_store %arg8[%swap3A_232, %swap3A_233], %swap3A_236 {strides = array<i32>} : memref<128x64xf32, #tpu.memory_space<vmem>>, vector<1x16xf32>,
      %swap3A_237 = arith.index_cast %add3A_179 : i32 to index
      %swap3A_238 = arith.constant 16 : index
      %swap3A_239 = tpu.vector_load %arg8[%swap3A_237, %swap3A_238] {strides = array<i32>} : memref<128x64xf32, #tpu.memory_space<vmem>>, vector<1x16xf32>,
      %swap3A_240 = vector.shape_cast %swap3A_239 : vector<1x16xf32> to vector<16xf32>
      %swap3A_241 = vector.shape_cast %scan3A_223#1 : vector<16xf32> to vector<1x16xf32>
      tpu.vector_store %arg8[%swap3A_237, %swap3A_238], %swap3A_241 {strides = array<i32>} : memref<128x64xf32, #tpu.memory_space<vmem>>, vector<1x16xf32>,
      %swap3A_242 = arith.index_cast %add3A_179 : i32 to index
      %swap3A_243 = arith.constant 32 : index
      %swap3A_244 = tpu.vector_load %arg8[%swap3A_242, %swap3A_243] {strides = array<i32>} : memref<128x64xf32, #tpu.memory_space<vmem>>, vector<1x16xf32>,
      %swap3A_245 = vector.shape_cast %swap3A_244 : vector<1x16xf32> to vector<16xf32>
      %swap3A_246 = vector.shape_cast %scan3A_223#2 : vector<16xf32> to vector<1x16xf32>
      tpu.vector_store %arg8[%swap3A_242, %swap3A_243], %swap3A_246 {strides = array<i32>} : memref<128x64xf32, #tpu.memory_space<vmem>>, vector<1x16xf32>,
      %swap3A_247 = arith.index_cast %add3A_179 : i32 to index
      %swap3A_248 = arith.constant 48 : index
      %swap3A_249 = tpu.vector_load %arg8[%swap3A_247, %swap3A_248] {strides = array<i32>} : memref<128x64xf32, #tpu.memory_space<vmem>>, vector<1x16xf32>,
      %swap3A_250 = vector.shape_cast %swap3A_249 : vector<1x16xf32> to vector<16xf32>
      %swap3A_251 = vector.shape_cast %scan3A_223#3 : vector<16xf32> to vector<1x16xf32>
      tpu.vector_store %arg8[%swap3A_247, %swap3A_248], %swap3A_251 {strides = array<i32>} : memref<128x64xf32, #tpu.memory_space<vmem>>, vector<1x16xf32>,
      %mul3A_252 = arith.constant 4 : i32
      %mul3A_253 = arith.muli %mul3A_252, %scan3A_105 : i32
      %add3A_254 = arith.constant 2 : i32
      %add3A_255 = arith.addi %mul3A_253, %add3A_254 : i32
      %broadcast_in_dim3A_256 = arith.constant 0.000000e+00 : f32
      %broadcast_in_dim3A_257 = vector.broadcast %broadcast_in_dim3A_256 : f32 to vector<16xf32>
      %dma_wait3A_258 = arith.constant 2 : i32
      %dma_wait3A_259 = arith.constant 0 : i32
      %dma_wait3A_260 = arith.constant 0 : i32
      %dma_wait3A_261 = tpu.memref_slice %arg6[%dma_wait3A_258, %dma_wait3A_259, %dma_wait3A_260] : memref<4x96x64xf32, #tpu.memory_space<vmem>> -> memref<1x96x64xf32, #tpu.memory_space<vmem>>
      %dma_wait3A_262 = tpu.memref_squeeze %dma_wait3A_261 : memref<1x96x64xf32, #tpu.memory_space<vmem>> -> memref<96x64xf32, #tpu.memory_space<vmem>>
      %dma_wait3A_263 = arith.constant 0 : i32
      %dma_wait3A_264 = tpu.memref_slice %arg5[%add3A_255, %dma_wait3A_263] : memref<128x200xi32, #tpu.memory_space<vmem>> -> memref<1x96xi32, #tpu.memory_space<vmem>>
      %dma_wait3A_265 = tpu.memref_squeeze %dma_wait3A_264 : memref<1x96xi32, #tpu.memory_space<vmem>> -> memref<96xi32, #tpu.memory_space<vmem>>
      %dma_wait3A_266 = arith.constant 0 : i32
      %dma_wait3A_267 = arith.constant 0 : i32
      %dma_wait3A_268 = tpu.memref_slice %arg2[%dma_wait3A_266, %dma_wait3A_267] : memref<1003520x64xf32, #tpu.memory_space<hbm>> -> memref<1003520x64xf32, #tpu.memory_space<hbm>>
      tpu.wait_indirect_dma semaphore(%arg13 : memref<!tpu.dma_semaphore, #tpu.memory_space<semaphore_mem>>) src(%dma_wait3A_268 : memref<1003520x64xf32, #tpu.memory_space<hbm>>) dst(%dma_wait3A_262 : memref<96x64xf32, #tpu.memory_space<vmem>>)
      %scan3A_269 = arith.constant 2 : i32
      %scan3A_270 = arith.constant 0 : i32
      %scan3A_271 = arith.constant 96 : i32
      %scan3A_272 = arith.addi %scan3A_270, %scan3A_271 : i32
      %scan3A_273 = arith.constant 4 : i32
      %scan3A_274:4 = scf.for %scan3A_404 = %scan3A_270 to %scan3A_272 step %scan3A_273 iter_args(%scan3A_405 = %broadcast_in_dim3A_257, %scan3A_406 = %broadcast_in_dim3A_257, %scan3A_407 = %broadcast_in_dim3A_257, %scan3A_408 = %broadcast_in_dim3A_257) -> (vector<16xf32>, vector<16xf32>, vector<16xf32>, vector<16xf32>)  : i32 {
        %get3A = arith.constant 0 : i32
        %get3A_409 = arith.constant 0 : i32
        %get3A_410 = tpu.memref_slice %arg6[%scan3A_269, %get3A, %get3A_409] : memref<4x96x64xf32, #tpu.memory_space<vmem>> -> memref<1x96x64xf32, #tpu.memory_space<vmem>>
        %get3A_411 = tpu.memref_squeeze %get3A_410 : memref<1x96x64xf32, #tpu.memory_space<vmem>> -> memref<96x64xf32, #tpu.memory_space<vmem>>
        %get3A_412 = arith.index_cast %scan3A_404 : i32 to index
        %get3A_413 = arith.constant 0 : index
        %get3A_414 = tpu.vector_load %get3A_411[%get3A_412, %get3A_413] {strides = array<i32>} : memref<96x64xf32, #tpu.memory_space<vmem>>, vector<1x16xf32>,
        %get3A_415 = vector.shape_cast %get3A_414 : vector<1x16xf32> to vector<16xf32>
        %add3A_416 = arith.addf %scan3A_405, %get3A_415 : vector<16xf32>
        %get3A_417 = arith.constant 0 : i32
        %get3A_418 = arith.constant 0 : i32
        %get3A_419 = tpu.memref_slice %arg6[%scan3A_269, %get3A_417, %get3A_418] : memref<4x96x64xf32, #tpu.memory_space<vmem>> -> memref<1x96x64xf32, #tpu.memory_space<vmem>>
        %get3A_420 = tpu.memref_squeeze %get3A_419 : memref<1x96x64xf32, #tpu.memory_space<vmem>> -> memref<96x64xf32, #tpu.memory_space<vmem>>
        %get3A_421 = arith.index_cast %scan3A_404 : i32 to index
        %get3A_422 = arith.constant 16 : index
        %get3A_423 = tpu.vector_load %get3A_420[%get3A_421, %get3A_422] {strides = array<i32>} : memref<96x64xf32, #tpu.memory_space<vmem>>, vector<1x16xf32>,
        %get3A_424 = vector.shape_cast %get3A_423 : vector<1x16xf32> to vector<16xf32>
        %add3A_425 = arith.addf %scan3A_406, %get3A_424 : vector<16xf32>
        %get3A_426 = arith.constant 0 : i32
        %get3A_427 = arith.constant 0 : i32
        %get3A_428 = tpu.memref_slice %arg6[%scan3A_269, %get3A_426, %get3A_427] : memref<4x96x64xf32, #tpu.memory_space<vmem>> -> memref<1x96x64xf32, #tpu.memory_space<vmem>>
        %get3A_429 = tpu.memref_squeeze %get3A_428 : memref<1x96x64xf32, #tpu.memory_space<vmem>> -> memref<96x64xf32, #tpu.memory_space<vmem>>
        %get3A_430 = arith.index_cast %scan3A_404 : i32 to index
        %get3A_431 = arith.constant 32 : index
        %get3A_432 = tpu.vector_load %get3A_429[%get3A_430, %get3A_431] {strides = array<i32>} : memref<96x64xf32, #tpu.memory_space<vmem>>, vector<1x16xf32>,
        %get3A_433 = vector.shape_cast %get3A_432 : vector<1x16xf32> to vector<16xf32>
        %add3A_434 = arith.addf %scan3A_407, %get3A_433 : vector<16xf32>
        %get3A_435 = arith.constant 0 : i32
        %get3A_436 = arith.constant 0 : i32
        %get3A_437 = tpu.memref_slice %arg6[%scan3A_269, %get3A_435, %get3A_436] : memref<4x96x64xf32, #tpu.memory_space<vmem>> -> memref<1x96x64xf32, #tpu.memory_space<vmem>>
        %get3A_438 = tpu.memref_squeeze %get3A_437 : memref<1x96x64xf32, #tpu.memory_space<vmem>> -> memref<96x64xf32, #tpu.memory_space<vmem>>
        %get3A_439 = arith.index_cast %scan3A_404 : i32 to index
        %get3A_440 = arith.constant 48 : index
        %get3A_441 = tpu.vector_load %get3A_438[%get3A_439, %get3A_440] {strides = array<i32>} : memref<96x64xf32, #tpu.memory_space<vmem>>, vector<1x16xf32>,
        %get3A_442 = vector.shape_cast %get3A_441 : vector<1x16xf32> to vector<16xf32>
        %add3A_443 = arith.addf %scan3A_408, %get3A_442 : vector<16xf32>
        %scan3A_444 = arith.constant 1 : i32
        %scan3A_445 = arith.addi %scan3A_404, %scan3A_444 : i32
        %get3A_446 = arith.constant 0 : i32
        %get3A_447 = arith.constant 0 : i32
        %get3A_448 = tpu.memref_slice %arg6[%scan3A_269, %get3A_446, %get3A_447] : memref<4x96x64xf32, #tpu.memory_space<vmem>> -> memref<1x96x64xf32, #tpu.memory_space<vmem>>
        %get3A_449 = tpu.memref_squeeze %get3A_448 : memref<1x96x64xf32, #tpu.memory_space<vmem>> -> memref<96x64xf32, #tpu.memory_space<vmem>>
        %get3A_450 = arith.index_cast %scan3A_445 : i32 to index
        %get3A_451 = arith.constant 0 : index
        %get3A_452 = tpu.vector_load %get3A_449[%get3A_450, %get3A_451] {strides = array<i32>} : memref<96x64xf32, #tpu.memory_space<vmem>>, vector<1x16xf32>,
        %get3A_453 = vector.shape_cast %get3A_452 : vector<1x16xf32> to vector<16xf32>
        %add3A_454 = arith.addf %add3A_416, %get3A_453 : vector<16xf32>
        %get3A_455 = arith.constant 0 : i32
        %get3A_456 = arith.constant 0 : i32
        %get3A_457 = tpu.memref_slice %arg6[%scan3A_269, %get3A_455, %get3A_456] : memref<4x96x64xf32, #tpu.memory_space<vmem>> -> memref<1x96x64xf32, #tpu.memory_space<vmem>>
        %get3A_458 = tpu.memref_squeeze %get3A_457 : memref<1x96x64xf32, #tpu.memory_space<vmem>> -> memref<96x64xf32, #tpu.memory_space<vmem>>
        %get3A_459 = arith.index_cast %scan3A_445 : i32 to index
        %get3A_460 = arith.constant 16 : index
        %get3A_461 = tpu.vector_load %get3A_458[%get3A_459, %get3A_460] {strides = array<i32>} : memref<96x64xf32, #tpu.memory_space<vmem>>, vector<1x16xf32>,
        %get3A_462 = vector.shape_cast %get3A_461 : vector<1x16xf32> to vector<16xf32>
        %add3A_463 = arith.addf %add3A_425, %get3A_462 : vector<16xf32>
        %get3A_464 = arith.constant 0 : i32
        %get3A_465 = arith.constant 0 : i32
        %get3A_466 = tpu.memref_slice %arg6[%scan3A_269, %get3A_464, %get3A_465] : memref<4x96x64xf32, #tpu.memory_space<vmem>> -> memref<1x96x64xf32, #tpu.memory_space<vmem>>
        %get3A_467 = tpu.memref_squeeze %get3A_466 : memref<1x96x64xf32, #tpu.memory_space<vmem>> -> memref<96x64xf32, #tpu.memory_space<vmem>>
        %get3A_468 = arith.index_cast %scan3A_445 : i32 to index
        %get3A_469 = arith.constant 32 : index
        %get3A_470 = tpu.vector_load %get3A_467[%get3A_468, %get3A_469] {strides = array<i32>} : memref<96x64xf32, #tpu.memory_space<vmem>>, vector<1x16xf32>,
        %get3A_471 = vector.shape_cast %get3A_470 : vector<1x16xf32> to vector<16xf32>
        %add3A_472 = arith.addf %add3A_434, %get3A_471 : vector<16xf32>
        %get3A_473 = arith.constant 0 : i32
        %get3A_474 = arith.constant 0 : i32
        %get3A_475 = tpu.memref_slice %arg6[%scan3A_269, %get3A_473, %get3A_474] : memref<4x96x64xf32, #tpu.memory_space<vmem>> -> memref<1x96x64xf32, #tpu.memory_space<vmem>>
        %get3A_476 = tpu.memref_squeeze %get3A_475 : memref<1x96x64xf32, #tpu.memory_space<vmem>> -> memref<96x64xf32, #tpu.memory_space<vmem>>
        %get3A_477 = arith.index_cast %scan3A_445 : i32 to index
        %get3A_478 = arith.constant 48 : index
        %get3A_479 = tpu.vector_load %get3A_476[%get3A_477, %get3A_478] {strides = array<i32>} : memref<96x64xf32, #tpu.memory_space<vmem>>, vector<1x16xf32>,
        %get3A_480 = vector.shape_cast %get3A_479 : vector<1x16xf32> to vector<16xf32>
        %add3A_481 = arith.addf %add3A_443, %get3A_480 : vector<16xf32>
        %scan3A_482 = arith.constant 2 : i32
        %scan3A_483 = arith.addi %scan3A_404, %scan3A_482 : i32
        %get3A_484 = arith.constant 0 : i32
        %get3A_485 = arith.constant 0 : i32
        %get3A_486 = tpu.memref_slice %arg6[%scan3A_269, %get3A_484, %get3A_485] : memref<4x96x64xf32, #tpu.memory_space<vmem>> -> memref<1x96x64xf32, #tpu.memory_space<vmem>>
        %get3A_487 = tpu.memref_squeeze %get3A_486 : memref<1x96x64xf32, #tpu.memory_space<vmem>> -> memref<96x64xf32, #tpu.memory_space<vmem>>
        %get3A_488 = arith.index_cast %scan3A_483 : i32 to index
        %get3A_489 = arith.constant 0 : index
        %get3A_490 = tpu.vector_load %get3A_487[%get3A_488, %get3A_489] {strides = array<i32>} : memref<96x64xf32, #tpu.memory_space<vmem>>, vector<1x16xf32>,
        %get3A_491 = vector.shape_cast %get3A_490 : vector<1x16xf32> to vector<16xf32>
        %add3A_492 = arith.addf %add3A_454, %get3A_491 : vector<16xf32>
        %get3A_493 = arith.constant 0 : i32
        %get3A_494 = arith.constant 0 : i32
        %get3A_495 = tpu.memref_slice %arg6[%scan3A_269, %get3A_493, %get3A_494] : memref<4x96x64xf32, #tpu.memory_space<vmem>> -> memref<1x96x64xf32, #tpu.memory_space<vmem>>
        %get3A_496 = tpu.memref_squeeze %get3A_495 : memref<1x96x64xf32, #tpu.memory_space<vmem>> -> memref<96x64xf32, #tpu.memory_space<vmem>>
        %get3A_497 = arith.index_cast %scan3A_483 : i32 to index
        %get3A_498 = arith.constant 16 : index
        %get3A_499 = tpu.vector_load %get3A_496[%get3A_497, %get3A_498] {strides = array<i32>} : memref<96x64xf32, #tpu.memory_space<vmem>>, vector<1x16xf32>,
        %get3A_500 = vector.shape_cast %get3A_499 : vector<1x16xf32> to vector<16xf32>
        %add3A_501 = arith.addf %add3A_463, %get3A_500 : vector<16xf32>
        %get3A_502 = arith.constant 0 : i32
        %get3A_503 = arith.constant 0 : i32
        %get3A_504 = tpu.memref_slice %arg6[%scan3A_269, %get3A_502, %get3A_503] : memref<4x96x64xf32, #tpu.memory_space<vmem>> -> memref<1x96x64xf32, #tpu.memory_space<vmem>>
        %get3A_505 = tpu.memref_squeeze %get3A_504 : memref<1x96x64xf32, #tpu.memory_space<vmem>> -> memref<96x64xf32, #tpu.memory_space<vmem>>
        %get3A_506 = arith.index_cast %scan3A_483 : i32 to index
        %get3A_507 = arith.constant 32 : index
        %get3A_508 = tpu.vector_load %get3A_505[%get3A_506, %get3A_507] {strides = array<i32>} : memref<96x64xf32, #tpu.memory_space<vmem>>, vector<1x16xf32>,
        %get3A_509 = vector.shape_cast %get3A_508 : vector<1x16xf32> to vector<16xf32>
        %add3A_510 = arith.addf %add3A_472, %get3A_509 : vector<16xf32>
        %get3A_511 = arith.constant 0 : i32
        %get3A_512 = arith.constant 0 : i32
        %get3A_513 = tpu.memref_slice %arg6[%scan3A_269, %get3A_511, %get3A_512] : memref<4x96x64xf32, #tpu.memory_space<vmem>> -> memref<1x96x64xf32, #tpu.memory_space<vmem>>
        %get3A_514 = tpu.memref_squeeze %get3A_513 : memref<1x96x64xf32, #tpu.memory_space<vmem>> -> memref<96x64xf32, #tpu.memory_space<vmem>>
        %get3A_515 = arith.index_cast %scan3A_483 : i32 to index
        %get3A_516 = arith.constant 48 : index
        %get3A_517 = tpu.vector_load %get3A_514[%get3A_515, %get3A_516] {strides = array<i32>} : memref<96x64xf32, #tpu.memory_space<vmem>>, vector<1x16xf32>,
        %get3A_518 = vector.shape_cast %get3A_517 : vector<1x16xf32> to vector<16xf32>
        %add3A_519 = arith.addf %add3A_481, %get3A_518 : vector<16xf32>
        %scan3A_520 = arith.constant 3 : i32
        %scan3A_521 = arith.addi %scan3A_404, %scan3A_520 : i32
        %get3A_522 = arith.constant 0 : i32
        %get3A_523 = arith.constant 0 : i32
        %get3A_524 = tpu.memref_slice %arg6[%scan3A_269, %get3A_522, %get3A_523] : memref<4x96x64xf32, #tpu.memory_space<vmem>> -> memref<1x96x64xf32, #tpu.memory_space<vmem>>
        %get3A_525 = tpu.memref_squeeze %get3A_524 : memref<1x96x64xf32, #tpu.memory_space<vmem>> -> memref<96x64xf32, #tpu.memory_space<vmem>>
        %get3A_526 = arith.index_cast %scan3A_521 : i32 to index
        %get3A_527 = arith.constant 0 : index
        %get3A_528 = tpu.vector_load %get3A_525[%get3A_526, %get3A_527] {strides = array<i32>} : memref<96x64xf32, #tpu.memory_space<vmem>>, vector<1x16xf32>,
        %get3A_529 = vector.shape_cast %get3A_528 : vector<1x16xf32> to vector<16xf32>
        %add3A_530 = arith.addf %add3A_492, %get3A_529 : vector<16xf32>
        %get3A_531 = arith.constant 0 : i32
        %get3A_532 = arith.constant 0 : i32
        %get3A_533 = tpu.memref_slice %arg6[%scan3A_269, %get3A_531, %get3A_532] : memref<4x96x64xf32, #tpu.memory_space<vmem>> -> memref<1x96x64xf32, #tpu.memory_space<vmem>>
        %get3A_534 = tpu.memref_squeeze %get3A_533 : memref<1x96x64xf32, #tpu.memory_space<vmem>> -> memref<96x64xf32, #tpu.memory_space<vmem>>
        %get3A_535 = arith.index_cast %scan3A_521 : i32 to index
        %get3A_536 = arith.constant 16 : index
        %get3A_537 = tpu.vector_load %get3A_534[%get3A_535, %get3A_536] {strides = array<i32>} : memref<96x64xf32, #tpu.memory_space<vmem>>, vector<1x16xf32>,
        %get3A_538 = vector.shape_cast %get3A_537 : vector<1x16xf32> to vector<16xf32>
        %add3A_539 = arith.addf %add3A_501, %get3A_538 : vector<16xf32>
        %get3A_540 = arith.constant 0 : i32
        %get3A_541 = arith.constant 0 : i32
        %get3A_542 = tpu.memref_slice %arg6[%scan3A_269, %get3A_540, %get3A_541] : memref<4x96x64xf32, #tpu.memory_space<vmem>> -> memref<1x96x64xf32, #tpu.memory_space<vmem>>
        %get3A_543 = tpu.memref_squeeze %get3A_542 : memref<1x96x64xf32, #tpu.memory_space<vmem>> -> memref<96x64xf32, #tpu.memory_space<vmem>>
        %get3A_544 = arith.index_cast %scan3A_521 : i32 to index
        %get3A_545 = arith.constant 32 : index
        %get3A_546 = tpu.vector_load %get3A_543[%get3A_544, %get3A_545] {strides = array<i32>} : memref<96x64xf32, #tpu.memory_space<vmem>>, vector<1x16xf32>,
        %get3A_547 = vector.shape_cast %get3A_546 : vector<1x16xf32> to vector<16xf32>
        %add3A_548 = arith.addf %add3A_510, %get3A_547 : vector<16xf32>
        %get3A_549 = arith.constant 0 : i32
        %get3A_550 = arith.constant 0 : i32
        %get3A_551 = tpu.memref_slice %arg6[%scan3A_269, %get3A_549, %get3A_550] : memref<4x96x64xf32, #tpu.memory_space<vmem>> -> memref<1x96x64xf32, #tpu.memory_space<vmem>>
        %get3A_552 = tpu.memref_squeeze %get3A_551 : memref<1x96x64xf32, #tpu.memory_space<vmem>> -> memref<96x64xf32, #tpu.memory_space<vmem>>
        %get3A_553 = arith.index_cast %scan3A_521 : i32 to index
        %get3A_554 = arith.constant 48 : index
        %get3A_555 = tpu.vector_load %get3A_552[%get3A_553, %get3A_554] {strides = array<i32>} : memref<96x64xf32, #tpu.memory_space<vmem>>, vector<1x16xf32>,
        %get3A_556 = vector.shape_cast %get3A_555 : vector<1x16xf32> to vector<16xf32>
        %add3A_557 = arith.addf %add3A_519, %get3A_556 : vector<16xf32>
        scf.yield %add3A_530, %add3A_539, %add3A_548, %add3A_557 : vector<16xf32>, vector<16xf32>, vector<16xf32>, vector<16xf32>
      }
      %scan3A_275 = arith.constant 96 : i32
      %add3A_276 = arith.constant 4 : i32
      %add3A_277 = arith.addi %add3A_255, %add3A_276 : i32
      %lt3A_278 = arith.constant 128 : i32
      %lt3A_279 = arith.cmpi slt, %add3A_277, %lt3A_278 : i32
      %convert_element_type3A_280 = arith.extui %lt3A_279 : i1 to i32
      %cond3A_281 = arith.constant 0 : i32
      %cond3A_282 = arith.cmpi ne, %convert_element_type3A_280, %cond3A_281 : i32
      scf.if %cond3A_282 {
        %add3A_404 = arith.constant 4 : i32
        %add3A_405 = arith.addi %add3A_255, %add3A_404 : i32
        %dma_start3A_406 = arith.constant 2 : i32
        %dma_start3A_407 = arith.constant 0 : i32
        %dma_start3A_408 = arith.constant 0 : i32
        %dma_start3A_409 = tpu.memref_slice %arg6[%dma_start3A_406, %dma_start3A_407, %dma_start3A_408] : memref<4x96x64xf32, #tpu.memory_space<vmem>> -> memref<1x96x64xf32, #tpu.memory_space<vmem>>
        %dma_start3A_410 = tpu.memref_squeeze %dma_start3A_409 : memref<1x96x64xf32, #tpu.memory_space<vmem>> -> memref<96x64xf32, #tpu.memory_space<vmem>>
        %dma_start3A_411 = arith.constant 0 : i32
        %dma_start3A_412 = tpu.memref_slice %arg5[%add3A_405, %dma_start3A_411] : memref<128x200xi32, #tpu.memory_space<vmem>> -> memref<1x96xi32, #tpu.memory_space<vmem>>
        %dma_start3A_413 = tpu.memref_squeeze %dma_start3A_412 : memref<1x96xi32, #tpu.memory_space<vmem>> -> memref<96xi32, #tpu.memory_space<vmem>>
        %dma_start3A_414 = arith.constant 0 : i32
        %dma_start3A_415 = arith.constant 0 : i32
        %dma_start3A_416 = tpu.memref_slice %arg2[%dma_start3A_414, %dma_start3A_415] : memref<1003520x64xf32, #tpu.memory_space<hbm>> -> memref<1003520x64xf32, #tpu.memory_space<hbm>>
        tpu.enqueue_indirect_dma source(%dma_start3A_416 : memref<1003520x64xf32, #tpu.memory_space<hbm>>) target(%dma_start3A_410 : memref<96x64xf32, #tpu.memory_space<vmem>>) offsets(%dma_start3A_413 : memref<96xi32, #tpu.memory_space<vmem>>) semaphore(%arg13 : memref<!tpu.dma_semaphore, #tpu.memory_space<semaphore_mem>>)
      } else {
      }
      %dma_wait3A_283 = arith.constant 2 : i32
      %dma_wait3A_284 = arith.constant 0 : i32
      %dma_wait3A_285 = arith.constant 0 : i32
      %dma_wait3A_286 = tpu.memref_slice %arg7[%dma_wait3A_283, %dma_wait3A_284, %dma_wait3A_285] : memref<4x104x64xf32, #tpu.memory_space<vmem>> -> memref<1x104x64xf32, #tpu.memory_space<vmem>>
      %dma_wait3A_287 = tpu.memref_squeeze %dma_wait3A_286 : memref<1x104x64xf32, #tpu.memory_space<vmem>> -> memref<104x64xf32, #tpu.memory_space<vmem>>
      %dma_wait3A_288 = arith.constant 96 : i32
      %dma_wait3A_289 = tpu.memref_slice %arg5[%add3A_255, %dma_wait3A_288] : memref<128x200xi32, #tpu.memory_space<vmem>> -> memref<1x104xi32, #tpu.memory_space<vmem>>
      %dma_wait3A_290 = tpu.memref_squeeze %dma_wait3A_289 : memref<1x104xi32, #tpu.memory_space<vmem>> -> memref<104xi32, #tpu.memory_space<vmem>>
      %dma_wait3A_291 = arith.constant 0 : i32
      %dma_wait3A_292 = arith.constant 0 : i32
      %dma_wait3A_293 = tpu.memref_slice %arg2[%dma_wait3A_291, %dma_wait3A_292] : memref<1003520x64xf32, #tpu.memory_space<hbm>> -> memref<1003520x64xf32, #tpu.memory_space<hbm>>
      tpu.wait_indirect_dma semaphore(%arg14 : memref<!tpu.dma_semaphore, #tpu.memory_space<semaphore_mem>>) src(%dma_wait3A_293 : memref<1003520x64xf32, #tpu.memory_space<hbm>>) dst(%dma_wait3A_287 : memref<104x64xf32, #tpu.memory_space<vmem>>)
      %scan3A_294 = arith.constant 2 : i32
      %scan3A_295 = arith.constant 0 : i32
      %scan3A_296 = arith.constant 104 : i32
      %scan3A_297 = arith.addi %scan3A_295, %scan3A_296 : i32
      %scan3A_298 = arith.constant 4 : i32
      %scan3A_299:4 = scf.for %scan3A_404 = %scan3A_295 to %scan3A_297 step %scan3A_298 iter_args(%scan3A_405 = %scan3A_274#0, %scan3A_406 = %scan3A_274#1, %scan3A_407 = %scan3A_274#2, %scan3A_408 = %scan3A_274#3) -> (vector<16xf32>, vector<16xf32>, vector<16xf32>, vector<16xf32>)  : i32 {
        %get3A = arith.constant 0 : i32
        %get3A_409 = arith.constant 0 : i32
        %get3A_410 = tpu.memref_slice %arg7[%scan3A_294, %get3A, %get3A_409] : memref<4x104x64xf32, #tpu.memory_space<vmem>> -> memref<1x104x64xf32, #tpu.memory_space<vmem>>
        %get3A_411 = tpu.memref_squeeze %get3A_410 : memref<1x104x64xf32, #tpu.memory_space<vmem>> -> memref<104x64xf32, #tpu.memory_space<vmem>>
        %get3A_412 = arith.index_cast %scan3A_404 : i32 to index
        %get3A_413 = arith.constant 0 : index
        %get3A_414 = tpu.vector_load %get3A_411[%get3A_412, %get3A_413] {strides = array<i32>} : memref<104x64xf32, #tpu.memory_space<vmem>>, vector<1x16xf32>,
        %get3A_415 = vector.shape_cast %get3A_414 : vector<1x16xf32> to vector<16xf32>
        %add3A_416 = arith.addf %scan3A_405, %get3A_415 : vector<16xf32>
        %get3A_417 = arith.constant 0 : i32
        %get3A_418 = arith.constant 0 : i32
        %get3A_419 = tpu.memref_slice %arg7[%scan3A_294, %get3A_417, %get3A_418] : memref<4x104x64xf32, #tpu.memory_space<vmem>> -> memref<1x104x64xf32, #tpu.memory_space<vmem>>
        %get3A_420 = tpu.memref_squeeze %get3A_419 : memref<1x104x64xf32, #tpu.memory_space<vmem>> -> memref<104x64xf32, #tpu.memory_space<vmem>>
        %get3A_421 = arith.index_cast %scan3A_404 : i32 to index
        %get3A_422 = arith.constant 16 : index
        %get3A_423 = tpu.vector_load %get3A_420[%get3A_421, %get3A_422] {strides = array<i32>} : memref<104x64xf32, #tpu.memory_space<vmem>>, vector<1x16xf32>,
        %get3A_424 = vector.shape_cast %get3A_423 : vector<1x16xf32> to vector<16xf32>
        %add3A_425 = arith.addf %scan3A_406, %get3A_424 : vector<16xf32>
        %get3A_426 = arith.constant 0 : i32
        %get3A_427 = arith.constant 0 : i32
        %get3A_428 = tpu.memref_slice %arg7[%scan3A_294, %get3A_426, %get3A_427] : memref<4x104x64xf32, #tpu.memory_space<vmem>> -> memref<1x104x64xf32, #tpu.memory_space<vmem>>
        %get3A_429 = tpu.memref_squeeze %get3A_428 : memref<1x104x64xf32, #tpu.memory_space<vmem>> -> memref<104x64xf32, #tpu.memory_space<vmem>>
        %get3A_430 = arith.index_cast %scan3A_404 : i32 to index
        %get3A_431 = arith.constant 32 : index
        %get3A_432 = tpu.vector_load %get3A_429[%get3A_430, %get3A_431] {strides = array<i32>} : memref<104x64xf32, #tpu.memory_space<vmem>>, vector<1x16xf32>,
        %get3A_433 = vector.shape_cast %get3A_432 : vector<1x16xf32> to vector<16xf32>
        %add3A_434 = arith.addf %scan3A_407, %get3A_433 : vector<16xf32>
        %get3A_435 = arith.constant 0 : i32
        %get3A_436 = arith.constant 0 : i32
        %get3A_437 = tpu.memref_slice %arg7[%scan3A_294, %get3A_435, %get3A_436] : memref<4x104x64xf32, #tpu.memory_space<vmem>> -> memref<1x104x64xf32, #tpu.memory_space<vmem>>
        %get3A_438 = tpu.memref_squeeze %get3A_437 : memref<1x104x64xf32, #tpu.memory_space<vmem>> -> memref<104x64xf32, #tpu.memory_space<vmem>>
        %get3A_439 = arith.index_cast %scan3A_404 : i32 to index
        %get3A_440 = arith.constant 48 : index
        %get3A_441 = tpu.vector_load %get3A_438[%get3A_439, %get3A_440] {strides = array<i32>} : memref<104x64xf32, #tpu.memory_space<vmem>>, vector<1x16xf32>,
        %get3A_442 = vector.shape_cast %get3A_441 : vector<1x16xf32> to vector<16xf32>
        %add3A_443 = arith.addf %scan3A_408, %get3A_442 : vector<16xf32>
        %scan3A_444 = arith.constant 1 : i32
        %scan3A_445 = arith.addi %scan3A_404, %scan3A_444 : i32
        %get3A_446 = arith.constant 0 : i32
        %get3A_447 = arith.constant 0 : i32
        %get3A_448 = tpu.memref_slice %arg7[%scan3A_294, %get3A_446, %get3A_447] : memref<4x104x64xf32, #tpu.memory_space<vmem>> -> memref<1x104x64xf32, #tpu.memory_space<vmem>>
        %get3A_449 = tpu.memref_squeeze %get3A_448 : memref<1x104x64xf32, #tpu.memory_space<vmem>> -> memref<104x64xf32, #tpu.memory_space<vmem>>
        %get3A_450 = arith.index_cast %scan3A_445 : i32 to index
        %get3A_451 = arith.constant 0 : index
        %get3A_452 = tpu.vector_load %get3A_449[%get3A_450, %get3A_451] {strides = array<i32>} : memref<104x64xf32, #tpu.memory_space<vmem>>, vector<1x16xf32>,
        %get3A_453 = vector.shape_cast %get3A_452 : vector<1x16xf32> to vector<16xf32>
        %add3A_454 = arith.addf %add3A_416, %get3A_453 : vector<16xf32>
        %get3A_455 = arith.constant 0 : i32
        %get3A_456 = arith.constant 0 : i32
        %get3A_457 = tpu.memref_slice %arg7[%scan3A_294, %get3A_455, %get3A_456] : memref<4x104x64xf32, #tpu.memory_space<vmem>> -> memref<1x104x64xf32, #tpu.memory_space<vmem>>
        %get3A_458 = tpu.memref_squeeze %get3A_457 : memref<1x104x64xf32, #tpu.memory_space<vmem>> -> memref<104x64xf32, #tpu.memory_space<vmem>>
        %get3A_459 = arith.index_cast %scan3A_445 : i32 to index
        %get3A_460 = arith.constant 16 : index
        %get3A_461 = tpu.vector_load %get3A_458[%get3A_459, %get3A_460] {strides = array<i32>} : memref<104x64xf32, #tpu.memory_space<vmem>>, vector<1x16xf32>,
        %get3A_462 = vector.shape_cast %get3A_461 : vector<1x16xf32> to vector<16xf32>
        %add3A_463 = arith.addf %add3A_425, %get3A_462 : vector<16xf32>
        %get3A_464 = arith.constant 0 : i32
        %get3A_465 = arith.constant 0 : i32
        %get3A_466 = tpu.memref_slice %arg7[%scan3A_294, %get3A_464, %get3A_465] : memref<4x104x64xf32, #tpu.memory_space<vmem>> -> memref<1x104x64xf32, #tpu.memory_space<vmem>>
        %get3A_467 = tpu.memref_squeeze %get3A_466 : memref<1x104x64xf32, #tpu.memory_space<vmem>> -> memref<104x64xf32, #tpu.memory_space<vmem>>
        %get3A_468 = arith.index_cast %scan3A_445 : i32 to index
        %get3A_469 = arith.constant 32 : index
        %get3A_470 = tpu.vector_load %get3A_467[%get3A_468, %get3A_469] {strides = array<i32>} : memref<104x64xf32, #tpu.memory_space<vmem>>, vector<1x16xf32>,
        %get3A_471 = vector.shape_cast %get3A_470 : vector<1x16xf32> to vector<16xf32>
        %add3A_472 = arith.addf %add3A_434, %get3A_471 : vector<16xf32>
        %get3A_473 = arith.constant 0 : i32
        %get3A_474 = arith.constant 0 : i32
        %get3A_475 = tpu.memref_slice %arg7[%scan3A_294, %get3A_473, %get3A_474] : memref<4x104x64xf32, #tpu.memory_space<vmem>> -> memref<1x104x64xf32, #tpu.memory_space<vmem>>
        %get3A_476 = tpu.memref_squeeze %get3A_475 : memref<1x104x64xf32, #tpu.memory_space<vmem>> -> memref<104x64xf32, #tpu.memory_space<vmem>>
        %get3A_477 = arith.index_cast %scan3A_445 : i32 to index
        %get3A_478 = arith.constant 48 : index
        %get3A_479 = tpu.vector_load %get3A_476[%get3A_477, %get3A_478] {strides = array<i32>} : memref<104x64xf32, #tpu.memory_space<vmem>>, vector<1x16xf32>,
        %get3A_480 = vector.shape_cast %get3A_479 : vector<1x16xf32> to vector<16xf32>
        %add3A_481 = arith.addf %add3A_443, %get3A_480 : vector<16xf32>
        %scan3A_482 = arith.constant 2 : i32
        %scan3A_483 = arith.addi %scan3A_404, %scan3A_482 : i32
        %get3A_484 = arith.constant 0 : i32
        %get3A_485 = arith.constant 0 : i32
        %get3A_486 = tpu.memref_slice %arg7[%scan3A_294, %get3A_484, %get3A_485] : memref<4x104x64xf32, #tpu.memory_space<vmem>> -> memref<1x104x64xf32, #tpu.memory_space<vmem>>
        %get3A_487 = tpu.memref_squeeze %get3A_486 : memref<1x104x64xf32, #tpu.memory_space<vmem>> -> memref<104x64xf32, #tpu.memory_space<vmem>>
        %get3A_488 = arith.index_cast %scan3A_483 : i32 to index
        %get3A_489 = arith.constant 0 : index
        %get3A_490 = tpu.vector_load %get3A_487[%get3A_488, %get3A_489] {strides = array<i32>} : memref<104x64xf32, #tpu.memory_space<vmem>>, vector<1x16xf32>,
        %get3A_491 = vector.shape_cast %get3A_490 : vector<1x16xf32> to vector<16xf32>
        %add3A_492 = arith.addf %add3A_454, %get3A_491 : vector<16xf32>
        %get3A_493 = arith.constant 0 : i32
        %get3A_494 = arith.constant 0 : i32
        %get3A_495 = tpu.memref_slice %arg7[%scan3A_294, %get3A_493, %get3A_494] : memref<4x104x64xf32, #tpu.memory_space<vmem>> -> memref<1x104x64xf32, #tpu.memory_space<vmem>>
        %get3A_496 = tpu.memref_squeeze %get3A_495 : memref<1x104x64xf32, #tpu.memory_space<vmem>> -> memref<104x64xf32, #tpu.memory_space<vmem>>
        %get3A_497 = arith.index_cast %scan3A_483 : i32 to index
        %get3A_498 = arith.constant 16 : index
        %get3A_499 = tpu.vector_load %get3A_496[%get3A_497, %get3A_498] {strides = array<i32>} : memref<104x64xf32, #tpu.memory_space<vmem>>, vector<1x16xf32>,
        %get3A_500 = vector.shape_cast %get3A_499 : vector<1x16xf32> to vector<16xf32>
        %add3A_501 = arith.addf %add3A_463, %get3A_500 : vector<16xf32>
        %get3A_502 = arith.constant 0 : i32
        %get3A_503 = arith.constant 0 : i32
        %get3A_504 = tpu.memref_slice %arg7[%scan3A_294, %get3A_502, %get3A_503] : memref<4x104x64xf32, #tpu.memory_space<vmem>> -> memref<1x104x64xf32, #tpu.memory_space<vmem>>
        %get3A_505 = tpu.memref_squeeze %get3A_504 : memref<1x104x64xf32, #tpu.memory_space<vmem>> -> memref<104x64xf32, #tpu.memory_space<vmem>>
        %get3A_506 = arith.index_cast %scan3A_483 : i32 to index
        %get3A_507 = arith.constant 32 : index
        %get3A_508 = tpu.vector_load %get3A_505[%get3A_506, %get3A_507] {strides = array<i32>} : memref<104x64xf32, #tpu.memory_space<vmem>>, vector<1x16xf32>,
        %get3A_509 = vector.shape_cast %get3A_508 : vector<1x16xf32> to vector<16xf32>
        %add3A_510 = arith.addf %add3A_472, %get3A_509 : vector<16xf32>
        %get3A_511 = arith.constant 0 : i32
        %get3A_512 = arith.constant 0 : i32
        %get3A_513 = tpu.memref_slice %arg7[%scan3A_294, %get3A_511, %get3A_512] : memref<4x104x64xf32, #tpu.memory_space<vmem>> -> memref<1x104x64xf32, #tpu.memory_space<vmem>>
        %get3A_514 = tpu.memref_squeeze %get3A_513 : memref<1x104x64xf32, #tpu.memory_space<vmem>> -> memref<104x64xf32, #tpu.memory_space<vmem>>
        %get3A_515 = arith.index_cast %scan3A_483 : i32 to index
        %get3A_516 = arith.constant 48 : index
        %get3A_517 = tpu.vector_load %get3A_514[%get3A_515, %get3A_516] {strides = array<i32>} : memref<104x64xf32, #tpu.memory_space<vmem>>, vector<1x16xf32>,
        %get3A_518 = vector.shape_cast %get3A_517 : vector<1x16xf32> to vector<16xf32>
        %add3A_519 = arith.addf %add3A_481, %get3A_518 : vector<16xf32>
        %scan3A_520 = arith.constant 3 : i32
        %scan3A_521 = arith.addi %scan3A_404, %scan3A_520 : i32
        %get3A_522 = arith.constant 0 : i32
        %get3A_523 = arith.constant 0 : i32
        %get3A_524 = tpu.memref_slice %arg7[%scan3A_294, %get3A_522, %get3A_523] : memref<4x104x64xf32, #tpu.memory_space<vmem>> -> memref<1x104x64xf32, #tpu.memory_space<vmem>>
        %get3A_525 = tpu.memref_squeeze %get3A_524 : memref<1x104x64xf32, #tpu.memory_space<vmem>> -> memref<104x64xf32, #tpu.memory_space<vmem>>
        %get3A_526 = arith.index_cast %scan3A_521 : i32 to index
        %get3A_527 = arith.constant 0 : index
        %get3A_528 = tpu.vector_load %get3A_525[%get3A_526, %get3A_527] {strides = array<i32>} : memref<104x64xf32, #tpu.memory_space<vmem>>, vector<1x16xf32>,
        %get3A_529 = vector.shape_cast %get3A_528 : vector<1x16xf32> to vector<16xf32>
        %add3A_530 = arith.addf %add3A_492, %get3A_529 : vector<16xf32>
        %get3A_531 = arith.constant 0 : i32
        %get3A_532 = arith.constant 0 : i32
        %get3A_533 = tpu.memref_slice %arg7[%scan3A_294, %get3A_531, %get3A_532] : memref<4x104x64xf32, #tpu.memory_space<vmem>> -> memref<1x104x64xf32, #tpu.memory_space<vmem>>
        %get3A_534 = tpu.memref_squeeze %get3A_533 : memref<1x104x64xf32, #tpu.memory_space<vmem>> -> memref<104x64xf32, #tpu.memory_space<vmem>>
        %get3A_535 = arith.index_cast %scan3A_521 : i32 to index
        %get3A_536 = arith.constant 16 : index
        %get3A_537 = tpu.vector_load %get3A_534[%get3A_535, %get3A_536] {strides = array<i32>} : memref<104x64xf32, #tpu.memory_space<vmem>>, vector<1x16xf32>,
        %get3A_538 = vector.shape_cast %get3A_537 : vector<1x16xf32> to vector<16xf32>
        %add3A_539 = arith.addf %add3A_501, %get3A_538 : vector<16xf32>
        %get3A_540 = arith.constant 0 : i32
        %get3A_541 = arith.constant 0 : i32
        %get3A_542 = tpu.memref_slice %arg7[%scan3A_294, %get3A_540, %get3A_541] : memref<4x104x64xf32, #tpu.memory_space<vmem>> -> memref<1x104x64xf32, #tpu.memory_space<vmem>>
        %get3A_543 = tpu.memref_squeeze %get3A_542 : memref<1x104x64xf32, #tpu.memory_space<vmem>> -> memref<104x64xf32, #tpu.memory_space<vmem>>
        %get3A_544 = arith.index_cast %scan3A_521 : i32 to index
        %get3A_545 = arith.constant 32 : index
        %get3A_546 = tpu.vector_load %get3A_543[%get3A_544, %get3A_545] {strides = array<i32>} : memref<104x64xf32, #tpu.memory_space<vmem>>, vector<1x16xf32>,
        %get3A_547 = vector.shape_cast %get3A_546 : vector<1x16xf32> to vector<16xf32>
        %add3A_548 = arith.addf %add3A_510, %get3A_547 : vector<16xf32>
        %get3A_549 = arith.constant 0 : i32
        %get3A_550 = arith.constant 0 : i32
        %get3A_551 = tpu.memref_slice %arg7[%scan3A_294, %get3A_549, %get3A_550] : memref<4x104x64xf32, #tpu.memory_space<vmem>> -> memref<1x104x64xf32, #tpu.memory_space<vmem>>
        %get3A_552 = tpu.memref_squeeze %get3A_551 : memref<1x104x64xf32, #tpu.memory_space<vmem>> -> memref<104x64xf32, #tpu.memory_space<vmem>>
        %get3A_553 = arith.index_cast %scan3A_521 : i32 to index
        %get3A_554 = arith.constant 48 : index
        %get3A_555 = tpu.vector_load %get3A_552[%get3A_553, %get3A_554] {strides = array<i32>} : memref<104x64xf32, #tpu.memory_space<vmem>>, vector<1x16xf32>,
        %get3A_556 = vector.shape_cast %get3A_555 : vector<1x16xf32> to vector<16xf32>
        %add3A_557 = arith.addf %add3A_519, %get3A_556 : vector<16xf32>
        scf.yield %add3A_530, %add3A_539, %add3A_548, %add3A_557 : vector<16xf32>, vector<16xf32>, vector<16xf32>, vector<16xf32>
      }
      %scan3A_300 = arith.constant 104 : i32
      %add3A_301 = arith.constant 4 : i32
      %add3A_302 = arith.addi %add3A_255, %add3A_301 : i32
      %lt3A_303 = arith.constant 128 : i32
      %lt3A_304 = arith.cmpi slt, %add3A_302, %lt3A_303 : i32
      %convert_element_type3A_305 = arith.extui %lt3A_304 : i1 to i32
      %cond3A_306 = arith.constant 0 : i32
      %cond3A_307 = arith.cmpi ne, %convert_element_type3A_305, %cond3A_306 : i32
      scf.if %cond3A_307 {
        %add3A_404 = arith.constant 4 : i32
        %add3A_405 = arith.addi %add3A_255, %add3A_404 : i32
        %dma_start3A_406 = arith.constant 2 : i32
        %dma_start3A_407 = arith.constant 0 : i32
        %dma_start3A_408 = arith.constant 0 : i32
        %dma_start3A_409 = tpu.memref_slice %arg7[%dma_start3A_406, %dma_start3A_407, %dma_start3A_408] : memref<4x104x64xf32, #tpu.memory_space<vmem>> -> memref<1x104x64xf32, #tpu.memory_space<vmem>>
        %dma_start3A_410 = tpu.memref_squeeze %dma_start3A_409 : memref<1x104x64xf32, #tpu.memory_space<vmem>> -> memref<104x64xf32, #tpu.memory_space<vmem>>
        %dma_start3A_411 = arith.constant 96 : i32
        %dma_start3A_412 = tpu.memref_slice %arg5[%add3A_405, %dma_start3A_411] : memref<128x200xi32, #tpu.memory_space<vmem>> -> memref<1x104xi32, #tpu.memory_space<vmem>>
        %dma_start3A_413 = tpu.memref_squeeze %dma_start3A_412 : memref<1x104xi32, #tpu.memory_space<vmem>> -> memref<104xi32, #tpu.memory_space<vmem>>
        %dma_start3A_414 = arith.constant 0 : i32
        %dma_start3A_415 = arith.constant 0 : i32
        %dma_start3A_416 = tpu.memref_slice %arg2[%dma_start3A_414, %dma_start3A_415] : memref<1003520x64xf32, #tpu.memory_space<hbm>> -> memref<1003520x64xf32, #tpu.memory_space<hbm>>
        tpu.enqueue_indirect_dma source(%dma_start3A_416 : memref<1003520x64xf32, #tpu.memory_space<hbm>>) target(%dma_start3A_410 : memref<104x64xf32, #tpu.memory_space<vmem>>) offsets(%dma_start3A_413 : memref<104xi32, #tpu.memory_space<vmem>>) semaphore(%arg14 : memref<!tpu.dma_semaphore, #tpu.memory_space<semaphore_mem>>)
      } else {
      }
      %swap3A_308 = arith.index_cast %add3A_255 : i32 to index
      %swap3A_309 = arith.constant 0 : index
      %swap3A_310 = tpu.vector_load %arg8[%swap3A_308, %swap3A_309] {strides = array<i32>} : memref<128x64xf32, #tpu.memory_space<vmem>>, vector<1x16xf32>,
      %swap3A_311 = vector.shape_cast %swap3A_310 : vector<1x16xf32> to vector<16xf32>
      %swap3A_312 = vector.shape_cast %scan3A_299#0 : vector<16xf32> to vector<1x16xf32>
      tpu.vector_store %arg8[%swap3A_308, %swap3A_309], %swap3A_312 {strides = array<i32>} : memref<128x64xf32, #tpu.memory_space<vmem>>, vector<1x16xf32>,
      %swap3A_313 = arith.index_cast %add3A_255 : i32 to index
      %swap3A_314 = arith.constant 16 : index
      %swap3A_315 = tpu.vector_load %arg8[%swap3A_313, %swap3A_314] {strides = array<i32>} : memref<128x64xf32, #tpu.memory_space<vmem>>, vector<1x16xf32>,
      %swap3A_316 = vector.shape_cast %swap3A_315 : vector<1x16xf32> to vector<16xf32>
      %swap3A_317 = vector.shape_cast %scan3A_299#1 : vector<16xf32> to vector<1x16xf32>
      tpu.vector_store %arg8[%swap3A_313, %swap3A_314], %swap3A_317 {strides = array<i32>} : memref<128x64xf32, #tpu.memory_space<vmem>>, vector<1x16xf32>,
      %swap3A_318 = arith.index_cast %add3A_255 : i32 to index
      %swap3A_319 = arith.constant 32 : index
      %swap3A_320 = tpu.vector_load %arg8[%swap3A_318, %swap3A_319] {strides = array<i32>} : memref<128x64xf32, #tpu.memory_space<vmem>>, vector<1x16xf32>,
      %swap3A_321 = vector.shape_cast %swap3A_320 : vector<1x16xf32> to vector<16xf32>
      %swap3A_322 = vector.shape_cast %scan3A_299#2 : vector<16xf32> to vector<1x16xf32>
      tpu.vector_store %arg8[%swap3A_318, %swap3A_319], %swap3A_322 {strides = array<i32>} : memref<128x64xf32, #tpu.memory_space<vmem>>, vector<1x16xf32>,
      %swap3A_323 = arith.index_cast %add3A_255 : i32 to index
      %swap3A_324 = arith.constant 48 : index
      %swap3A_325 = tpu.vector_load %arg8[%swap3A_323, %swap3A_324] {strides = array<i32>} : memref<128x64xf32, #tpu.memory_space<vmem>>, vector<1x16xf32>,
      %swap3A_326 = vector.shape_cast %swap3A_325 : vector<1x16xf32> to vector<16xf32>
      %swap3A_327 = vector.shape_cast %scan3A_299#3 : vector<16xf32> to vector<1x16xf32>
      tpu.vector_store %arg8[%swap3A_323, %swap3A_324], %swap3A_327 {strides = array<i32>} : memref<128x64xf32, #tpu.memory_space<vmem>>, vector<1x16xf32>,
      %mul3A_328 = arith.constant 4 : i32
      %mul3A_329 = arith.muli %mul3A_328, %scan3A_105 : i32
      %add3A_330 = arith.constant 3 : i32
      %add3A_331 = arith.addi %mul3A_329, %add3A_330 : i32
      %broadcast_in_dim3A_332 = arith.constant 0.000000e+00 : f32
      %broadcast_in_dim3A_333 = vector.broadcast %broadcast_in_dim3A_332 : f32 to vector<16xf32>
      %dma_wait3A_334 = arith.constant 3 : i32
      %dma_wait3A_335 = arith.constant 0 : i32
      %dma_wait3A_336 = arith.constant 0 : i32
      %dma_wait3A_337 = tpu.memref_slice %arg6[%dma_wait3A_334, %dma_wait3A_335, %dma_wait3A_336] : memref<4x96x64xf32, #tpu.memory_space<vmem>> -> memref<1x96x64xf32, #tpu.memory_space<vmem>>
      %dma_wait3A_338 = tpu.memref_squeeze %dma_wait3A_337 : memref<1x96x64xf32, #tpu.memory_space<vmem>> -> memref<96x64xf32, #tpu.memory_space<vmem>>
      %dma_wait3A_339 = arith.constant 0 : i32
      %dma_wait3A_340 = tpu.memref_slice %arg5[%add3A_331, %dma_wait3A_339] : memref<128x200xi32, #tpu.memory_space<vmem>> -> memref<1x96xi32, #tpu.memory_space<vmem>>
      %dma_wait3A_341 = tpu.memref_squeeze %dma_wait3A_340 : memref<1x96xi32, #tpu.memory_space<vmem>> -> memref<96xi32, #tpu.memory_space<vmem>>
      %dma_wait3A_342 = arith.constant 0 : i32
      %dma_wait3A_343 = arith.constant 0 : i32
      %dma_wait3A_344 = tpu.memref_slice %arg2[%dma_wait3A_342, %dma_wait3A_343] : memref<1003520x64xf32, #tpu.memory_space<hbm>> -> memref<1003520x64xf32, #tpu.memory_space<hbm>>
      tpu.wait_indirect_dma semaphore(%arg15 : memref<!tpu.dma_semaphore, #tpu.memory_space<semaphore_mem>>) src(%dma_wait3A_344 : memref<1003520x64xf32, #tpu.memory_space<hbm>>) dst(%dma_wait3A_338 : memref<96x64xf32, #tpu.memory_space<vmem>>)
      %scan3A_345 = arith.constant 3 : i32
      %scan3A_346 = arith.constant 0 : i32
      %scan3A_347 = arith.constant 96 : i32
      %scan3A_348 = arith.addi %scan3A_346, %scan3A_347 : i32
      %scan3A_349 = arith.constant 4 : i32
      %scan3A_350:4 = scf.for %scan3A_404 = %scan3A_346 to %scan3A_348 step %scan3A_349 iter_args(%scan3A_405 = %broadcast_in_dim3A_333, %scan3A_406 = %broadcast_in_dim3A_333, %scan3A_407 = %broadcast_in_dim3A_333, %scan3A_408 = %broadcast_in_dim3A_333) -> (vector<16xf32>, vector<16xf32>, vector<16xf32>, vector<16xf32>)  : i32 {
        %get3A = arith.constant 0 : i32
        %get3A_409 = arith.constant 0 : i32
        %get3A_410 = tpu.memref_slice %arg6[%scan3A_345, %get3A, %get3A_409] : memref<4x96x64xf32, #tpu.memory_space<vmem>> -> memref<1x96x64xf32, #tpu.memory_space<vmem>>
        %get3A_411 = tpu.memref_squeeze %get3A_410 : memref<1x96x64xf32, #tpu.memory_space<vmem>> -> memref<96x64xf32, #tpu.memory_space<vmem>>
        %get3A_412 = arith.index_cast %scan3A_404 : i32 to index
        %get3A_413 = arith.constant 0 : index
        %get3A_414 = tpu.vector_load %get3A_411[%get3A_412, %get3A_413] {strides = array<i32>} : memref<96x64xf32, #tpu.memory_space<vmem>>, vector<1x16xf32>,
        %get3A_415 = vector.shape_cast %get3A_414 : vector<1x16xf32> to vector<16xf32>
        %add3A_416 = arith.addf %scan3A_405, %get3A_415 : vector<16xf32>
        %get3A_417 = arith.constant 0 : i32
        %get3A_418 = arith.constant 0 : i32
        %get3A_419 = tpu.memref_slice %arg6[%scan3A_345, %get3A_417, %get3A_418] : memref<4x96x64xf32, #tpu.memory_space<vmem>> -> memref<1x96x64xf32, #tpu.memory_space<vmem>>
        %get3A_420 = tpu.memref_squeeze %get3A_419 : memref<1x96x64xf32, #tpu.memory_space<vmem>> -> memref<96x64xf32, #tpu.memory_space<vmem>>
        %get3A_421 = arith.index_cast %scan3A_404 : i32 to index
        %get3A_422 = arith.constant 16 : index
        %get3A_423 = tpu.vector_load %get3A_420[%get3A_421, %get3A_422] {strides = array<i32>} : memref<96x64xf32, #tpu.memory_space<vmem>>, vector<1x16xf32>,
        %get3A_424 = vector.shape_cast %get3A_423 : vector<1x16xf32> to vector<16xf32>
        %add3A_425 = arith.addf %scan3A_406, %get3A_424 : vector<16xf32>
        %get3A_426 = arith.constant 0 : i32
        %get3A_427 = arith.constant 0 : i32
        %get3A_428 = tpu.memref_slice %arg6[%scan3A_345, %get3A_426, %get3A_427] : memref<4x96x64xf32, #tpu.memory_space<vmem>> -> memref<1x96x64xf32, #tpu.memory_space<vmem>>
        %get3A_429 = tpu.memref_squeeze %get3A_428 : memref<1x96x64xf32, #tpu.memory_space<vmem>> -> memref<96x64xf32, #tpu.memory_space<vmem>>
        %get3A_430 = arith.index_cast %scan3A_404 : i32 to index
        %get3A_431 = arith.constant 32 : index
        %get3A_432 = tpu.vector_load %get3A_429[%get3A_430, %get3A_431] {strides = array<i32>} : memref<96x64xf32, #tpu.memory_space<vmem>>, vector<1x16xf32>,
        %get3A_433 = vector.shape_cast %get3A_432 : vector<1x16xf32> to vector<16xf32>
        %add3A_434 = arith.addf %scan3A_407, %get3A_433 : vector<16xf32>
        %get3A_435 = arith.constant 0 : i32
        %get3A_436 = arith.constant 0 : i32
        %get3A_437 = tpu.memref_slice %arg6[%scan3A_345, %get3A_435, %get3A_436] : memref<4x96x64xf32, #tpu.memory_space<vmem>> -> memref<1x96x64xf32, #tpu.memory_space<vmem>>
        %get3A_438 = tpu.memref_squeeze %get3A_437 : memref<1x96x64xf32, #tpu.memory_space<vmem>> -> memref<96x64xf32, #tpu.memory_space<vmem>>
        %get3A_439 = arith.index_cast %scan3A_404 : i32 to index
        %get3A_440 = arith.constant 48 : index
        %get3A_441 = tpu.vector_load %get3A_438[%get3A_439, %get3A_440] {strides = array<i32>} : memref<96x64xf32, #tpu.memory_space<vmem>>, vector<1x16xf32>,
        %get3A_442 = vector.shape_cast %get3A_441 : vector<1x16xf32> to vector<16xf32>
        %add3A_443 = arith.addf %scan3A_408, %get3A_442 : vector<16xf32>
        %scan3A_444 = arith.constant 1 : i32
        %scan3A_445 = arith.addi %scan3A_404, %scan3A_444 : i32
        %get3A_446 = arith.constant 0 : i32
        %get3A_447 = arith.constant 0 : i32
        %get3A_448 = tpu.memref_slice %arg6[%scan3A_345, %get3A_446, %get3A_447] : memref<4x96x64xf32, #tpu.memory_space<vmem>> -> memref<1x96x64xf32, #tpu.memory_space<vmem>>
        %get3A_449 = tpu.memref_squeeze %get3A_448 : memref<1x96x64xf32, #tpu.memory_space<vmem>> -> memref<96x64xf32, #tpu.memory_space<vmem>>
        %get3A_450 = arith.index_cast %scan3A_445 : i32 to index
        %get3A_451 = arith.constant 0 : index
        %get3A_452 = tpu.vector_load %get3A_449[%get3A_450, %get3A_451] {strides = array<i32>} : memref<96x64xf32, #tpu.memory_space<vmem>>, vector<1x16xf32>,
        %get3A_453 = vector.shape_cast %get3A_452 : vector<1x16xf32> to vector<16xf32>
        %add3A_454 = arith.addf %add3A_416, %get3A_453 : vector<16xf32>
        %get3A_455 = arith.constant 0 : i32
        %get3A_456 = arith.constant 0 : i32
        %get3A_457 = tpu.memref_slice %arg6[%scan3A_345, %get3A_455, %get3A_456] : memref<4x96x64xf32, #tpu.memory_space<vmem>> -> memref<1x96x64xf32, #tpu.memory_space<vmem>>
        %get3A_458 = tpu.memref_squeeze %get3A_457 : memref<1x96x64xf32, #tpu.memory_space<vmem>> -> memref<96x64xf32, #tpu.memory_space<vmem>>
        %get3A_459 = arith.index_cast %scan3A_445 : i32 to index
        %get3A_460 = arith.constant 16 : index
        %get3A_461 = tpu.vector_load %get3A_458[%get3A_459, %get3A_460] {strides = array<i32>} : memref<96x64xf32, #tpu.memory_space<vmem>>, vector<1x16xf32>,
        %get3A_462 = vector.shape_cast %get3A_461 : vector<1x16xf32> to vector<16xf32>
        %add3A_463 = arith.addf %add3A_425, %get3A_462 : vector<16xf32>
        %get3A_464 = arith.constant 0 : i32
        %get3A_465 = arith.constant 0 : i32
        %get3A_466 = tpu.memref_slice %arg6[%scan3A_345, %get3A_464, %get3A_465] : memref<4x96x64xf32, #tpu.memory_space<vmem>> -> memref<1x96x64xf32, #tpu.memory_space<vmem>>
        %get3A_467 = tpu.memref_squeeze %get3A_466 : memref<1x96x64xf32, #tpu.memory_space<vmem>> -> memref<96x64xf32, #tpu.memory_space<vmem>>
        %get3A_468 = arith.index_cast %scan3A_445 : i32 to index
        %get3A_469 = arith.constant 32 : index
        %get3A_470 = tpu.vector_load %get3A_467[%get3A_468, %get3A_469] {strides = array<i32>} : memref<96x64xf32, #tpu.memory_space<vmem>>, vector<1x16xf32>,
        %get3A_471 = vector.shape_cast %get3A_470 : vector<1x16xf32> to vector<16xf32>
        %add3A_472 = arith.addf %add3A_434, %get3A_471 : vector<16xf32>
        %get3A_473 = arith.constant 0 : i32
        %get3A_474 = arith.constant 0 : i32
        %get3A_475 = tpu.memref_slice %arg6[%scan3A_345, %get3A_473, %get3A_474] : memref<4x96x64xf32, #tpu.memory_space<vmem>> -> memref<1x96x64xf32, #tpu.memory_space<vmem>>
        %get3A_476 = tpu.memref_squeeze %get3A_475 : memref<1x96x64xf32, #tpu.memory_space<vmem>> -> memref<96x64xf32, #tpu.memory_space<vmem>>
        %get3A_477 = arith.index_cast %scan3A_445 : i32 to index
        %get3A_478 = arith.constant 48 : index
        %get3A_479 = tpu.vector_load %get3A_476[%get3A_477, %get3A_478] {strides = array<i32>} : memref<96x64xf32, #tpu.memory_space<vmem>>, vector<1x16xf32>,
        %get3A_480 = vector.shape_cast %get3A_479 : vector<1x16xf32> to vector<16xf32>
        %add3A_481 = arith.addf %add3A_443, %get3A_480 : vector<16xf32>
        %scan3A_482 = arith.constant 2 : i32
        %scan3A_483 = arith.addi %scan3A_404, %scan3A_482 : i32
        %get3A_484 = arith.constant 0 : i32
        %get3A_485 = arith.constant 0 : i32
        %get3A_486 = tpu.memref_slice %arg6[%scan3A_345, %get3A_484, %get3A_485] : memref<4x96x64xf32, #tpu.memory_space<vmem>> -> memref<1x96x64xf32, #tpu.memory_space<vmem>>
        %get3A_487 = tpu.memref_squeeze %get3A_486 : memref<1x96x64xf32, #tpu.memory_space<vmem>> -> memref<96x64xf32, #tpu.memory_space<vmem>>
        %get3A_488 = arith.index_cast %scan3A_483 : i32 to index
        %get3A_489 = arith.constant 0 : index
        %get3A_490 = tpu.vector_load %get3A_487[%get3A_488, %get3A_489] {strides = array<i32>} : memref<96x64xf32, #tpu.memory_space<vmem>>, vector<1x16xf32>,
        %get3A_491 = vector.shape_cast %get3A_490 : vector<1x16xf32> to vector<16xf32>
        %add3A_492 = arith.addf %add3A_454, %get3A_491 : vector<16xf32>
        %get3A_493 = arith.constant 0 : i32
        %get3A_494 = arith.constant 0 : i32
        %get3A_495 = tpu.memref_slice %arg6[%scan3A_345, %get3A_493, %get3A_494] : memref<4x96x64xf32, #tpu.memory_space<vmem>> -> memref<1x96x64xf32, #tpu.memory_space<vmem>>
        %get3A_496 = tpu.memref_squeeze %get3A_495 : memref<1x96x64xf32, #tpu.memory_space<vmem>> -> memref<96x64xf32, #tpu.memory_space<vmem>>
        %get3A_497 = arith.index_cast %scan3A_483 : i32 to index
        %get3A_498 = arith.constant 16 : index
        %get3A_499 = tpu.vector_load %get3A_496[%get3A_497, %get3A_498] {strides = array<i32>} : memref<96x64xf32, #tpu.memory_space<vmem>>, vector<1x16xf32>,
        %get3A_500 = vector.shape_cast %get3A_499 : vector<1x16xf32> to vector<16xf32>
        %add3A_501 = arith.addf %add3A_463, %get3A_500 : vector<16xf32>
        %get3A_502 = arith.constant 0 : i32
        %get3A_503 = arith.constant 0 : i32
        %get3A_504 = tpu.memref_slice %arg6[%scan3A_345, %get3A_502, %get3A_503] : memref<4x96x64xf32, #tpu.memory_space<vmem>> -> memref<1x96x64xf32, #tpu.memory_space<vmem>>
        %get3A_505 = tpu.memref_squeeze %get3A_504 : memref<1x96x64xf32, #tpu.memory_space<vmem>> -> memref<96x64xf32, #tpu.memory_space<vmem>>
        %get3A_506 = arith.index_cast %scan3A_483 : i32 to index
        %get3A_507 = arith.constant 32 : index
        %get3A_508 = tpu.vector_load %get3A_505[%get3A_506, %get3A_507] {strides = array<i32>} : memref<96x64xf32, #tpu.memory_space<vmem>>, vector<1x16xf32>,
        %get3A_509 = vector.shape_cast %get3A_508 : vector<1x16xf32> to vector<16xf32>
        %add3A_510 = arith.addf %add3A_472, %get3A_509 : vector<16xf32>
        %get3A_511 = arith.constant 0 : i32
        %get3A_512 = arith.constant 0 : i32
        %get3A_513 = tpu.memref_slice %arg6[%scan3A_345, %get3A_511, %get3A_512] : memref<4x96x64xf32, #tpu.memory_space<vmem>> -> memref<1x96x64xf32, #tpu.memory_space<vmem>>
        %get3A_514 = tpu.memref_squeeze %get3A_513 : memref<1x96x64xf32, #tpu.memory_space<vmem>> -> memref<96x64xf32, #tpu.memory_space<vmem>>
        %get3A_515 = arith.index_cast %scan3A_483 : i32 to index
        %get3A_516 = arith.constant 48 : index
        %get3A_517 = tpu.vector_load %get3A_514[%get3A_515, %get3A_516] {strides = array<i32>} : memref<96x64xf32, #tpu.memory_space<vmem>>, vector<1x16xf32>,
        %get3A_518 = vector.shape_cast %get3A_517 : vector<1x16xf32> to vector<16xf32>
        %add3A_519 = arith.addf %add3A_481, %get3A_518 : vector<16xf32>
        %scan3A_520 = arith.constant 3 : i32
        %scan3A_521 = arith.addi %scan3A_404, %scan3A_520 : i32
        %get3A_522 = arith.constant 0 : i32
        %get3A_523 = arith.constant 0 : i32
        %get3A_524 = tpu.memref_slice %arg6[%scan3A_345, %get3A_522, %get3A_523] : memref<4x96x64xf32, #tpu.memory_space<vmem>> -> memref<1x96x64xf32, #tpu.memory_space<vmem>>
        %get3A_525 = tpu.memref_squeeze %get3A_524 : memref<1x96x64xf32, #tpu.memory_space<vmem>> -> memref<96x64xf32, #tpu.memory_space<vmem>>
        %get3A_526 = arith.index_cast %scan3A_521 : i32 to index
        %get3A_527 = arith.constant 0 : index
        %get3A_528 = tpu.vector_load %get3A_525[%get3A_526, %get3A_527] {strides = array<i32>} : memref<96x64xf32, #tpu.memory_space<vmem>>, vector<1x16xf32>,
        %get3A_529 = vector.shape_cast %get3A_528 : vector<1x16xf32> to vector<16xf32>
        %add3A_530 = arith.addf %add3A_492, %get3A_529 : vector<16xf32>
        %get3A_531 = arith.constant 0 : i32
        %get3A_532 = arith.constant 0 : i32
        %get3A_533 = tpu.memref_slice %arg6[%scan3A_345, %get3A_531, %get3A_532] : memref<4x96x64xf32, #tpu.memory_space<vmem>> -> memref<1x96x64xf32, #tpu.memory_space<vmem>>
        %get3A_534 = tpu.memref_squeeze %get3A_533 : memref<1x96x64xf32, #tpu.memory_space<vmem>> -> memref<96x64xf32, #tpu.memory_space<vmem>>
        %get3A_535 = arith.index_cast %scan3A_521 : i32 to index
        %get3A_536 = arith.constant 16 : index
        %get3A_537 = tpu.vector_load %get3A_534[%get3A_535, %get3A_536] {strides = array<i32>} : memref<96x64xf32, #tpu.memory_space<vmem>>, vector<1x16xf32>,
        %get3A_538 = vector.shape_cast %get3A_537 : vector<1x16xf32> to vector<16xf32>
        %add3A_539 = arith.addf %add3A_501, %get3A_538 : vector<16xf32>
        %get3A_540 = arith.constant 0 : i32
        %get3A_541 = arith.constant 0 : i32
        %get3A_542 = tpu.memref_slice %arg6[%scan3A_345, %get3A_540, %get3A_541] : memref<4x96x64xf32, #tpu.memory_space<vmem>> -> memref<1x96x64xf32, #tpu.memory_space<vmem>>
        %get3A_543 = tpu.memref_squeeze %get3A_542 : memref<1x96x64xf32, #tpu.memory_space<vmem>> -> memref<96x64xf32, #tpu.memory_space<vmem>>
        %get3A_544 = arith.index_cast %scan3A_521 : i32 to index
        %get3A_545 = arith.constant 32 : index
        %get3A_546 = tpu.vector_load %get3A_543[%get3A_544, %get3A_545] {strides = array<i32>} : memref<96x64xf32, #tpu.memory_space<vmem>>, vector<1x16xf32>,
        %get3A_547 = vector.shape_cast %get3A_546 : vector<1x16xf32> to vector<16xf32>
        %add3A_548 = arith.addf %add3A_510, %get3A_547 : vector<16xf32>
        %get3A_549 = arith.constant 0 : i32
        %get3A_550 = arith.constant 0 : i32
        %get3A_551 = tpu.memref_slice %arg6[%scan3A_345, %get3A_549, %get3A_550] : memref<4x96x64xf32, #tpu.memory_space<vmem>> -> memref<1x96x64xf32, #tpu.memory_space<vmem>>
        %get3A_552 = tpu.memref_squeeze %get3A_551 : memref<1x96x64xf32, #tpu.memory_space<vmem>> -> memref<96x64xf32, #tpu.memory_space<vmem>>
        %get3A_553 = arith.index_cast %scan3A_521 : i32 to index
        %get3A_554 = arith.constant 48 : index
        %get3A_555 = tpu.vector_load %get3A_552[%get3A_553, %get3A_554] {strides = array<i32>} : memref<96x64xf32, #tpu.memory_space<vmem>>, vector<1x16xf32>,
        %get3A_556 = vector.shape_cast %get3A_555 : vector<1x16xf32> to vector<16xf32>
        %add3A_557 = arith.addf %add3A_519, %get3A_556 : vector<16xf32>
        scf.yield %add3A_530, %add3A_539, %add3A_548, %add3A_557 : vector<16xf32>, vector<16xf32>, vector<16xf32>, vector<16xf32>
      }
      %scan3A_351 = arith.constant 96 : i32
      %add3A_352 = arith.constant 4 : i32
      %add3A_353 = arith.addi %add3A_331, %add3A_352 : i32
      %lt3A_354 = arith.constant 128 : i32
      %lt3A_355 = arith.cmpi slt, %add3A_353, %lt3A_354 : i32
      %convert_element_type3A_356 = arith.extui %lt3A_355 : i1 to i32
      %cond3A_357 = arith.constant 0 : i32
      %cond3A_358 = arith.cmpi ne, %convert_element_type3A_356, %cond3A_357 : i32
      scf.if %cond3A_358 {
        %add3A_404 = arith.constant 4 : i32
        %add3A_405 = arith.addi %add3A_331, %add3A_404 : i32
        %dma_start3A_406 = arith.constant 3 : i32
        %dma_start3A_407 = arith.constant 0 : i32
        %dma_start3A_408 = arith.constant 0 : i32
        %dma_start3A_409 = tpu.memref_slice %arg6[%dma_start3A_406, %dma_start3A_407, %dma_start3A_408] : memref<4x96x64xf32, #tpu.memory_space<vmem>> -> memref<1x96x64xf32, #tpu.memory_space<vmem>>
        %dma_start3A_410 = tpu.memref_squeeze %dma_start3A_409 : memref<1x96x64xf32, #tpu.memory_space<vmem>> -> memref<96x64xf32, #tpu.memory_space<vmem>>
        %dma_start3A_411 = arith.constant 0 : i32
        %dma_start3A_412 = tpu.memref_slice %arg5[%add3A_405, %dma_start3A_411] : memref<128x200xi32, #tpu.memory_space<vmem>> -> memref<1x96xi32, #tpu.memory_space<vmem>>
        %dma_start3A_413 = tpu.memref_squeeze %dma_start3A_412 : memref<1x96xi32, #tpu.memory_space<vmem>> -> memref<96xi32, #tpu.memory_space<vmem>>
        %dma_start3A_414 = arith.constant 0 : i32
        %dma_start3A_415 = arith.constant 0 : i32
        %dma_start3A_416 = tpu.memref_slice %arg2[%dma_start3A_414, %dma_start3A_415] : memref<1003520x64xf32, #tpu.memory_space<hbm>> -> memref<1003520x64xf32, #tpu.memory_space<hbm>>
        tpu.enqueue_indirect_dma source(%dma_start3A_416 : memref<1003520x64xf32, #tpu.memory_space<hbm>>) target(%dma_start3A_410 : memref<96x64xf32, #tpu.memory_space<vmem>>) offsets(%dma_start3A_413 : memref<96xi32, #tpu.memory_space<vmem>>) semaphore(%arg15 : memref<!tpu.dma_semaphore, #tpu.memory_space<semaphore_mem>>)
      } else {
      }
      %dma_wait3A_359 = arith.constant 3 : i32
      %dma_wait3A_360 = arith.constant 0 : i32
      %dma_wait3A_361 = arith.constant 0 : i32
      %dma_wait3A_362 = tpu.memref_slice %arg7[%dma_wait3A_359, %dma_wait3A_360, %dma_wait3A_361] : memref<4x104x64xf32, #tpu.memory_space<vmem>> -> memref<1x104x64xf32, #tpu.memory_space<vmem>>
      %dma_wait3A_363 = tpu.memref_squeeze %dma_wait3A_362 : memref<1x104x64xf32, #tpu.memory_space<vmem>> -> memref<104x64xf32, #tpu.memory_space<vmem>>
      %dma_wait3A_364 = arith.constant 96 : i32
      %dma_wait3A_365 = tpu.memref_slice %arg5[%add3A_331, %dma_wait3A_364] : memref<128x200xi32, #tpu.memory_space<vmem>> -> memref<1x104xi32, #tpu.memory_space<vmem>>
      %dma_wait3A_366 = tpu.memref_squeeze %dma_wait3A_365 : memref<1x104xi32, #tpu.memory_space<vmem>> -> memref<104xi32, #tpu.memory_space<vmem>>
      %dma_wait3A_367 = arith.constant 0 : i32
      %dma_wait3A_368 = arith.constant 0 : i32
      %dma_wait3A_369 = tpu.memref_slice %arg2[%dma_wait3A_367, %dma_wait3A_368] : memref<1003520x64xf32, #tpu.memory_space<hbm>> -> memref<1003520x64xf32, #tpu.memory_space<hbm>>
      tpu.wait_indirect_dma semaphore(%arg16 : memref<!tpu.dma_semaphore, #tpu.memory_space<semaphore_mem>>) src(%dma_wait3A_369 : memref<1003520x64xf32, #tpu.memory_space<hbm>>) dst(%dma_wait3A_363 : memref<104x64xf32, #tpu.memory_space<vmem>>)
      %scan3A_370 = arith.constant 3 : i32
      %scan3A_371 = arith.constant 0 : i32
      %scan3A_372 = arith.constant 104 : i32
      %scan3A_373 = arith.addi %scan3A_371, %scan3A_372 : i32
      %scan3A_374 = arith.constant 4 : i32
      %scan3A_375:4 = scf.for %scan3A_404 = %scan3A_371 to %scan3A_373 step %scan3A_374 iter_args(%scan3A_405 = %scan3A_350#0, %scan3A_406 = %scan3A_350#1, %scan3A_407 = %scan3A_350#2, %scan3A_408 = %scan3A_350#3) -> (vector<16xf32>, vector<16xf32>, vector<16xf32>, vector<16xf32>)  : i32 {
        %get3A = arith.constant 0 : i32
        %get3A_409 = arith.constant 0 : i32
        %get3A_410 = tpu.memref_slice %arg7[%scan3A_370, %get3A, %get3A_409] : memref<4x104x64xf32, #tpu.memory_space<vmem>> -> memref<1x104x64xf32, #tpu.memory_space<vmem>>
        %get3A_411 = tpu.memref_squeeze %get3A_410 : memref<1x104x64xf32, #tpu.memory_space<vmem>> -> memref<104x64xf32, #tpu.memory_space<vmem>>
        %get3A_412 = arith.index_cast %scan3A_404 : i32 to index
        %get3A_413 = arith.constant 0 : index
        %get3A_414 = tpu.vector_load %get3A_411[%get3A_412, %get3A_413] {strides = array<i32>} : memref<104x64xf32, #tpu.memory_space<vmem>>, vector<1x16xf32>,
        %get3A_415 = vector.shape_cast %get3A_414 : vector<1x16xf32> to vector<16xf32>
        %add3A_416 = arith.addf %scan3A_405, %get3A_415 : vector<16xf32>
        %get3A_417 = arith.constant 0 : i32
        %get3A_418 = arith.constant 0 : i32
        %get3A_419 = tpu.memref_slice %arg7[%scan3A_370, %get3A_417, %get3A_418] : memref<4x104x64xf32, #tpu.memory_space<vmem>> -> memref<1x104x64xf32, #tpu.memory_space<vmem>>
        %get3A_420 = tpu.memref_squeeze %get3A_419 : memref<1x104x64xf32, #tpu.memory_space<vmem>> -> memref<104x64xf32, #tpu.memory_space<vmem>>
        %get3A_421 = arith.index_cast %scan3A_404 : i32 to index
        %get3A_422 = arith.constant 16 : index
        %get3A_423 = tpu.vector_load %get3A_420[%get3A_421, %get3A_422] {strides = array<i32>} : memref<104x64xf32, #tpu.memory_space<vmem>>, vector<1x16xf32>,
        %get3A_424 = vector.shape_cast %get3A_423 : vector<1x16xf32> to vector<16xf32>
        %add3A_425 = arith.addf %scan3A_406, %get3A_424 : vector<16xf32>
        %get3A_426 = arith.constant 0 : i32
        %get3A_427 = arith.constant 0 : i32
        %get3A_428 = tpu.memref_slice %arg7[%scan3A_370, %get3A_426, %get3A_427] : memref<4x104x64xf32, #tpu.memory_space<vmem>> -> memref<1x104x64xf32, #tpu.memory_space<vmem>>
        %get3A_429 = tpu.memref_squeeze %get3A_428 : memref<1x104x64xf32, #tpu.memory_space<vmem>> -> memref<104x64xf32, #tpu.memory_space<vmem>>
        %get3A_430 = arith.index_cast %scan3A_404 : i32 to index
        %get3A_431 = arith.constant 32 : index
        %get3A_432 = tpu.vector_load %get3A_429[%get3A_430, %get3A_431] {strides = array<i32>} : memref<104x64xf32, #tpu.memory_space<vmem>>, vector<1x16xf32>,
        %get3A_433 = vector.shape_cast %get3A_432 : vector<1x16xf32> to vector<16xf32>
        %add3A_434 = arith.addf %scan3A_407, %get3A_433 : vector<16xf32>
        %get3A_435 = arith.constant 0 : i32
        %get3A_436 = arith.constant 0 : i32
        %get3A_437 = tpu.memref_slice %arg7[%scan3A_370, %get3A_435, %get3A_436] : memref<4x104x64xf32, #tpu.memory_space<vmem>> -> memref<1x104x64xf32, #tpu.memory_space<vmem>>
        %get3A_438 = tpu.memref_squeeze %get3A_437 : memref<1x104x64xf32, #tpu.memory_space<vmem>> -> memref<104x64xf32, #tpu.memory_space<vmem>>
        %get3A_439 = arith.index_cast %scan3A_404 : i32 to index
        %get3A_440 = arith.constant 48 : index
        %get3A_441 = tpu.vector_load %get3A_438[%get3A_439, %get3A_440] {strides = array<i32>} : memref<104x64xf32, #tpu.memory_space<vmem>>, vector<1x16xf32>,
        %get3A_442 = vector.shape_cast %get3A_441 : vector<1x16xf32> to vector<16xf32>
        %add3A_443 = arith.addf %scan3A_408, %get3A_442 : vector<16xf32>
        %scan3A_444 = arith.constant 1 : i32
        %scan3A_445 = arith.addi %scan3A_404, %scan3A_444 : i32
        %get3A_446 = arith.constant 0 : i32
        %get3A_447 = arith.constant 0 : i32
        %get3A_448 = tpu.memref_slice %arg7[%scan3A_370, %get3A_446, %get3A_447] : memref<4x104x64xf32, #tpu.memory_space<vmem>> -> memref<1x104x64xf32, #tpu.memory_space<vmem>>
        %get3A_449 = tpu.memref_squeeze %get3A_448 : memref<1x104x64xf32, #tpu.memory_space<vmem>> -> memref<104x64xf32, #tpu.memory_space<vmem>>
        %get3A_450 = arith.index_cast %scan3A_445 : i32 to index
        %get3A_451 = arith.constant 0 : index
        %get3A_452 = tpu.vector_load %get3A_449[%get3A_450, %get3A_451] {strides = array<i32>} : memref<104x64xf32, #tpu.memory_space<vmem>>, vector<1x16xf32>,
        %get3A_453 = vector.shape_cast %get3A_452 : vector<1x16xf32> to vector<16xf32>
        %add3A_454 = arith.addf %add3A_416, %get3A_453 : vector<16xf32>
        %get3A_455 = arith.constant 0 : i32
        %get3A_456 = arith.constant 0 : i32
        %get3A_457 = tpu.memref_slice %arg7[%scan3A_370, %get3A_455, %get3A_456] : memref<4x104x64xf32, #tpu.memory_space<vmem>> -> memref<1x104x64xf32, #tpu.memory_space<vmem>>
        %get3A_458 = tpu.memref_squeeze %get3A_457 : memref<1x104x64xf32, #tpu.memory_space<vmem>> -> memref<104x64xf32, #tpu.memory_space<vmem>>
        %get3A_459 = arith.index_cast %scan3A_445 : i32 to index
        %get3A_460 = arith.constant 16 : index
        %get3A_461 = tpu.vector_load %get3A_458[%get3A_459, %get3A_460] {strides = array<i32>} : memref<104x64xf32, #tpu.memory_space<vmem>>, vector<1x16xf32>,
        %get3A_462 = vector.shape_cast %get3A_461 : vector<1x16xf32> to vector<16xf32>
        %add3A_463 = arith.addf %add3A_425, %get3A_462 : vector<16xf32>
        %get3A_464 = arith.constant 0 : i32
        %get3A_465 = arith.constant 0 : i32
        %get3A_466 = tpu.memref_slice %arg7[%scan3A_370, %get3A_464, %get3A_465] : memref<4x104x64xf32, #tpu.memory_space<vmem>> -> memref<1x104x64xf32, #tpu.memory_space<vmem>>
        %get3A_467 = tpu.memref_squeeze %get3A_466 : memref<1x104x64xf32, #tpu.memory_space<vmem>> -> memref<104x64xf32, #tpu.memory_space<vmem>>
        %get3A_468 = arith.index_cast %scan3A_445 : i32 to index
        %get3A_469 = arith.constant 32 : index
        %get3A_470 = tpu.vector_load %get3A_467[%get3A_468, %get3A_469] {strides = array<i32>} : memref<104x64xf32, #tpu.memory_space<vmem>>, vector<1x16xf32>,
        %get3A_471 = vector.shape_cast %get3A_470 : vector<1x16xf32> to vector<16xf32>
        %add3A_472 = arith.addf %add3A_434, %get3A_471 : vector<16xf32>
        %get3A_473 = arith.constant 0 : i32
        %get3A_474 = arith.constant 0 : i32
        %get3A_475 = tpu.memref_slice %arg7[%scan3A_370, %get3A_473, %get3A_474] : memref<4x104x64xf32, #tpu.memory_space<vmem>> -> memref<1x104x64xf32, #tpu.memory_space<vmem>>
        %get3A_476 = tpu.memref_squeeze %get3A_475 : memref<1x104x64xf32, #tpu.memory_space<vmem>> -> memref<104x64xf32, #tpu.memory_space<vmem>>
        %get3A_477 = arith.index_cast %scan3A_445 : i32 to index
        %get3A_478 = arith.constant 48 : index
        %get3A_479 = tpu.vector_load %get3A_476[%get3A_477, %get3A_478] {strides = array<i32>} : memref<104x64xf32, #tpu.memory_space<vmem>>, vector<1x16xf32>,
        %get3A_480 = vector.shape_cast %get3A_479 : vector<1x16xf32> to vector<16xf32>
        %add3A_481 = arith.addf %add3A_443, %get3A_480 : vector<16xf32>
        %scan3A_482 = arith.constant 2 : i32
        %scan3A_483 = arith.addi %scan3A_404, %scan3A_482 : i32
        %get3A_484 = arith.constant 0 : i32
        %get3A_485 = arith.constant 0 : i32
        %get3A_486 = tpu.memref_slice %arg7[%scan3A_370, %get3A_484, %get3A_485] : memref<4x104x64xf32, #tpu.memory_space<vmem>> -> memref<1x104x64xf32, #tpu.memory_space<vmem>>
        %get3A_487 = tpu.memref_squeeze %get3A_486 : memref<1x104x64xf32, #tpu.memory_space<vmem>> -> memref<104x64xf32, #tpu.memory_space<vmem>>
        %get3A_488 = arith.index_cast %scan3A_483 : i32 to index
        %get3A_489 = arith.constant 0 : index
        %get3A_490 = tpu.vector_load %get3A_487[%get3A_488, %get3A_489] {strides = array<i32>} : memref<104x64xf32, #tpu.memory_space<vmem>>, vector<1x16xf32>,
        %get3A_491 = vector.shape_cast %get3A_490 : vector<1x16xf32> to vector<16xf32>
        %add3A_492 = arith.addf %add3A_454, %get3A_491 : vector<16xf32>
        %get3A_493 = arith.constant 0 : i32
        %get3A_494 = arith.constant 0 : i32
        %get3A_495 = tpu.memref_slice %arg7[%scan3A_370, %get3A_493, %get3A_494] : memref<4x104x64xf32, #tpu.memory_space<vmem>> -> memref<1x104x64xf32, #tpu.memory_space<vmem>>
        %get3A_496 = tpu.memref_squeeze %get3A_495 : memref<1x104x64xf32, #tpu.memory_space<vmem>> -> memref<104x64xf32, #tpu.memory_space<vmem>>
        %get3A_497 = arith.index_cast %scan3A_483 : i32 to index
        %get3A_498 = arith.constant 16 : index
        %get3A_499 = tpu.vector_load %get3A_496[%get3A_497, %get3A_498] {strides = array<i32>} : memref<104x64xf32, #tpu.memory_space<vmem>>, vector<1x16xf32>,
        %get3A_500 = vector.shape_cast %get3A_499 : vector<1x16xf32> to vector<16xf32>
        %add3A_501 = arith.addf %add3A_463, %get3A_500 : vector<16xf32>
        %get3A_502 = arith.constant 0 : i32
        %get3A_503 = arith.constant 0 : i32
        %get3A_504 = tpu.memref_slice %arg7[%scan3A_370, %get3A_502, %get3A_503] : memref<4x104x64xf32, #tpu.memory_space<vmem>> -> memref<1x104x64xf32, #tpu.memory_space<vmem>>
        %get3A_505 = tpu.memref_squeeze %get3A_504 : memref<1x104x64xf32, #tpu.memory_space<vmem>> -> memref<104x64xf32, #tpu.memory_space<vmem>>
        %get3A_506 = arith.index_cast %scan3A_483 : i32 to index
        %get3A_507 = arith.constant 32 : index
        %get3A_508 = tpu.vector_load %get3A_505[%get3A_506, %get3A_507] {strides = array<i32>} : memref<104x64xf32, #tpu.memory_space<vmem>>, vector<1x16xf32>,
        %get3A_509 = vector.shape_cast %get3A_508 : vector<1x16xf32> to vector<16xf32>
        %add3A_510 = arith.addf %add3A_472, %get3A_509 : vector<16xf32>
        %get3A_511 = arith.constant 0 : i32
        %get3A_512 = arith.constant 0 : i32
        %get3A_513 = tpu.memref_slice %arg7[%scan3A_370, %get3A_511, %get3A_512] : memref<4x104x64xf32, #tpu.memory_space<vmem>> -> memref<1x104x64xf32, #tpu.memory_space<vmem>>
        %get3A_514 = tpu.memref_squeeze %get3A_513 : memref<1x104x64xf32, #tpu.memory_space<vmem>> -> memref<104x64xf32, #tpu.memory_space<vmem>>
        %get3A_515 = arith.index_cast %scan3A_483 : i32 to index
        %get3A_516 = arith.constant 48 : index
        %get3A_517 = tpu.vector_load %get3A_514[%get3A_515, %get3A_516] {strides = array<i32>} : memref<104x64xf32, #tpu.memory_space<vmem>>, vector<1x16xf32>,
        %get3A_518 = vector.shape_cast %get3A_517 : vector<1x16xf32> to vector<16xf32>
        %add3A_519 = arith.addf %add3A_481, %get3A_518 : vector<16xf32>
        %scan3A_520 = arith.constant 3 : i32
        %scan3A_521 = arith.addi %scan3A_404, %scan3A_520 : i32
        %get3A_522 = arith.constant 0 : i32
        %get3A_523 = arith.constant 0 : i32
        %get3A_524 = tpu.memref_slice %arg7[%scan3A_370, %get3A_522, %get3A_523] : memref<4x104x64xf32, #tpu.memory_space<vmem>> -> memref<1x104x64xf32, #tpu.memory_space<vmem>>
        %get3A_525 = tpu.memref_squeeze %get3A_524 : memref<1x104x64xf32, #tpu.memory_space<vmem>> -> memref<104x64xf32, #tpu.memory_space<vmem>>
        %get3A_526 = arith.index_cast %scan3A_521 : i32 to index
        %get3A_527 = arith.constant 0 : index
        %get3A_528 = tpu.vector_load %get3A_525[%get3A_526, %get3A_527] {strides = array<i32>} : memref<104x64xf32, #tpu.memory_space<vmem>>, vector<1x16xf32>,
        %get3A_529 = vector.shape_cast %get3A_528 : vector<1x16xf32> to vector<16xf32>
        %add3A_530 = arith.addf %add3A_492, %get3A_529 : vector<16xf32>
        %get3A_531 = arith.constant 0 : i32
        %get3A_532 = arith.constant 0 : i32
        %get3A_533 = tpu.memref_slice %arg7[%scan3A_370, %get3A_531, %get3A_532] : memref<4x104x64xf32, #tpu.memory_space<vmem>> -> memref<1x104x64xf32, #tpu.memory_space<vmem>>
        %get3A_534 = tpu.memref_squeeze %get3A_533 : memref<1x104x64xf32, #tpu.memory_space<vmem>> -> memref<104x64xf32, #tpu.memory_space<vmem>>
        %get3A_535 = arith.index_cast %scan3A_521 : i32 to index
        %get3A_536 = arith.constant 16 : index
        %get3A_537 = tpu.vector_load %get3A_534[%get3A_535, %get3A_536] {strides = array<i32>} : memref<104x64xf32, #tpu.memory_space<vmem>>, vector<1x16xf32>,
        %get3A_538 = vector.shape_cast %get3A_537 : vector<1x16xf32> to vector<16xf32>
        %add3A_539 = arith.addf %add3A_501, %get3A_538 : vector<16xf32>
        %get3A_540 = arith.constant 0 : i32
        %get3A_541 = arith.constant 0 : i32
        %get3A_542 = tpu.memref_slice %arg7[%scan3A_370, %get3A_540, %get3A_541] : memref<4x104x64xf32, #tpu.memory_space<vmem>> -> memref<1x104x64xf32, #tpu.memory_space<vmem>>
        %get3A_543 = tpu.memref_squeeze %get3A_542 : memref<1x104x64xf32, #tpu.memory_space<vmem>> -> memref<104x64xf32, #tpu.memory_space<vmem>>
        %get3A_544 = arith.index_cast %scan3A_521 : i32 to index
        %get3A_545 = arith.constant 32 : index
        %get3A_546 = tpu.vector_load %get3A_543[%get3A_544, %get3A_545] {strides = array<i32>} : memref<104x64xf32, #tpu.memory_space<vmem>>, vector<1x16xf32>,
        %get3A_547 = vector.shape_cast %get3A_546 : vector<1x16xf32> to vector<16xf32>
        %add3A_548 = arith.addf %add3A_510, %get3A_547 : vector<16xf32>
        %get3A_549 = arith.constant 0 : i32
        %get3A_550 = arith.constant 0 : i32
        %get3A_551 = tpu.memref_slice %arg7[%scan3A_370, %get3A_549, %get3A_550] : memref<4x104x64xf32, #tpu.memory_space<vmem>> -> memref<1x104x64xf32, #tpu.memory_space<vmem>>
        %get3A_552 = tpu.memref_squeeze %get3A_551 : memref<1x104x64xf32, #tpu.memory_space<vmem>> -> memref<104x64xf32, #tpu.memory_space<vmem>>
        %get3A_553 = arith.index_cast %scan3A_521 : i32 to index
        %get3A_554 = arith.constant 48 : index
        %get3A_555 = tpu.vector_load %get3A_552[%get3A_553, %get3A_554] {strides = array<i32>} : memref<104x64xf32, #tpu.memory_space<vmem>>, vector<1x16xf32>,
        %get3A_556 = vector.shape_cast %get3A_555 : vector<1x16xf32> to vector<16xf32>
        %add3A_557 = arith.addf %add3A_519, %get3A_556 : vector<16xf32>
        scf.yield %add3A_530, %add3A_539, %add3A_548, %add3A_557 : vector<16xf32>, vector<16xf32>, vector<16xf32>, vector<16xf32>
      }
      %scan3A_376 = arith.constant 104 : i32
      %add3A_377 = arith.constant 4 : i32
      %add3A_378 = arith.addi %add3A_331, %add3A_377 : i32
      %lt3A_379 = arith.constant 128 : i32
      %lt3A_380 = arith.cmpi slt, %add3A_378, %lt3A_379 : i32
      %convert_element_type3A_381 = arith.extui %lt3A_380 : i1 to i32
      %cond3A_382 = arith.constant 0 : i32
      %cond3A_383 = arith.cmpi ne, %convert_element_type3A_381, %cond3A_382 : i32
      scf.if %cond3A_383 {
        %add3A_404 = arith.constant 4 : i32
        %add3A_405 = arith.addi %add3A_331, %add3A_404 : i32
        %dma_start3A_406 = arith.constant 3 : i32
        %dma_start3A_407 = arith.constant 0 : i32
        %dma_start3A_408 = arith.constant 0 : i32
        %dma_start3A_409 = tpu.memref_slice %arg7[%dma_start3A_406, %dma_start3A_407, %dma_start3A_408] : memref<4x104x64xf32, #tpu.memory_space<vmem>> -> memref<1x104x64xf32, #tpu.memory_space<vmem>>
        %dma_start3A_410 = tpu.memref_squeeze %dma_start3A_409 : memref<1x104x64xf32, #tpu.memory_space<vmem>> -> memref<104x64xf32, #tpu.memory_space<vmem>>
        %dma_start3A_411 = arith.constant 96 : i32
        %dma_start3A_412 = tpu.memref_slice %arg5[%add3A_405, %dma_start3A_411] : memref<128x200xi32, #tpu.memory_space<vmem>> -> memref<1x104xi32, #tpu.memory_space<vmem>>
        %dma_start3A_413 = tpu.memref_squeeze %dma_start3A_412 : memref<1x104xi32, #tpu.memory_space<vmem>> -> memref<104xi32, #tpu.memory_space<vmem>>
        %dma_start3A_414 = arith.constant 0 : i32
        %dma_start3A_415 = arith.constant 0 : i32
        %dma_start3A_416 = tpu.memref_slice %arg2[%dma_start3A_414, %dma_start3A_415] : memref<1003520x64xf32, #tpu.memory_space<hbm>> -> memref<1003520x64xf32, #tpu.memory_space<hbm>>
        tpu.enqueue_indirect_dma source(%dma_start3A_416 : memref<1003520x64xf32, #tpu.memory_space<hbm>>) target(%dma_start3A_410 : memref<104x64xf32, #tpu.memory_space<vmem>>) offsets(%dma_start3A_413 : memref<104xi32, #tpu.memory_space<vmem>>) semaphore(%arg16 : memref<!tpu.dma_semaphore, #tpu.memory_space<semaphore_mem>>)
      } else {
      }
      %swap3A_384 = arith.index_cast %add3A_331 : i32 to index
      %swap3A_385 = arith.constant 0 : index
      %swap3A_386 = tpu.vector_load %arg8[%swap3A_384, %swap3A_385] {strides = array<i32>} : memref<128x64xf32, #tpu.memory_space<vmem>>, vector<1x16xf32>,
      %swap3A_387 = vector.shape_cast %swap3A_386 : vector<1x16xf32> to vector<16xf32>
      %swap3A_388 = vector.shape_cast %scan3A_375#0 : vector<16xf32> to vector<1x16xf32>
      tpu.vector_store %arg8[%swap3A_384, %swap3A_385], %swap3A_388 {strides = array<i32>} : memref<128x64xf32, #tpu.memory_space<vmem>>, vector<1x16xf32>,
      %swap3A_389 = arith.index_cast %add3A_331 : i32 to index
      %swap3A_390 = arith.constant 16 : index
      %swap3A_391 = tpu.vector_load %arg8[%swap3A_389, %swap3A_390] {strides = array<i32>} : memref<128x64xf32, #tpu.memory_space<vmem>>, vector<1x16xf32>,
      %swap3A_392 = vector.shape_cast %swap3A_391 : vector<1x16xf32> to vector<16xf32>
      %swap3A_393 = vector.shape_cast %scan3A_375#1 : vector<16xf32> to vector<1x16xf32>
      tpu.vector_store %arg8[%swap3A_389, %swap3A_390], %swap3A_393 {strides = array<i32>} : memref<128x64xf32, #tpu.memory_space<vmem>>, vector<1x16xf32>,
      %swap3A_394 = arith.index_cast %add3A_331 : i32 to index
      %swap3A_395 = arith.constant 32 : index
      %swap3A_396 = tpu.vector_load %arg8[%swap3A_394, %swap3A_395] {strides = array<i32>} : memref<128x64xf32, #tpu.memory_space<vmem>>, vector<1x16xf32>,
      %swap3A_397 = vector.shape_cast %swap3A_396 : vector<1x16xf32> to vector<16xf32>
      %swap3A_398 = vector.shape_cast %scan3A_375#2 : vector<16xf32> to vector<1x16xf32>
      tpu.vector_store %arg8[%swap3A_394, %swap3A_395], %swap3A_398 {strides = array<i32>} : memref<128x64xf32, #tpu.memory_space<vmem>>, vector<1x16xf32>,
      %swap3A_399 = arith.index_cast %add3A_331 : i32 to index
      %swap3A_400 = arith.constant 48 : index
      %swap3A_401 = tpu.vector_load %arg8[%swap3A_399, %swap3A_400] {strides = array<i32>} : memref<128x64xf32, #tpu.memory_space<vmem>>, vector<1x16xf32>,
      %swap3A_402 = vector.shape_cast %swap3A_401 : vector<1x16xf32> to vector<16xf32>
      %swap3A_403 = vector.shape_cast %scan3A_375#3 : vector<16xf32> to vector<1x16xf32>
      tpu.vector_store %arg8[%swap3A_399, %swap3A_400], %swap3A_403 {strides = array<i32>} : memref<128x64xf32, #tpu.memory_space<vmem>>, vector<1x16xf32>,
    }
    %scan3A_102 = arith.constant 32 : i32
    %mul3A_103 = arith.constant 128 : i32
    %mul3A_104 = arith.muli %add3A, %mul3A_103 : i32
    "tpu.region"() ({
      %run_scoped3A = tpu.sem_alloc : memref<!tpu.dma_semaphore, #tpu.memory_space<semaphore_mem>>
      %dma_start3A_105 = arith.constant 0 : i32
      %dma_start3A_106 = tpu.memref_slice %arg4[%mul3A_104, %dma_start3A_105] : memref<4096x64xf32, #tpu.memory_space<hbm>> -> memref<128x64xf32, #tpu.memory_space<hbm>>
      %dma_start3A_107 = arith.constant 0 : i32
      %dma_start3A_108 = tpu.memref_slice %arg4[%mul3A_104, %dma_start3A_107] : memref<4096x64xf32, #tpu.memory_space<hbm>> -> memref<128x64xf32, #tpu.memory_space<hbm>>
      tpu.enqueue_dma source(%arg8 : memref<128x64xf32, #tpu.memory_space<vmem>>) target(%dma_start3A_108 : memref<128x64xf32, #tpu.memory_space<hbm>>) target_semaphore(%run_scoped3A : memref<!tpu.dma_semaphore, #tpu.memory_space<semaphore_mem>>)
      %dma_wait3A = arith.constant 0 : i32
      %dma_wait3A_109 = tpu.memref_slice %arg4[%mul3A_104, %dma_wait3A] : memref<4096x64xf32, #tpu.memory_space<hbm>> -> memref<128x64xf32, #tpu.memory_space<hbm>>
      %dma_wait3A_110 = arith.constant 0 : i32
      %dma_wait3A_111 = tpu.memref_slice %arg4[%mul3A_104, %dma_wait3A_110] : memref<4096x64xf32, #tpu.memory_space<hbm>> -> memref<128x64xf32, #tpu.memory_space<hbm>>
      tpu.wait_dma2 semaphore(%run_scoped3A : memref<!tpu.dma_semaphore, #tpu.memory_space<semaphore_mem>>) src(%arg8 : memref<128x64xf32, #tpu.memory_space<vmem>>) dst(%dma_wait3A_111 : memref<128x64xf32, #tpu.memory_space<hbm>>)
      tpu.yield
    }) : () -> ()
    return
  }
}

module attributes {stable_mosaic.version = 14 : i64} {
  func.func @_format_body(%arg0: i32, %arg1: memref<64x4096xf32, #tpu.memory_space<vmem>>, %arg2: memref<2048x128xf32, #tpu.memory_space<vmem>>) attributes {dimension_semantics = [#tpu.dimension_semantics<arbitrary>], iteration_bounds = array<i64: 245>, scalar_prefetch = 0 : i64, scratch_operands = 0 : i64, tpu.core_type = #tpu.core_type<tc>, window_params = [{transform_indices = @transform_0, window_bounds = array<i64: 64, 4096>}, {transform_indices = @transform_1, window_bounds = array<i64: 2048, 128>}]} {
    %get3A = arith.constant 0 : index
    %get3A_0 = arith.constant 0 : index
    %get3A_1 = vector.load %arg1[%get3A, %get3A_0] : memref<64x4096xf32, #tpu.memory_space<vmem>>, vector<64x4096xf32>
    %mul3A = arith.mulf %get3A_1, %get3A_1 : vector<64x4096xf32>
    %reduce_sum3A = arith.constant dense<0.000000e+00> : vector<4096xf32>
    %reduce_sum3A_2 = vector.multi_reduction <add>, %mul3A, %reduce_sum3A [0] : vector<64x4096xf32> to vector<4096xf32>
    %broadcast_in_dim3A = vector.shape_cast %reduce_sum3A_2 : vector<4096xf32> to vector<1x4096xf32>
    %sqrt3A = math.sqrt %broadcast_in_dim3A : vector<1x4096xf32>
    %gt3A = arith.constant 1.000000e+00 : f32
    %gt3A_3 = vector.broadcast %gt3A : f32 to vector<1x4096xf32>
    %gt3A_4 = arith.cmpf ogt, %sqrt3A, %gt3A_3 : vector<1x4096xf32>
    %max3A = arith.constant 9.99999996E-13 : f32
    %max3A_5 = vector.broadcast %max3A : f32 to vector<1x4096xf32>
    %max3A_6 = arith.maximumf %sqrt3A, %max3A_5 : vector<1x4096xf32>
    %div3A = arith.constant 1.000000e+00 : f32
    %div3A_7 = vector.broadcast %div3A : f32 to vector<1x4096xf32>
    %div3A_8 = arith.divf %div3A_7, %max3A_6 : vector<1x4096xf32>
    %jit3A = arith.constant 1.000000e+00 : f32
    %broadcast_in_dim3A_9 = vector.broadcast %jit3A : f32 to vector<1x4096xf32>
    %select_n3A = arith.select %gt3A_4, %div3A_8, %broadcast_in_dim3A_9 : vector<1x4096xi1>, vector<1x4096xf32>
    %mul3A_10 = vector.broadcast %select_n3A : vector<1x4096xf32> to vector<64x4096xf32>
    %mul3A_11 = arith.mulf %get3A_1, %mul3A_10 : vector<64x4096xf32>
    %iota3A = tpu.iota {dimensions = array<i32: 0>} : vector<64x64xi32>
    %iota3A_12 = tpu.iota {dimensions = array<i32: 1>} : vector<64x64xi32>
    %eq3A = arith.cmpi eq, %iota3A, %iota3A_12 : vector<64x64xi32>
    %convert_element_type3A = arith.extui %eq3A : vector<64x64xi1> to vector<64x64xi32>
    %convert_element_type3A_13 = arith.sitofp %convert_element_type3A : vector<64x64xi32> to vector<64x64xf32>
    %slice3A = vector.extract_strided_slice %mul3A_11 {offsets = [0, 0], sizes = [64, 2048], strides = [1, 1]} : vector<64x4096xf32> to vector<64x2048xf32>
    %transpose3A = tpu.transpose %slice3A, [1, 0] : vector<64x2048xf32> -> vector<2048x64xf32>
    %swap3A = arith.constant 0 : index
    %swap3A_14 = arith.constant 0 : index
    %swap3A_15 = vector.load %arg2[%swap3A, %swap3A_14] : memref<2048x128xf32, #tpu.memory_space<vmem>>, vector<2048x64xf32>
    tpu.vector_store %arg2[%swap3A, %swap3A_14], %transpose3A {strides = array<i32>} : memref<2048x128xf32, #tpu.memory_space<vmem>>, vector<2048x64xf32>,
    %slice3A_16 = vector.extract_strided_slice %mul3A_11 {offsets = [0, 2048], sizes = [64, 2048], strides = [1, 1]} : vector<64x4096xf32> to vector<64x2048xf32>
    %dot_general3A = arith.constant dense<0.000000e+00> : vector<2048x64xf32>
    %dot_general3A_17 = tpu.matmul %slice3A_16, %convert_element_type3A_13, %dot_general3A {dimension_numbers = #tpu.dot_dimension_numbers<[0], [0], [1], [1], [0, 1, 1, 1], [], []>, transpose_lhs_hint = false} : vector<64x2048xf32>, vector<64x64xf32>, vector<2048x64xf32> -> vector<2048x64xf32>
    %swap3A_18 = arith.constant 0 : index
    %swap3A_19 = arith.constant 64 : index
    %swap3A_20 = vector.load %arg2[%swap3A_18, %swap3A_19] : memref<2048x128xf32, #tpu.memory_space<vmem>>, vector<2048x64xf32>
    tpu.vector_store %arg2[%swap3A_18, %swap3A_19], %dot_general3A_17 {strides = array<i32>} : memref<2048x128xf32, #tpu.memory_space<vmem>>, vector<2048x64xf32>,
    return
  }
  func.func @transform_0(%arg0: i32) -> (i32, i32) {
    %c0_i32 = arith.constant 0 : i32
    %c0_i32_0 = arith.constant 0 : i32
    return %c0_i32, %arg0 : i32, i32
  }
  func.func @transform_1(%arg0: i32) -> (i32, i32) {
    %c0_i32 = arith.constant 0 : i32
    %c0_i32_0 = arith.constant 0 : i32
    return %arg0, %c0_i32 : i32, i32
  }
}

module attributes {stable_mosaic.version = 14 : i64} {
  func.func @_head_body(%arg0: i32, %arg1: memref<512x1xi32, #tpu.memory_space<vmem>>, %arg2: memref<512x200xi32, #tpu.memory_space<vmem>>, %arg3: memref<512x200xi32, #tpu.memory_space<vmem>>, %arg4: memref<512x64xf32, #tpu.memory_space<vmem>>, %arg5: memref<128x16xf32, #tpu.memory_space<vmem>>, %arg6: memref<4x8xf32, #tpu.memory_space<vmem>>, %arg7: memref<4x8xf32, #tpu.memory_space<vmem>>, %arg8: memref<64x80xf32, #tpu.memory_space<vmem>>, %arg9: memref<1x64xf32, #tpu.memory_space<vmem>>, %arg10: memref<1x1xf32, #tpu.memory_space<smem>>, %arg11: memref<128x80xf32, #tpu.memory_space<vmem>>, %arg12: memref<1x128xf32, #tpu.memory_space<vmem>>, %arg13: memref<512x128xf32, #tpu.memory_space<vmem>>) attributes {dimension_semantics = [#tpu.dimension_semantics<arbitrary>], iteration_bounds = array<i64: 8>, scalar_prefetch = 0 : i64, scratch_operands = 0 : i64, tpu.core_type = #tpu.core_type<tc>, window_params = [{transform_indices = @transform_0, window_bounds = array<i64: 512, 1>}, {transform_indices = @transform_1, window_bounds = array<i64: 512, 200>}, {transform_indices = @transform_2, window_bounds = array<i64: 512, 200>}, {transform_indices = @transform_3, window_bounds = array<i64: 512, 64>}, {pipeline_mode = #tpu.pipeline_mode<synchronous>, transform_indices = @transform_4, window_bounds = array<i64: 128, 16>}, {pipeline_mode = #tpu.pipeline_mode<synchronous>, transform_indices = @transform_5, window_bounds = array<i64: 4, 8>}, {pipeline_mode = #tpu.pipeline_mode<synchronous>, transform_indices = @transform_6, window_bounds = array<i64: 4, 8>}, {pipeline_mode = #tpu.pipeline_mode<synchronous>, transform_indices = @transform_7, window_bounds = array<i64: 64, 80>}, {pipeline_mode = #tpu.pipeline_mode<synchronous>, transform_indices = @transform_8, window_bounds = array<i64: 1, 64>}, {transform_indices = @transform_9, window_bounds = array<i64: 1, 1>}, {pipeline_mode = #tpu.pipeline_mode<synchronous>, transform_indices = @transform_10, window_bounds = array<i64: 128, 80>}, {pipeline_mode = #tpu.pipeline_mode<synchronous>, transform_indices = @transform_11, window_bounds = array<i64: 1, 128>}, {transform_indices = @transform_12, window_bounds = array<i64: 512, 128>}]} {
    %get3A = arith.constant 0 : index
    %get3A_0 = arith.constant 0 : index
    %get3A_1 = vector.load %arg6[%get3A, %get3A_0] : memref<4x8xf32, #tpu.memory_space<vmem>>, vector<4x8xf32>
    %mul3A = arith.mulf %get3A_1, %get3A_1 : vector<4x8xf32>
    %reduce_sum3A = arith.constant dense<0.000000e+00> : vector<4xf32>
    %reduce_sum3A_2 = vector.multi_reduction <add>, %mul3A, %reduce_sum3A [1] : vector<4x8xf32> to vector<4xf32>
    %broadcast_in_dim3A = vector.shape_cast %reduce_sum3A_2 : vector<4xf32> to vector<4x1xf32>
    %sqrt3A = math.sqrt %broadcast_in_dim3A : vector<4x1xf32>
    %gt3A = arith.constant 1.000000e+00 : f32
    %gt3A_3 = vector.broadcast %gt3A : f32 to vector<4x1xf32>
    %gt3A_4 = arith.cmpf ogt, %sqrt3A, %gt3A_3 : vector<4x1xf32>
    %max3A = arith.constant 9.99999996E-13 : f32
    %max3A_5 = vector.broadcast %max3A : f32 to vector<4x1xf32>
    %max3A_6 = arith.maximumf %sqrt3A, %max3A_5 : vector<4x1xf32>
    %div3A = arith.constant 1.000000e+00 : f32
    %div3A_7 = vector.broadcast %div3A : f32 to vector<4x1xf32>
    %div3A_8 = arith.divf %div3A_7, %max3A_6 : vector<4x1xf32>
    %jit3A = arith.constant 1.000000e+00 : f32
    %broadcast_in_dim3A_9 = vector.broadcast %jit3A : f32 to vector<4x1xf32>
    %select_n3A = arith.select %gt3A_4, %div3A_8, %broadcast_in_dim3A_9 : vector<4x1xi1>, vector<4x1xf32>
    %mul3A_10 = vector.broadcast %select_n3A : vector<4x1xf32> to vector<4x8xf32>
    %mul3A_11 = arith.mulf %get3A_1, %mul3A_10 : vector<4x8xf32>
    %get3A_12 = arith.constant 0 : index
    %get3A_13 = arith.constant 0 : index
    %get3A_14 = vector.load %arg7[%get3A_12, %get3A_13] : memref<4x8xf32, #tpu.memory_space<vmem>>, vector<4x8xf32>
    %mul3A_15 = arith.mulf %get3A_14, %get3A_14 : vector<4x8xf32>
    %reduce_sum3A_16 = arith.constant dense<0.000000e+00> : vector<4xf32>
    %reduce_sum3A_17 = vector.multi_reduction <add>, %mul3A_15, %reduce_sum3A_16 [1] : vector<4x8xf32> to vector<4xf32>
    %broadcast_in_dim3A_18 = vector.shape_cast %reduce_sum3A_17 : vector<4xf32> to vector<4x1xf32>
    %sqrt3A_19 = math.sqrt %broadcast_in_dim3A_18 : vector<4x1xf32>
    %gt3A_20 = arith.constant 1.000000e+00 : f32
    %gt3A_21 = vector.broadcast %gt3A_20 : f32 to vector<4x1xf32>
    %gt3A_22 = arith.cmpf ogt, %sqrt3A_19, %gt3A_21 : vector<4x1xf32>
    %max3A_23 = arith.constant 9.99999996E-13 : f32
    %max3A_24 = vector.broadcast %max3A_23 : f32 to vector<4x1xf32>
    %max3A_25 = arith.maximumf %sqrt3A_19, %max3A_24 : vector<4x1xf32>
    %div3A_26 = arith.constant 1.000000e+00 : f32
    %div3A_27 = vector.broadcast %div3A_26 : f32 to vector<4x1xf32>
    %div3A_28 = arith.divf %div3A_27, %max3A_25 : vector<4x1xf32>
    %jit3A_29 = arith.constant 1.000000e+00 : f32
    %broadcast_in_dim3A_30 = vector.broadcast %jit3A_29 : f32 to vector<4x1xf32>
    %select_n3A_31 = arith.select %gt3A_22, %div3A_28, %broadcast_in_dim3A_30 : vector<4x1xi1>, vector<4x1xf32>
    %mul3A_32 = vector.broadcast %select_n3A_31 : vector<4x1xf32> to vector<4x8xf32>
    %mul3A_33 = arith.mulf %get3A_14, %mul3A_32 : vector<4x8xf32>
    %get3A_34 = arith.constant 0 : index
    %get3A_35 = arith.constant 0 : index
    %get3A_36 = vector.load %arg5[%get3A_34, %get3A_35] : memref<128x16xf32, #tpu.memory_space<vmem>>, vector<128x16xf32>
    %mul3A_37 = arith.mulf %get3A_36, %get3A_36 : vector<128x16xf32>
    %reduce_sum3A_38 = arith.constant dense<0.000000e+00> : vector<128xf32>
    %reduce_sum3A_39 = vector.multi_reduction <add>, %mul3A_37, %reduce_sum3A_38 [1] : vector<128x16xf32> to vector<128xf32>
    %broadcast_in_dim3A_40 = vector.shape_cast %reduce_sum3A_39 : vector<128xf32> to vector<128x1xf32>
    %sqrt3A_41 = math.sqrt %broadcast_in_dim3A_40 : vector<128x1xf32>
    %gt3A_42 = arith.constant 1.000000e+00 : f32
    %gt3A_43 = vector.broadcast %gt3A_42 : f32 to vector<128x1xf32>
    %gt3A_44 = arith.cmpf ogt, %sqrt3A_41, %gt3A_43 : vector<128x1xf32>
    %max3A_45 = arith.constant 9.99999996E-13 : f32
    %max3A_46 = vector.broadcast %max3A_45 : f32 to vector<128x1xf32>
    %max3A_47 = arith.maximumf %sqrt3A_41, %max3A_46 : vector<128x1xf32>
    %div3A_48 = arith.constant 1.000000e+00 : f32
    %div3A_49 = vector.broadcast %div3A_48 : f32 to vector<128x1xf32>
    %div3A_50 = arith.divf %div3A_49, %max3A_47 : vector<128x1xf32>
    %jit3A_51 = arith.constant 1.000000e+00 : f32
    %broadcast_in_dim3A_52 = vector.broadcast %jit3A_51 : f32 to vector<128x1xf32>
    %select_n3A_53 = arith.select %gt3A_44, %div3A_50, %broadcast_in_dim3A_52 : vector<128x1xi1>, vector<128x1xf32>
    %mul3A_54 = vector.broadcast %select_n3A_53 : vector<128x1xf32> to vector<128x16xf32>
    %mul3A_55 = arith.mulf %get3A_36, %mul3A_54 : vector<128x16xf32>
    %get3A_56 = arith.constant 0 : index
    %get3A_57 = arith.constant 0 : index
    %get3A_58 = vector.load %arg2[%get3A_56, %get3A_57] : memref<512x200xi32, #tpu.memory_space<vmem>>, vector<512x200xi32>
    %get3A_59 = arith.constant 0 : index
    %get3A_60 = arith.constant 0 : index
    %get3A_61 = vector.load %arg3[%get3A_59, %get3A_60] : memref<512x200xi32, #tpu.memory_space<vmem>>, vector<512x200xi32>
    %broadcast_in_dim3A_62 = arith.constant 0.000000e+00 : f32
    %broadcast_in_dim3A_63 = vector.broadcast %broadcast_in_dim3A_62 : f32 to vector<512x8xf32>
    %broadcast_in_dim3A_64 = arith.constant 0.000000e+00 : f32
    %broadcast_in_dim3A_65 = vector.broadcast %broadcast_in_dim3A_64 : f32 to vector<512x8xf32>
    %eq3A = arith.constant 0 : i32
    %eq3A_66 = vector.broadcast %eq3A : i32 to vector<512x200xi32>
    %eq3A_67 = arith.cmpi eq, %get3A_58, %eq3A_66 : vector<512x200xi32>
    %convert_element_type3A = arith.extui %eq3A_67 : vector<512x200xi1> to vector<512x200xi32>
    %convert_element_type3A_68 = arith.sitofp %convert_element_type3A : vector<512x200xi32> to vector<512x200xf32>
    %reduce_sum3A_69 = arith.constant dense<0.000000e+00> : vector<512xf32>
    %reduce_sum3A_70 = vector.multi_reduction <add>, %convert_element_type3A_68, %reduce_sum3A_69 [1] : vector<512x200xf32> to vector<512xf32>
    %broadcast_in_dim3A_71 = vector.shape_cast %reduce_sum3A_70 : vector<512xf32> to vector<512x1xf32>
    %eq3A_72 = arith.constant 0 : i32
    %eq3A_73 = vector.broadcast %eq3A_72 : i32 to vector<512x200xi32>
    %eq3A_74 = arith.cmpi eq, %get3A_61, %eq3A_73 : vector<512x200xi32>
    %convert_element_type3A_75 = arith.extui %eq3A_74 : vector<512x200xi1> to vector<512x200xi32>
    %convert_element_type3A_76 = arith.sitofp %convert_element_type3A_75 : vector<512x200xi32> to vector<512x200xf32>
    %reduce_sum3A_77 = arith.constant dense<0.000000e+00> : vector<512xf32>
    %reduce_sum3A_78 = vector.multi_reduction <add>, %convert_element_type3A_76, %reduce_sum3A_77 [1] : vector<512x200xf32> to vector<512xf32>
    %broadcast_in_dim3A_79 = vector.shape_cast %reduce_sum3A_78 : vector<512xf32> to vector<512x1xf32>
    %slice3A = vector.extract_strided_slice %mul3A_11 {offsets = [0, 0], sizes = [1, 8], strides = [1, 1]} : vector<4x8xf32> to vector<1x8xf32>
    %mul3A_80 = vector.broadcast %broadcast_in_dim3A_71 : vector<512x1xf32> to vector<512x8xf32>
    %mul3A_81 = vector.broadcast %slice3A : vector<1x8xf32> to vector<512x8xf32>
    %mul3A_82 = arith.mulf %mul3A_80, %mul3A_81 : vector<512x8xf32>
    %add3A = arith.addf %broadcast_in_dim3A_63, %mul3A_82 : vector<512x8xf32>
    %slice3A_83 = vector.extract_strided_slice %mul3A_33 {offsets = [0, 0], sizes = [1, 8], strides = [1, 1]} : vector<4x8xf32> to vector<1x8xf32>
    %mul3A_84 = vector.broadcast %broadcast_in_dim3A_79 : vector<512x1xf32> to vector<512x8xf32>
    %mul3A_85 = vector.broadcast %slice3A_83 : vector<1x8xf32> to vector<512x8xf32>
    %mul3A_86 = arith.mulf %mul3A_84, %mul3A_85 : vector<512x8xf32>
    %add3A_87 = arith.addf %broadcast_in_dim3A_65, %mul3A_86 : vector<512x8xf32>
    %eq3A_88 = arith.constant 1 : i32
    %eq3A_89 = vector.broadcast %eq3A_88 : i32 to vector<512x200xi32>
    %eq3A_90 = arith.cmpi eq, %get3A_58, %eq3A_89 : vector<512x200xi32>
    %convert_element_type3A_91 = arith.extui %eq3A_90 : vector<512x200xi1> to vector<512x200xi32>
    %convert_element_type3A_92 = arith.sitofp %convert_element_type3A_91 : vector<512x200xi32> to vector<512x200xf32>
    %reduce_sum3A_93 = arith.constant dense<0.000000e+00> : vector<512xf32>
    %reduce_sum3A_94 = vector.multi_reduction <add>, %convert_element_type3A_92, %reduce_sum3A_93 [1] : vector<512x200xf32> to vector<512xf32>
    %broadcast_in_dim3A_95 = vector.shape_cast %reduce_sum3A_94 : vector<512xf32> to vector<512x1xf32>
    %eq3A_96 = arith.constant 1 : i32
    %eq3A_97 = vector.broadcast %eq3A_96 : i32 to vector<512x200xi32>
    %eq3A_98 = arith.cmpi eq, %get3A_61, %eq3A_97 : vector<512x200xi32>
    %convert_element_type3A_99 = arith.extui %eq3A_98 : vector<512x200xi1> to vector<512x200xi32>
    %convert_element_type3A_100 = arith.sitofp %convert_element_type3A_99 : vector<512x200xi32> to vector<512x200xf32>
    %reduce_sum3A_101 = arith.constant dense<0.000000e+00> : vector<512xf32>
    %reduce_sum3A_102 = vector.multi_reduction <add>, %convert_element_type3A_100, %reduce_sum3A_101 [1] : vector<512x200xf32> to vector<512xf32>
    %broadcast_in_dim3A_103 = vector.shape_cast %reduce_sum3A_102 : vector<512xf32> to vector<512x1xf32>
    %slice3A_104 = vector.extract_strided_slice %mul3A_11 {offsets = [1, 0], sizes = [1, 8], strides = [1, 1]} : vector<4x8xf32> to vector<1x8xf32>
    %mul3A_105 = vector.broadcast %broadcast_in_dim3A_95 : vector<512x1xf32> to vector<512x8xf32>
    %mul3A_106 = vector.broadcast %slice3A_104 : vector<1x8xf32> to vector<512x8xf32>
    %mul3A_107 = arith.mulf %mul3A_105, %mul3A_106 : vector<512x8xf32>
    %add3A_108 = arith.addf %add3A, %mul3A_107 : vector<512x8xf32>
    %slice3A_109 = vector.extract_strided_slice %mul3A_33 {offsets = [1, 0], sizes = [1, 8], strides = [1, 1]} : vector<4x8xf32> to vector<1x8xf32>
    %mul3A_110 = vector.broadcast %broadcast_in_dim3A_103 : vector<512x1xf32> to vector<512x8xf32>
    %mul3A_111 = vector.broadcast %slice3A_109 : vector<1x8xf32> to vector<512x8xf32>
    %mul3A_112 = arith.mulf %mul3A_110, %mul3A_111 : vector<512x8xf32>
    %add3A_113 = arith.addf %add3A_87, %mul3A_112 : vector<512x8xf32>
    %eq3A_114 = arith.constant 2 : i32
    %eq3A_115 = vector.broadcast %eq3A_114 : i32 to vector<512x200xi32>
    %eq3A_116 = arith.cmpi eq, %get3A_58, %eq3A_115 : vector<512x200xi32>
    %convert_element_type3A_117 = arith.extui %eq3A_116 : vector<512x200xi1> to vector<512x200xi32>
    %convert_element_type3A_118 = arith.sitofp %convert_element_type3A_117 : vector<512x200xi32> to vector<512x200xf32>
    %reduce_sum3A_119 = arith.constant dense<0.000000e+00> : vector<512xf32>
    %reduce_sum3A_120 = vector.multi_reduction <add>, %convert_element_type3A_118, %reduce_sum3A_119 [1] : vector<512x200xf32> to vector<512xf32>
    %broadcast_in_dim3A_121 = vector.shape_cast %reduce_sum3A_120 : vector<512xf32> to vector<512x1xf32>
    %eq3A_122 = arith.constant 2 : i32
    %eq3A_123 = vector.broadcast %eq3A_122 : i32 to vector<512x200xi32>
    %eq3A_124 = arith.cmpi eq, %get3A_61, %eq3A_123 : vector<512x200xi32>
    %convert_element_type3A_125 = arith.extui %eq3A_124 : vector<512x200xi1> to vector<512x200xi32>
    %convert_element_type3A_126 = arith.sitofp %convert_element_type3A_125 : vector<512x200xi32> to vector<512x200xf32>
    %reduce_sum3A_127 = arith.constant dense<0.000000e+00> : vector<512xf32>
    %reduce_sum3A_128 = vector.multi_reduction <add>, %convert_element_type3A_126, %reduce_sum3A_127 [1] : vector<512x200xf32> to vector<512xf32>
    %broadcast_in_dim3A_129 = vector.shape_cast %reduce_sum3A_128 : vector<512xf32> to vector<512x1xf32>
    %slice3A_130 = vector.extract_strided_slice %mul3A_11 {offsets = [2, 0], sizes = [1, 8], strides = [1, 1]} : vector<4x8xf32> to vector<1x8xf32>
    %mul3A_131 = vector.broadcast %broadcast_in_dim3A_121 : vector<512x1xf32> to vector<512x8xf32>
    %mul3A_132 = vector.broadcast %slice3A_130 : vector<1x8xf32> to vector<512x8xf32>
    %mul3A_133 = arith.mulf %mul3A_131, %mul3A_132 : vector<512x8xf32>
    %add3A_134 = arith.addf %add3A_108, %mul3A_133 : vector<512x8xf32>
    %slice3A_135 = vector.extract_strided_slice %mul3A_33 {offsets = [2, 0], sizes = [1, 8], strides = [1, 1]} : vector<4x8xf32> to vector<1x8xf32>
    %mul3A_136 = vector.broadcast %broadcast_in_dim3A_129 : vector<512x1xf32> to vector<512x8xf32>
    %mul3A_137 = vector.broadcast %slice3A_135 : vector<1x8xf32> to vector<512x8xf32>
    %mul3A_138 = arith.mulf %mul3A_136, %mul3A_137 : vector<512x8xf32>
    %add3A_139 = arith.addf %add3A_113, %mul3A_138 : vector<512x8xf32>
    %eq3A_140 = arith.constant 3 : i32
    %eq3A_141 = vector.broadcast %eq3A_140 : i32 to vector<512x200xi32>
    %eq3A_142 = arith.cmpi eq, %get3A_58, %eq3A_141 : vector<512x200xi32>
    %convert_element_type3A_143 = arith.extui %eq3A_142 : vector<512x200xi1> to vector<512x200xi32>
    %convert_element_type3A_144 = arith.sitofp %convert_element_type3A_143 : vector<512x200xi32> to vector<512x200xf32>
    %reduce_sum3A_145 = arith.constant dense<0.000000e+00> : vector<512xf32>
    %reduce_sum3A_146 = vector.multi_reduction <add>, %convert_element_type3A_144, %reduce_sum3A_145 [1] : vector<512x200xf32> to vector<512xf32>
    %broadcast_in_dim3A_147 = vector.shape_cast %reduce_sum3A_146 : vector<512xf32> to vector<512x1xf32>
    %eq3A_148 = arith.constant 3 : i32
    %eq3A_149 = vector.broadcast %eq3A_148 : i32 to vector<512x200xi32>
    %eq3A_150 = arith.cmpi eq, %get3A_61, %eq3A_149 : vector<512x200xi32>
    %convert_element_type3A_151 = arith.extui %eq3A_150 : vector<512x200xi1> to vector<512x200xi32>
    %convert_element_type3A_152 = arith.sitofp %convert_element_type3A_151 : vector<512x200xi32> to vector<512x200xf32>
    %reduce_sum3A_153 = arith.constant dense<0.000000e+00> : vector<512xf32>
    %reduce_sum3A_154 = vector.multi_reduction <add>, %convert_element_type3A_152, %reduce_sum3A_153 [1] : vector<512x200xf32> to vector<512xf32>
    %broadcast_in_dim3A_155 = vector.shape_cast %reduce_sum3A_154 : vector<512xf32> to vector<512x1xf32>
    %slice3A_156 = vector.extract_strided_slice %mul3A_11 {offsets = [3, 0], sizes = [1, 8], strides = [1, 1]} : vector<4x8xf32> to vector<1x8xf32>
    %mul3A_157 = vector.broadcast %broadcast_in_dim3A_147 : vector<512x1xf32> to vector<512x8xf32>
    %mul3A_158 = vector.broadcast %slice3A_156 : vector<1x8xf32> to vector<512x8xf32>
    %mul3A_159 = arith.mulf %mul3A_157, %mul3A_158 : vector<512x8xf32>
    %add3A_160 = arith.addf %add3A_134, %mul3A_159 : vector<512x8xf32>
    %slice3A_161 = vector.extract_strided_slice %mul3A_33 {offsets = [3, 0], sizes = [1, 8], strides = [1, 1]} : vector<4x8xf32> to vector<1x8xf32>
    %mul3A_162 = vector.broadcast %broadcast_in_dim3A_155 : vector<512x1xf32> to vector<512x8xf32>
    %mul3A_163 = vector.broadcast %slice3A_161 : vector<1x8xf32> to vector<512x8xf32>
    %mul3A_164 = arith.mulf %mul3A_162, %mul3A_163 : vector<512x8xf32>
    %add3A_165 = arith.addf %add3A_139, %mul3A_164 : vector<512x8xf32>
    %get3A_166 = arith.constant 0 : index
    %get3A_167 = arith.constant 0 : index
    %get3A_168 = vector.load %arg8[%get3A_166, %get3A_167] : memref<64x80xf32, #tpu.memory_space<vmem>>, vector<64x80xf32>
    %get3A_169 = arith.constant 0 : index
    %get3A_170 = arith.constant 0 : index
    %get3A_171 = vector.load %arg4[%get3A_169, %get3A_170] : memref<512x64xf32, #tpu.memory_space<vmem>>, vector<512x64xf32>
    %slice3A_172 = vector.extract_strided_slice %get3A_168 {offsets = [0, 16], sizes = [64, 64], strides = [1, 1]} : vector<64x80xf32> to vector<64x64xf32>
    %dot_general3A = arith.constant dense<0.000000e+00> : vector<512x64xf32>
    %dot_general3A_173 = tpu.matmul %get3A_171, %slice3A_172, %dot_general3A {dimension_numbers = #tpu.dot_dimension_numbers<[1], [1], [0], [0], [0, 0, 1, 0], [], []>, transpose_lhs_hint = false} : vector<512x64xf32>, vector<64x64xf32>, vector<512x64xf32> -> vector<512x64xf32>
    %slice3A_174 = vector.extract_strided_slice %get3A_168 {offsets = [0, 0], sizes = [64, 8], strides = [1, 1]} : vector<64x80xf32> to vector<64x8xf32>
    %dot_general3A_175 = arith.constant dense<0.000000e+00> : vector<512x64xf32>
    %dot_general3A_176 = tpu.matmul %add3A_160, %slice3A_174, %dot_general3A_175 {dimension_numbers = #tpu.dot_dimension_numbers<[1], [1], [0], [0], [0, 0, 1, 0], [], []>, transpose_lhs_hint = false} : vector<512x8xf32>, vector<64x8xf32>, vector<512x64xf32> -> vector<512x64xf32>
    %add3A_177 = arith.addf %dot_general3A_173, %dot_general3A_176 : vector<512x64xf32>
    %slice3A_178 = vector.extract_strided_slice %get3A_168 {offsets = [0, 8], sizes = [64, 8], strides = [1, 1]} : vector<64x80xf32> to vector<64x8xf32>
    %dot_general3A_179 = arith.constant dense<0.000000e+00> : vector<512x64xf32>
    %dot_general3A_180 = tpu.matmul %add3A_165, %slice3A_178, %dot_general3A_179 {dimension_numbers = #tpu.dot_dimension_numbers<[1], [1], [0], [0], [0, 0, 1, 0], [], []>, transpose_lhs_hint = false} : vector<512x8xf32>, vector<64x8xf32>, vector<512x64xf32> -> vector<512x64xf32>
    %add3A_181 = arith.addf %add3A_177, %dot_general3A_180 : vector<512x64xf32>
    %get3A_182 = arith.constant 0 : index
    %get3A_183 = arith.constant 0 : index
    %get3A_184 = vector.load %arg9[%get3A_182, %get3A_183] : memref<1x64xf32, #tpu.memory_space<vmem>>, vector<1x64xf32>
    %mul3A_185 = arith.constant 2.000000e+02 : f32
    %mul3A_186 = vector.broadcast %mul3A_185 : f32 to vector<1x64xf32>
    %mul3A_187 = arith.mulf %mul3A_186, %get3A_184 : vector<1x64xf32>
    %add3A_188 = vector.broadcast %mul3A_187 : vector<1x64xf32> to vector<512x64xf32>
    %add3A_189 = arith.addf %add3A_181, %add3A_188 : vector<512x64xf32>
    %get3A_190 = arith.constant 0 : index
    %get3A_191 = arith.constant 0 : index
    %get3A_192 = memref.load %arg10[%get3A_190, %get3A_191] : memref<1x1xf32, #tpu.memory_space<smem>>
    %ge3A = arith.constant 0.000000e+00 : f32
    %ge3A_193 = vector.broadcast %ge3A : f32 to vector<512x64xf32>
    %ge3A_194 = arith.cmpf oge, %add3A_189, %ge3A_193 : vector<512x64xf32>
    %mul3A_195 = vector.broadcast %get3A_192 : f32 to vector<512x64xf32>
    %mul3A_196 = arith.mulf %mul3A_195, %add3A_189 : vector<512x64xf32>
    %select_n3A_197 = arith.select %ge3A_194, %add3A_189, %mul3A_196 : vector<512x64xi1>, vector<512x64xf32>
    %iota3A = tpu.iota {dimensions = array<i32: 1>} : vector<512x128xi32>
    %get3A_198 = arith.constant 0 : index
    %get3A_199 = arith.constant 0 : index
    %get3A_200 = vector.load %arg1[%get3A_198, %get3A_199] : memref<512x1xi32, #tpu.memory_space<vmem>>, vector<512x1xi32>
    %eq3A_201 = vector.broadcast %get3A_200 : vector<512x1xi32> to vector<512x128xi32>
    %eq3A_202 = arith.cmpi eq, %iota3A, %eq3A_201 : vector<512x128xi32>
    %convert_element_type3A_203 = arith.extui %eq3A_202 : vector<512x128xi1> to vector<512x128xi32>
    %convert_element_type3A_204 = arith.sitofp %convert_element_type3A_203 : vector<512x128xi32> to vector<512x128xf32>
    %dot_general3A_205 = arith.constant dense<0.000000e+00> : vector<512x16xf32>
    %dot_general3A_206 = tpu.matmul %convert_element_type3A_204, %mul3A_55, %dot_general3A_205 {dimension_numbers = #tpu.dot_dimension_numbers<[1], [0], [0], [1], [0, 0, 1, 1], [], []>, transpose_lhs_hint = false} : vector<512x128xf32>, vector<128x16xf32>, vector<512x16xf32> -> vector<512x16xf32>
    %get3A_207 = arith.constant 0 : index
    %get3A_208 = arith.constant 0 : index
    %get3A_209 = vector.load %arg11[%get3A_207, %get3A_208] : memref<128x80xf32, #tpu.memory_space<vmem>>, vector<128x80xf32>
    %slice3A_210 = vector.extract_strided_slice %get3A_209 {offsets = [0, 0], sizes = [128, 16], strides = [1, 1]} : vector<128x80xf32> to vector<128x16xf32>
    %dot_general3A_211 = arith.constant dense<0.000000e+00> : vector<512x128xf32>
    %dot_general3A_212 = tpu.matmul %dot_general3A_206, %slice3A_210, %dot_general3A_211 {dimension_numbers = #tpu.dot_dimension_numbers<[1], [1], [0], [0], [0, 0, 1, 0], [], []>, transpose_lhs_hint = false} : vector<512x16xf32>, vector<128x16xf32>, vector<512x128xf32> -> vector<512x128xf32>
    %slice3A_213 = vector.extract_strided_slice %get3A_209 {offsets = [0, 16], sizes = [128, 64], strides = [1, 1]} : vector<128x80xf32> to vector<128x64xf32>
    %dot_general3A_214 = arith.constant dense<0.000000e+00> : vector<512x128xf32>
    %dot_general3A_215 = tpu.matmul %select_n3A_197, %slice3A_213, %dot_general3A_214 {dimension_numbers = #tpu.dot_dimension_numbers<[1], [1], [0], [0], [0, 0, 1, 0], [], []>, transpose_lhs_hint = false} : vector<512x64xf32>, vector<128x64xf32>, vector<512x128xf32> -> vector<512x128xf32>
    %add3A_216 = arith.addf %dot_general3A_212, %dot_general3A_215 : vector<512x128xf32>
    %get3A_217 = arith.constant 0 : index
    %get3A_218 = arith.constant 0 : index
    %get3A_219 = vector.load %arg12[%get3A_217, %get3A_218] : memref<1x128xf32, #tpu.memory_space<vmem>>, vector<1x128xf32>
    %add3A_220 = vector.broadcast %get3A_219 : vector<1x128xf32> to vector<512x128xf32>
    %add3A_221 = arith.addf %add3A_216, %add3A_220 : vector<512x128xf32>
    %swap3A = arith.constant 0 : index
    %swap3A_222 = arith.constant 0 : index
    %swap3A_223 = vector.load %arg13[%swap3A, %swap3A_222] : memref<512x128xf32, #tpu.memory_space<vmem>>, vector<512x128xf32>
    tpu.vector_store %arg13[%swap3A, %swap3A_222], %add3A_221 {strides = array<i32>} : memref<512x128xf32, #tpu.memory_space<vmem>>, vector<512x128xf32>,
    return
  }
  func.func @transform_0(%arg0: i32) -> (i32, i32) {
    %c0_i32 = arith.constant 0 : i32
    %c0_i32_0 = arith.constant 0 : i32
    return %arg0, %c0_i32 : i32, i32
  }
  func.func @transform_1(%arg0: i32) -> (i32, i32) {
    %c0_i32 = arith.constant 0 : i32
    %c0_i32_0 = arith.constant 0 : i32
    return %arg0, %c0_i32 : i32, i32
  }
  func.func @transform_2(%arg0: i32) -> (i32, i32) {
    %c0_i32 = arith.constant 0 : i32
    %c0_i32_0 = arith.constant 0 : i32
    return %arg0, %c0_i32 : i32, i32
  }
  func.func @transform_3(%arg0: i32) -> (i32, i32) {
    %c0_i32 = arith.constant 0 : i32
    %c0_i32_0 = arith.constant 0 : i32
    return %arg0, %c0_i32 : i32, i32
  }
  func.func @transform_4(%arg0: i32) -> (i32, i32) {
    %c0_i32 = arith.constant 0 : i32
    %c0_i32_0 = arith.constant 0 : i32
    %c0_i32_1 = arith.constant 0 : i32
    return %c0_i32, %c0_i32_0 : i32, i32
  }
  func.func @transform_5(%arg0: i32) -> (i32, i32) {
    %c0_i32 = arith.constant 0 : i32
    %c0_i32_0 = arith.constant 0 : i32
    %c0_i32_1 = arith.constant 0 : i32
    return %c0_i32, %c0_i32_0 : i32, i32
  }
  func.func @transform_6(%arg0: i32) -> (i32, i32) {
    %c0_i32 = arith.constant 0 : i32
    %c0_i32_0 = arith.constant 0 : i32
    %c0_i32_1 = arith.constant 0 : i32
    return %c0_i32, %c0_i32_0 : i32, i32
  }
  func.func @transform_7(%arg0: i32) -> (i32, i32) {
    %c0_i32 = arith.constant 0 : i32
    %c0_i32_0 = arith.constant 0 : i32
    %c0_i32_1 = arith.constant 0 : i32
    return %c0_i32, %c0_i32_0 : i32, i32
  }
  func.func @transform_8(%arg0: i32) -> (i32, i32) {
    %c0_i32 = arith.constant 0 : i32
    %c0_i32_0 = arith.constant 0 : i32
    %c0_i32_1 = arith.constant 0 : i32
    return %c0_i32, %c0_i32_0 : i32, i32
  }
  func.func @transform_9(%arg0: i32) -> (i32, i32) {
    %c0_i32 = arith.constant 0 : i32
    %c0_i32_0 = arith.constant 0 : i32
    %c0_i32_1 = arith.constant 0 : i32
    return %c0_i32, %c0_i32_0 : i32, i32
  }
  func.func @transform_10(%arg0: i32) -> (i32, i32) {
    %c0_i32 = arith.constant 0 : i32
    %c0_i32_0 = arith.constant 0 : i32
    %c0_i32_1 = arith.constant 0 : i32
    return %c0_i32, %c0_i32_0 : i32, i32
  }
  func.func @transform_11(%arg0: i32) -> (i32, i32) {
    %c0_i32 = arith.constant 0 : i32
    %c0_i32_0 = arith.constant 0 : i32
    %c0_i32_1 = arith.constant 0 : i32
    return %c0_i32, %c0_i32_0 : i32, i32
  }
  func.func @transform_12(%arg0: i32) -> (i32, i32) {
    %c0_i32 = arith.constant 0 : i32
    %c0_i32_0 = arith.constant 0 : i32
    return %arg0, %c0_i32 : i32, i32
  }
}

</mosaic_0001>

<sc_bundles>
// kernel: kernel.5.cloned.1.call-start
scs
__scs_entry_jumppad:
0x0: {  	(pc) =	sbr.rel $0x88, $3  }
0x1: {  	(tag) =	ssettag $0x0;
	lr =	simm.s32 $0x1  }
0x2: {  	[smem:$0x3F96] =	sst lr;
	_ =	strace $0xD0000000  }
0x3: {  	_ = 	snop  }
0x4: {  	_ = 	snop  }
0x5: {  	_ = 	snop  }
0x6: {  	_ = 	snop  }
0x7: {  	_ = 	snop  }
__scs_overlays_trampoline_lowered:
0x8: {  	[smem:$0x3FA5] =	sst s0  }
0x9: {  	[smem:$0x3FA6] =	sst s1  }
0xa: {  	[smem:$0x3FA7] =	sst s2  }
0xb: {  	[smem:$0x3FA8] =	sst s3  }
0xc: {  	[smem:$0x3FA9] =	sst s4  }
0xd: {  	[smem:$0x3FAA] =	sst s5  }
0xe: {  	[smem:$0x3FAB] =	sst s6  }
0xf: {  	[smem:$0x3FAC] =	sst s7  }
0x10: {  	[smem:$0x3FAD] =	sst s8  }
0x11: {  	[smem:$0x3FAE] =	sst s9;
	s0 =	simm.s32 @!p0 $0x0  }
0x12: {  	s1 =	sld [smem:$0x3F94];
	s0 =	simm.s32 @p0 $0x1  }
0x13: {  	[smem:$0x3FAF] =	sst s0;
	s0 =	simm.s32 @!p1 $0x0  }
0x14: {  	s2 =	sld [smem:$0x3F93];
	s0 =	simm.s32 @p1 $0x1  }
0x15: {  	[smem:$0x3FB0] =	sst s0;
	s0 =	simm.s32 @!p2 $0x0  }
0x16: {  	s3 =	sld [smem:$0x3FDB];
	s0 =	simm.s32 @p2 $0x1  }
0x17: {  	s4 =	simm.s32 $0x1BF5;
	[smem:$0x3FB2] =	sst s0  }
0x18: {  	s0 =	sld [smem:$0x3F95];
	_ =	swait.ge [sflag:s4], $0x0  }
0x19: {  	s7 =	sld [smem:$0x3F96]  }
0x1a: {  	s8 =	sadd.s32 $0xFFFFE003, lr  }
0x1b: {  	s9 =	sadd.s32 $0xFFFFFEF7, lr;
	s5 =	simm.s32 $0xFFFFFFFF;
	p2 =	slt.u32 s8, $0xFFFFF086  }
0x1c: {  	p1 =	slt.u32 s9, $0xF7A;
	s5 =	simm.s32 @!p2 $0x0  }
0x1d: {  	s5 =	simm.s32 @p1 $0x1;
	p0 =	seq.s32 s7, s2  }
0x1e: {  	s7 =	smul.u32 @!p0 $0xF7A, s2;
	p2 =	seq.s32 @!p0 s5, $0x0  }
0x1f: {  	s9 =	smul.u32 $0xF7A, s1;
	s8 =	simm.s32 @!p0 $0x1BF5;
	p2 =	por !p2, p0  }
0x20: {  	[sflag:s8] =	ssyncset.s32 @!p0 $0xFFFFF086;
	s6 =	sadd.s32 @!p0 s3, s7;
	s7 =	simm.s32 @!p0 $0x108  }
0x21: {  	s3 =	sadd.s32 s3, s9;
	s6 =	sadd.s32 @!p0 $0x88, s6;
	s7 =	simm.s32 @p2 $0x1082  }
0x22: {  	[simem:s7], [sflag:s8] =	dma.local @!p0 [hbm:s6], $0xF7A  }
0x23: {  	s9 =	sor.u32 $0xD0000000, s2;
	s6 =	simm.s32 $0x108;
	_ =	swait.ge @!p0 [sflag:s8], $0x0  }
0x24: {  	s3 =	sadd.s32 $0x88, s3;
	s6 =	simm.s32 @!p1 $0x1082;
	[sflag:s4] =	ssyncset.s32 $0xFFFFF086  }
0x25: {  	[simem:s6], [sflag:s4] =	dma.local [hbm:s3], $0xF7A  }
0x26: {  	[smem:$0x3F96] =	sst s1;
	(tag) =	ssettag s2;
	_ =	strace s9  }
0x27: {  	s1 =	sld [smem:$0x3FA6]  }
0x28: {  	s2 =	sld [smem:$0x3FA7]  }
0x29: {  	s4 =	sld [smem:$0x3FA9]  }
0x2a: {  	p0 =	seq.s32 s5, $0x0;
	s5 =	sld [smem:$0x3FAA]  }
0x2b: {  	s6 =	sld [smem:$0x3FAB]  }
0x2c: {  	s7 =	sld [smem:$0x3FAC]  }
0x2d: {  	s3 =	simm.s32 $0x108;
	s8 =	sld [smem:$0x3FAD]  }
0x2e: {  	s3 =	simm.s32 @!p0 $0x1082;
	s9 =	sld [smem:$0x3FAE]  }
0x2f: {  	lr =	sadd.s32 s0, s3;
	s0 =	sld [smem:$0x3FA5]  }
0x30: {  	s3 =	sld [smem:$0x3FA8]  }
0x31: {  	[smem:$0x3FB1] =	sst s10  }
0x32: {  	s10 =	sld [smem:$0x3FAF];
	_ =	sdelay $0x3  }
0x33: {  	p0 =	seq.s32 s10, $0x1;
	s10 =	sld [smem:$0x3FB1];
	_ =	sdelay $0x3  }
0x34: {  	[smem:$0x3FB1] =	sst s10  }
0x35: {  	s10 =	sld [smem:$0x3FB0];
	_ =	sdelay $0x3  }
0x36: {  	p1 =	seq.s32 s10, $0x1;
	s10 =	sld [smem:$0x3FB1];
	_ =	sdelay $0x3  }
0x37: {  	[smem:$0x3FB1] =	sst s10  }
0x38: {  	s10 =	sld [smem:$0x3FB2]  }
0x39: {  	_ = 	snop;
	(pc) =	sbr.ind lr, $3  }
0x3a: {  	_ = 	snop  }
0x3b: {  	_ = 	snop  }
0x3c: {  	p2 =	seq.s32 s10, $0x1;
	s10 =	sld [smem:$0x3FB1]  }
0x3d: {  	_ =	shalt  }
0x3e: {  	_ =	shalt  }
0x3f: {  	_ =	shalt  }
0x40: {  	_ =	shalt  }
0x41: {  	_ =	shalt  }
0x42: {  	_ =	shalt  }
0x43: {  	_ =	shalt  }
0x44: {  	_ =	shalt  }
0x45: {  	_ =	shalt  }
0x46: {  	_ =	shalt  }
0x47: {  	_ =	shalt  }
0x48: {  	_ =	shalt  }
0x49: {  	_ =	shalt  }
0x4a: {  	_ =	shalt  }
0x4b: {  	_ =	shalt  }
0x4c: {  	_ =	shalt  }
0x4d: {  	_ =	shalt  }
0x4e: {  	_ =	shalt  }
0x4f: {  	_ =	shalt  }
0x50: {  	_ =	shalt  }
0x51: {  	_ =	shalt  }
0x52: {  	_ =	shalt  }
0x53: {  	_ =	shalt  }
0x54: {  	_ =	shalt  }
0x55: {  	_ =	shalt  }
0x56: {  	_ =	shalt  }
0x57: {  	_ =	shalt  }
0x58: {  	_ =	shalt  }
0x59: {  	_ =	shalt  }
0x5a: {  	_ =	shalt  }
0x5b: {  	_ =	shalt  }
0x5c: {  	_ =	shalt  }
0x5d: {  	_ =	shalt  }
0x5e: {  	_ =	shalt  }
0x5f: {  	_ =	shalt  }
0x60: {  	_ =	shalt  }
0x61: {  	_ =	shalt  }
0x62: {  	_ =	shalt  }
0x63: {  	_ =	shalt  }
0x64: {  	_ =	shalt  }
0x65: {  	_ =	shalt  }
0x66: {  	_ =	shalt  }
0x67: {  	_ =	shalt  }
0x68: {  	_ =	shalt  }
0x69: {  	_ =	shalt  }
0x6a: {  	_ =	shalt  }
0x6b: {  	_ =	shalt  }
0x6c: {  	_ =	shalt  }
0x6d: {  	_ =	shalt  }
0x6e: {  	_ =	shalt  }
0x6f: {  	_ =	shalt  }
0x70: {  	_ =	shalt  }
0x71: {  	_ =	shalt  }
0x72: {  	_ =	shalt  }
0x73: {  	_ =	shalt  }
0x74: {  	_ =	shalt  }
0x75: {  	_ =	shalt  }
0x76: {  	_ =	shalt  }
0x77: {  	_ =	shalt  }
0x78: {  	_ =	shalt  }
0x79: {  	_ =	shalt  }
0x7a: {  	_ =	shalt  }
0x7b: {  	_ =	shalt  }
0x7c: {  	_ =	shalt  }
0x7d: {  	_ =	shalt  }
0x7e: {  	_ =	shalt  }
0x7f: {  	_ =	shalt  }
0x80: {  	_ =	shalt  }
0x81: {  	_ =	shalt  }
0x82: {  	_ =	shalt  }
0x83: {  	_ =	shalt  }
0x84: {  	_ =	shalt  }
0x85: {  	_ =	shalt  }
0x86: {  	_ =	shalt  }
0x87: {  	_ =	shalt  }
.Lfunc_end0:
.L_simem_size_0:
called_computation_lowered:
.L_overlay_start_0:
0x88: {  	s2 =	sld [smem:$0x3FD9]  }
0x89: {  	s3 =	sld [smem:$0x3FFE];
	_ =	sdelay $0x1  }
0x8a: {  	s1 =	srdreg.scid  }
0x8b: {  	s0 =	sand.u32 $0x1, s1  }
0x8c: {  	s17 =	sshll.u32 s0, $0xA;
	s2 =	sadd.s32 s3, s2  }
0x8d: {  	s2 =	sadd.s32 s2, s17  }
0x8e: {  	[smem:$0x3FBD] =	sst s2  }
0x8f: {  	_ = 	snop  }
0x90: {  	s2 =	sld [smem:$0x3FD0];
	(tm) =	ssettm $0x1  }
0x91: {  	s18 =	sld [smem:$0x3FFB];
	_ =	sdelay $0x3  }
0x92: {  	_ =	strace s18  }
0x93: {  	s3 =	sld [smem:$0x3FFC];
	_ =	sdelay $0x3  }
0x94: {  	_ =	strace s3  }
0x95: {  	s3 =	sld [smem:$0x3FFD];
	_ =	sdelay $0x3  }
0x96: {  	_ =	strace s3  }
0x97: {  	_ =	strace $0x8FFFFFFF  }
0x98: {  	s19 =	sld [smem:$0x3FDB];
	_ =	sdelay $0x1  }
0x99: {  	s4 =	simm.s32 $_scs_section_size  }
0x9a: {  	s5 =	simm.s32 $_size__tile_overlayer_lowered;
	s6 =	simm.s32 $_tile_overlayer_lowered  }
0x9b: {  	s22 =	simm.s32 $0x1BFF;
	s21 =	sshll.u32 s6, $0x1;
	s3 =	sadd.s32 s4, s19  }
0x9c: {  	s7 =	simm.s32 $0x0;
	s20 =	sshll.u32 s5, $0x1;
	s5 =	sadd.s32 s21, s3  }
0x9d: {  	[timem:s7], [sflag:s22] =	dma.local [hbm:s5], s20  }
0x9e: {  	_ =	swait.ge [sflag:s22], s20  }
0x9f: {  	s4 =	ssub.s32 $0x0, s20;
	[sflag:s22] =	ssyncset.done $0x0  }
0xa0: {  	[sflag:s22] =	ssyncadd.s32 s4;
	_ =	sdelay $0x1  }
0xa1: {  	s23 =	simm.s32 $0x1B8B  }
0xa2: {  	_ =	swait.ge [sflag:s23], $0x1  }
0xa3: {  	[sflag:s23] =	ssyncset.done $0x0  }
0xa4: {  	s25 =	simm.s32 $0x1B8E;
	s24 =	sld [smem:$0x3FFE];
	[sflag:s23] =	ssyncadd.s32 $0xFFFFFFFF  }
0xa5: {  	s26 =	simm.s32 $execute0_lowered;
	[smem:$0x3FD2] =	sst s25  }
0xa6: {  	s5 =	sshll.u32 s26, $0x1;
	_ =	strace $0x80000046;
	[dreg:$0x1] =	wrdreg $0xFFFFFFFF  }
0xa7: {  	s28 =	simm.s32 $_size_execute0_lowered;
	s3 =	sadd.s32 s3, s5;
	[dreg:$0x0] =	wrdreg $0x0  }
0xa8: {  	s5 =	sshll.u32 s28, $0x1;
	[dreg:$0x2] =	wrdreg s3  }
0xa9: {  	[dreg:$0x3] =	wrdreg s5  }
0xaa: {  	[dreg:$0x4] =	wrdreg $0xC0  }
0xab: {  	_ =	task [dreg:s7], $0x5FFFF  }
0xac: {  	[dreg:$0x1] =	wrdreg $0xFFFFFFFF  }
0xad: {  	[dreg:$0x0] =	wrdreg $0x60  }
0xae: {  	[dreg:$0x2] =	wrdreg s24  }
0xaf: {  	[dreg:$0x3] =	wrdreg s2  }
0xb0: {  	[dreg:$0x4] =	wrdreg $0x9  }
0xb1: {  	_ =	task.clear_ibuf [dreg:s7], $0x5FFFF;
	_ =	strace $0x90000046  }
0xb2: {  	s29 =	simm.s32 $0x9;
	_ =	strace $0x80000048  }
0xb3: {  	_ =	swait.ge [sflag:s29], $0x1  }
0xb4: {  	[sflag:s29] =	ssyncadd.s32 $0xFFFFFFFF  }
0xb5: {  	_ =	strace $0x90000048  }
0xb6: {  	_ =	sfence  }
0xb7: {  	s30 =	sld [smem:$0x0];
	_ =	sdelay $0x2  }
0xb8: {  	s31 =	sshll.u32 s1, $0xD;
	s1 =	sshrl.u32 s1, $0x2  }
0xb9: {  	s3 =	sand.u32 $0x4000, s31;
	s1 =	sadd.s32 s1, s30  }
0xba: {  	s0 =	sor.u32 s3, s0;
	s1 =	sshll.u32 s1, $0x11  }
0xbb: {  	s0 =	sor.u32 s1, s0  }
0xbc: {  	s0 =	sadd.s32 $0x8F2B, s0  }
0xbd: {  	[sflag:s0] =	ssyncadd.remote.s32 $0x1  }
0xbe: {  	_ =	sfence.sel $0xFFFF  }
0xbf: {  	[dreg:$0x0] =	wrdreg $0xFFFFFFFF;
	(pc) =	sbr.abs _section_cstart, $3  }
0xc0: {  	[dreg:$0x1] =	wrdreg $0xFFFFFFFF  }
0xc1: {  	_ =	task.clear_ibuf [dreg:s7], $0x2FFFF;
	_ =	strace $0x9FFFFFFF  }
0xc2: {  	(tm) =	ssettm $0x7FFFFFFF  }
0xc3: {  	_ =	shalt  }
tec
execute0_lowered:
.L_overlay_start_1:
0x0: {  	(tag) =	ssettag $0x1  }
0x1: {  	s0 =	srdreg.scid  }
0x2: {  	s1 =	rddreg [dreg:$0x0];
	s2 =	stileid.u32  }
0x3: {  	s5 =	rddreg [dreg:$0x1];
	s8 =	simm.s32 $0x60;
	s10 =	simm.s32 $0x68  }
0x4: {  	s17 =	simm.s32 $0x9400;
	s18 =	simm.s32 $0x1F0;
	s19 =	simm.s32 $0xF800  }
0x5: {  	s20 =	simm.s32 $0x258;
	s21 =	simm.s32 $0xAC00;
	s22 =	simm.s32 $0x2B8  }
0x6: {  	s23 =	simm.s32 $0x11200;
	s24 =	simm.s32 $0x1;
	s25 =	simm.s32 $0x2  }
0x7: {  	s28 =	simm.s32 $0x4;
	s29 =	simm.s32 $0x5;
	s30 =	simm.s32 $0x6  }
0x8: {  	s31 =	simm.s32 $0x7;
	s9 =	simm.s32 $0x0;
	s0 =	sand.u32 $0x1, s0  }
0x9: {  	s3 =	sshll.u32 s2, $0x8;
	s2 =	simm.s32 $0x0;
	s4 =	sshll.u32 s0, $0x7  }
0xa: {  	[smem:$0x7FF] =	sst s2;
	s0 =	ssub.s32 $0x2, s0;
	s4 =	sor.u32 s4, s3  }
.Ltmp0:
0xb: {  	_ =	strace $0x80000047;
	s3 =	sadd.s32 $0x4CA00, s1;
	(pc) =	sbr.rel .LBB2_1-.Ltmp0, $4  }
0xc: {  	s7 =	sshrl.u32 s0, $0x1;
	s6 =	smul.u32 $0x19, s4;
	s26 =	sshll.u32 s4, $0x3  }
0xd: {  	s0 =	ssub.s32 s0, s7;
	s7 =	simm.s32 $0x9;
	s5 =	sadd.s32 s5, s26  }
0xe: {  	s26 =	simm.s32 $0x3;
	s1 =	sadd.s32 s6, s1;
	s6 =	smax.u32 s0, $0x1  }
0xf: {  	s0 =	simm.s32 $0x12C00;
	s4 =	sadd.s32 $0x33A00, s1;
	s1 =	simm.s32 $0x8  }
.LBB2_20:
0x10: {  	[tilespmem:s12+$0x12CC0] =	vst v3  }
0x11: {  	[tilespmem:s12+$0x12CD0] =	vst v2;
	s9 =	sadd.s32 $0x1, s9  }
0x12: {  	[tilespmem:s12+$0x12CE0] =	vst v1;
	p0 =	sne.s32 s9, s6  }
.Ltmp1:
0x13: {  	[tilespmem:s12+$0x12CF0] =	vst v0;
	(pc) =	sbr.rel @!p0 .LBB2_21-.Ltmp1, $4  }
0x14: {  	[hbm4b:s5+s2] =	stream.linear.scatter [tilespmem:s0], [sflag:$0x9], $0x2000, $0x38;
	[tilespmem:$0x14C00] =	vst v63  }
0x15: {  	_ =	swait.ge [sflag:s7], $0x2000  }
0x16: {  	[sflag:s7] =	ssyncset.done $0x0  }
0x17: {  	[sflag:s7] =	ssyncadd.s32 $0xFFFFE000  }
.LBB2_1:
0x18: {  	[tilespmem:s2], [sflag:$0x9] =	stream.linear.gather [hbm4b:s4+s2], $0x6400, $0x38;
	[tilespmem:$0x14C00] =	vst v63  }
0x19: {  	_ =	swait.ge [sflag:s7], $0x6400  }
0x1a: {  	[sflag:s7] =	ssyncset.done $0x0  }
0x1b: {  	s11 =	simm.s32 $0x6400;
	[sflag:s7] =	ssyncadd.s32 $0xFFFF9C00  }
0x1c: {  	[tilespmem:s11], [sflag:$0x1] =	stream.indirect.gather [hbm4b:s3+s8], $0x40, s2, s8, $0xb8;
	[tilespmem:$0x14C00] =	vst v63  }
0x1d: {  	s12 =	simm.s32 $0xC400  }
0x1e: {  	[tilespmem:s12], [sflag:$0x2] =	stream.indirect.gather [hbm4b:s3+s10], $0x40, s8, s10, $0xb8;
	[tilespmem:$0x14C00] =	vst v63  }
0x1f: {  	s13 =	simm.s32 $0xC8;
	s12 =	simm.s32 $0x7C00  }
0x20: {  	[tilespmem:s12], [sflag:$0x3] =	stream.indirect.gather [hbm4b:s3+s8], $0x40, s13, s8, $0xb8;
	[tilespmem:$0x14C00] =	vst v63  }
0x21: {  	s14 =	simm.s32 $0x128;
	s15 =	simm.s32 $0xDE00  }
0x22: {  	[tilespmem:s15], [sflag:$0x4] =	stream.indirect.gather [hbm4b:s3+s10], $0x40, s14, s10, $0xb8;
	[tilespmem:$0x14C00] =	vst v63  }
0x23: {  	s16 =	simm.s32 $0x190  }
0x24: {  	[tilespmem:s17], [sflag:$0x5] =	stream.indirect.gather [hbm4b:s3+s8], $0x40, s16, s8, $0xb8;
	[tilespmem:$0x14C00] =	vst v63  }
0x25: {  	_ = 	snop  }
0x26: {  	[tilespmem:s19], [sflag:$0x6] =	stream.indirect.gather [hbm4b:s3+s10], $0x40, s18, s10, $0xb8;
	[tilespmem:$0x14C00] =	vst v63  }
0x27: {  	_ = 	snop  }
0x28: {  	[tilespmem:s21], [sflag:$0x7] =	stream.indirect.gather [hbm4b:s3+s8], $0x40, s20, s8, $0xb8;
	[tilespmem:$0x14C00] =	vst v63  }
0x29: {  	s11 =	simm.s32 $0x0  }
0x2a: {  	[tilespmem:s23], [sflag:$0x8] =	stream.indirect.gather [hbm4b:s3+s10], $0x40, s22, s10, $0xb8;
	[tilespmem:$0x14C00] =	vst v63  }
.LBB2_2:
0x2b: {  	_ =	swait.ge [sflag:s24], $0x1800  }
0x2c: {  	[sflag:s24] =	ssyncset.done $0x0  }
0x2d: {  	s13 =	simm.s32 $0x6480;
	[sflag:s24] =	ssyncadd.s32 $0xFFFFE800  }
0x2e: {  	v0 =	vld [tilespmem:s13+$0x40]  }
0x2f: {  	v1 =	vld [tilespmem:s13+$0x50]  }
0x30: {  	v2 =	vld [tilespmem:s13+$0x0]  }
0x31: {  	v3 =	vld [tilespmem:s13+$0x10]  }
0x32: {  	v4 =	vld [tilespmem:s13+$0xFFFFFFC0]  }
0x33: {  	v5 =	vld [tilespmem:s13+$0xFFFFFFD0]  }
0x34: {  	v6 =	vld [tilespmem:s13+$0xFFFFFF80]  }
0x35: {  	v7 =	vld [tilespmem:s13+$0xFFFFFF90]  }
0x36: {  	v9 =	vld [tilespmem:s13+$0xFFFFFFA0]  }
0x37: {  	v12 =	vld [tilespmem:s13+$0xFFFFFFB0]  }
0x38: {  	v11 =	vld [tilespmem:s13+$0xFFFFFFE0]  }
0x39: {  	v13 =	vld [tilespmem:s13+$0xFFFFFFF0]  }
0x3a: {  	v15 =	vimm.f32 $0.0e+00;
	v8 =	vld [tilespmem:s13+$0x20]  }
0x3b: {  	v10 =	vld [tilespmem:s13+$0x30];
	v6 =	vadd.f32 v6, v15;
	v7 =	vadd.f32 v7, v15  }
0x3c: {  	v14 =	vadd.f32 v9, v15;
	v15 =	vadd.f32 v12, v15;
	v9 =	vld [tilespmem:s13+$0x60]  }
0x3d: {  	s12 =	simm.s32 $0x0;
	v12 =	vld [tilespmem:s13+$0x70];
	s13 =	simm.s32 $0x6580;
	v16 =	vadd.f32 v4, v6;
	v17 =	vadd.f32 v5, v7  }
.LBB2_3:
0x3e: {  	v4 =	vld [tilespmem:s13+$0x40];
	v5 =	vadd.f32 v11, v14;
	v6 =	vadd.f32 v13, v15  }
0x3f: {  	v7 =	vld [tilespmem:s13+$0x50];
	v11 =	vadd.f32 v2, v16;
	v13 =	vadd.f32 v3, v17  }
0x40: {  	v2 =	vld [tilespmem:s13+$0x0];
	v5 =	vadd.f32 v8, v5;
	v6 =	vadd.f32 v10, v6  }
0x41: {  	v3 =	vld [tilespmem:s13+$0x10];
	v10 =	vadd.f32 v0, v11;
	v14 =	vadd.f32 v1, v13  }
0x42: {  	v16 =	vld [tilespmem:s13+$0xFFFFFFC0];
	v5 =	vadd.f32 v9, v5;
	v6 =	vadd.f32 v12, v6  }
0x43: {  	v12 =	vld [tilespmem:s13+$0xFFFFFFD0];
	v0 =	vmov v4  }
0x44: {  	v4 =	vld [tilespmem:s13+$0xFFFFFF80];
	v1 =	vmov v7  }
0x45: {  	v7 =	vld [tilespmem:s13+$0xFFFFFF90]  }
0x46: {  	v9 =	vld [tilespmem:s13+$0xFFFFFFA0]  }
0x47: {  	s12 =	sadd.s32 $0x4, s12;
	v15 =	vld [tilespmem:s13+$0xFFFFFFB0]  }
0x48: {  	p0 =	slt.u32 s12, $0x5C;
	v11 =	vld [tilespmem:s13+$0xFFFFFFE0]  }
.Ltmp2:
0x49: {  	v13 =	vld [tilespmem:s13+$0xFFFFFFF0];
	(pc) =	sbr.rel @p0 .LBB2_3-.Ltmp2, $4  }
0x4a: {  	v8 =	vld [tilespmem:s13+$0x20]  }
0x4b: {  	v4 =	vadd.f32 v4, v10;
	v7 =	vadd.f32 v7, v14;
	v10 =	vld [tilespmem:s13+$0x30]  }
0x4c: {  	v14 =	vadd.f32 v9, v5;
	v15 =	vadd.f32 v15, v6;
	v9 =	vld [tilespmem:s13+$0x60]  }
0x4d: {  	v16 =	vadd.f32 v16, v4;
	v17 =	vadd.f32 v12, v7;
	v12 =	vld [tilespmem:s13+$0x70];
	s13 =	sadd.s32 $0x100, s13  }
0x4e: {  	s13 =	sshll.u32 s11, $0x2  }
0x4f: {  	p0 =	seq.s32 s11, $0x1F;
	s12 =	sadd.s32 $0x4, s13  }
0x50: {  	s12 =	smul.u32 @!p0 $0x320, s12;
	_ =	sdelay $0x1  }
0x51: {  	s14 =	simm.s32 @!p0 $0x60;
	s15 =	simm.s32 @!p0 $0x6400;
	s12 =	sshra.s32 @!p0 s12, $0x2  }
0x52: {  	[tilespmem:s15], [sflag:$0x1] =	stream.indirect.gather @!p0 [hbm4b:s3+s14], $0x40, s12, s14, $0xb8;
	[tilespmem:$0x14C00] =	vst v63  }
0x53: {  	_ =	swait.ge [sflag:s25], $0x1A00  }
0x54: {  	[sflag:s25] =	ssyncset.done $0x0  }
0x55: {  	s16 =	simm.s32 $0xC480;
	[sflag:s25] =	ssyncadd.s32 $0xFFFFE600  }
0x56: {  	v4 =	vld [tilespmem:s16+$0x40]  }
0x57: {  	v5 =	vld [tilespmem:s16+$0x50]  }
0x58: {  	v7 =	vld [tilespmem:s16+$0x0]  }
0x59: {  	v6 =	vld [tilespmem:s16+$0x10]  }
0x5a: {  	v18 =	vld [tilespmem:s16+$0xFFFFFFC0]  }
0x5b: {  	v19 =	vld [tilespmem:s16+$0xFFFFFFD0]  }
0x5c: {  	v20 =	vld [tilespmem:s16+$0xFFFFFF80]  }
0x5d: {  	v21 =	vld [tilespmem:s16+$0xFFFFFF90]  }
0x5e: {  	v11 =	vadd.f32 v11, v14;
	v13 =	vadd.f32 v13, v15;
	v14 =	vld [tilespmem:s16+$0xFFFFFFA0]  }
0x5f: {  	v2 =	vadd.f32 v2, v16;
	v15 =	vadd.f32 v3, v17;
	v63 =	vld [tilespmem:s16+$0xFFFFFFB0]  }
0x60: {  	v11 =	vadd.f32 v8, v11;
	v10 =	vadd.f32 v10, v13;
	v3 =	vld [tilespmem:s16+$0xFFFFFFE0]  }
0x61: {  	v2 =	vadd.f32 v0, v2;
	v1 =	vadd.f32 v1, v15;
	v8 =	vld [tilespmem:s16+$0xFFFFFFF0]  }
0x62: {  	v9 =	vadd.f32 v9, v11;
	v10 =	vadd.f32 v12, v10;
	v0 =	vld [tilespmem:s16+$0x20]  }
0x63: {  	v11 =	vadd.f32 v20, v2;
	v15 =	vadd.f32 v21, v1;
	v2 =	vld [tilespmem:s16+$0x30]  }
0x64: {  	v12 =	vadd.f32 v14, v9;
	v10 =	vadd.f32 v63, v10;
	v1 =	vld [tilespmem:s16+$0x60]  }
0x65: {  	s14 =	simm.s32 $0x0;
	s15 =	simm.s32 $0xC580;
	v9 =	vld [tilespmem:s16+$0x70];
	v13 =	vadd.f32 v18, v11;
	v11 =	vadd.f32 v19, v15  }
.LBB2_5:
0x66: {  	v14 =	vld [tilespmem:s15+$0x40];
	v3 =	vadd.f32 v3, v12;
	v8 =	vadd.f32 v8, v10  }
0x67: {  	v10 =	vld [tilespmem:s15+$0x50];
	v12 =	vadd.f32 v7, v13;
	v11 =	vadd.f32 v6, v11  }
0x68: {  	v7 =	vld [tilespmem:s15+$0x0];
	v0 =	vadd.f32 v0, v3;
	v2 =	vadd.f32 v2, v8  }
0x69: {  	v6 =	vld [tilespmem:s15+$0x10];
	v12 =	vadd.f32 v4, v12;
	v11 =	vadd.f32 v5, v11  }
0x6a: {  	v13 =	vld [tilespmem:s15+$0xFFFFFFC0];
	v1 =	vadd.f32 v1, v0;
	v9 =	vadd.f32 v9, v2  }
0x6b: {  	v15 =	vld [tilespmem:s15+$0xFFFFFFD0];
	v4 =	vmov v14  }
0x6c: {  	v2 =	vld [tilespmem:s15+$0xFFFFFF80];
	v5 =	vmov v10  }
0x6d: {  	v10 =	vld [tilespmem:s15+$0xFFFFFF90]  }
0x6e: {  	v14 =	vld [tilespmem:s15+$0xFFFFFFA0]  }
0x6f: {  	s14 =	sadd.s32 $0x4, s14;
	v16 =	vld [tilespmem:s15+$0xFFFFFFB0]  }
0x70: {  	p1 =	slt.u32 s14, $0x64;
	v3 =	vld [tilespmem:s15+$0xFFFFFFE0]  }
.Ltmp3:
0x71: {  	v8 =	vld [tilespmem:s15+$0xFFFFFFF0];
	(pc) =	sbr.rel @p1 .LBB2_5-.Ltmp3, $4  }
0x72: {  	v0 =	vld [tilespmem:s15+$0x20]  }
0x73: {  	v17 =	vadd.f32 v2, v12;
	v11 =	vadd.f32 v10, v11;
	v2 =	vld [tilespmem:s15+$0x30]  }
0x74: {  	v12 =	vadd.f32 v14, v1;
	v10 =	vadd.f32 v16, v9;
	v1 =	vld [tilespmem:s15+$0x60]  }
0x75: {  	v13 =	vadd.f32 v13, v17;
	v11 =	vadd.f32 v15, v11;
	v9 =	vld [tilespmem:s15+$0x70];
	s15 =	sadd.s32 $0x100, s15  }
0x76: {  	_ = 	snop  }
0x77: {  	v3 =	vadd.f32 v3, v12;
	s12 =	sadd.s32 @!p0 $0x60, s12;
	s14 =	simm.s32 @!p0 $0x68;
	s15 =	simm.s32 @!p0 $0xC400;
	v7 =	vadd.f32 v7, v13  }
0x78: {  	v8 =	vadd.f32 v8, v10;
	v6 =	vadd.f32 v6, v11;
	[tilespmem:s15], [sflag:$0x2] =	stream.indirect.gather @!p0 [hbm4b:s3+s14], $0x40, s12, s14, $0xb8;
	[tilespmem:$0x14C00] =	vst v63  }
0x79: {  	s15 =	sshll.u32 s11, $0x8;
	v0 =	vadd.f32 v0, v3;
	v3 =	vadd.f32 v4, v7  }
0x7a: {  	v2 =	vadd.f32 v2, v8;
	s12 =	sand.u32 $0x3FFFFF00, s15;
	v4 =	vadd.f32 v5, v6  }
0x7b: {  	v0 =	vadd.f32 v1, v0;
	[tilespmem:s12+$0x12C00] =	vst v3  }
0x7c: {  	v1 =	vadd.f32 v9, v2;
	[tilespmem:s12+$0x12C10] =	vst v4  }
0x7d: {  	[tilespmem:s12+$0x12C20] =	vst v0  }
0x7e: {  	[tilespmem:s12+$0x12C30] =	vst v1  }
0x7f: {  	_ =	swait.ge [sflag:s26], $0x1800  }
0x80: {  	[sflag:s26] =	ssyncset.done $0x0  }
0x81: {  	s16 =	simm.s32 $0x7CF0;
	[sflag:s26] =	ssyncadd.s32 $0xFFFFE800  }
0x82: {  	v0 =	vld [tilespmem:s16+$0xFFFFFFD0]  }
0x83: {  	v1 =	vld [tilespmem:s16+$0xFFFFFFE0]  }
0x84: {  	v2 =	vld [tilespmem:s16+$0xFFFFFF90]  }
0x85: {  	v3 =	vld [tilespmem:s16+$0xFFFFFFA0]  }
0x86: {  	v4 =	vld [tilespmem:s16+$0xFFFFFF50]  }
0x87: {  	v5 =	vld [tilespmem:s16+$0xFFFFFF60]  }
0x88: {  	v6 =	vld [tilespmem:s16+$0xFFFFFF10]  }
0x89: {  	v7 =	vld [tilespmem:s16+$0xFFFFFF20]  }
0x8a: {  	v9 =	vld [tilespmem:s16+$0xFFFFFF30]  }
0x8b: {  	v12 =	vld [tilespmem:s16+$0xFFFFFF40]  }
0x8c: {  	v11 =	vld [tilespmem:s16+$0xFFFFFF70]  }
0x8d: {  	v13 =	vld [tilespmem:s16+$0xFFFFFF80]  }
0x8e: {  	v15 =	vimm.f32 $0.0e+00;
	v8 =	vld [tilespmem:s16+$0xFFFFFFB0]  }
0x8f: {  	v10 =	vld [tilespmem:s16+$0xFFFFFFC0];
	v6 =	vadd.f32 v6, v15;
	v7 =	vadd.f32 v7, v15  }
0x90: {  	v14 =	vadd.f32 v9, v15;
	v15 =	vadd.f32 v12, v15;
	v9 =	vld [tilespmem:s16+$0xFFFFFFF0]  }
0x91: {  	s14 =	simm.s32 $0x0;
	s15 =	simm.s32 $0x7DF0;
	v12 =	vld [tilespmem:s16+$0x0];
	v16 =	vadd.f32 v4, v6;
	v17 =	vadd.f32 v5, v7  }
.LBB2_7:
0x92: {  	v4 =	vld [tilespmem:s15+$0xFFFFFFD0];
	v5 =	vadd.f32 v11, v14;
	v6 =	vadd.f32 v13, v15  }
0x93: {  	v7 =	vld [tilespmem:s15+$0xFFFFFFE0];
	v11 =	vadd.f32 v2, v16;
	v13 =	vadd.f32 v3, v17  }
0x94: {  	v2 =	vld [tilespmem:s15+$0xFFFFFF90];
	v5 =	vadd.f32 v8, v5;
	v6 =	vadd.f32 v10, v6  }
0x95: {  	v3 =	vld [tilespmem:s15+$0xFFFFFFA0];
	v10 =	vadd.f32 v0, v11;
	v14 =	vadd.f32 v1, v13  }
0x96: {  	v16 =	vld [tilespmem:s15+$0xFFFFFF50];
	v5 =	vadd.f32 v9, v5;
	v6 =	vadd.f32 v12, v6  }
0x97: {  	v12 =	vld [tilespmem:s15+$0xFFFFFF60];
	v0 =	vmov v4  }
0x98: {  	v4 =	vld [tilespmem:s15+$0xFFFFFF10];
	v1 =	vmov v7  }
0x99: {  	v7 =	vld [tilespmem:s15+$0xFFFFFF20]  }
0x9a: {  	v9 =	vld [tilespmem:s15+$0xFFFFFF30]  }
0x9b: {  	s14 =	sadd.s32 $0x4, s14;
	v15 =	vld [tilespmem:s15+$0xFFFFFF40]  }
0x9c: {  	p1 =	slt.u32 s14, $0x5C;
	v11 =	vld [tilespmem:s15+$0xFFFFFF70]  }
.Ltmp4:
0x9d: {  	v13 =	vld [tilespmem:s15+$0xFFFFFF80];
	(pc) =	sbr.rel @p1 .LBB2_7-.Ltmp4, $4  }
0x9e: {  	v8 =	vld [tilespmem:s15+$0xFFFFFFB0]  }
0x9f: {  	v4 =	vadd.f32 v4, v10;
	v7 =	vadd.f32 v7, v14;
	v10 =	vld [tilespmem:s15+$0xFFFFFFC0]  }
0xa0: {  	v14 =	vadd.f32 v9, v5;
	v15 =	vadd.f32 v15, v6;
	v9 =	vld [tilespmem:s15+$0xFFFFFFF0]  }
0xa1: {  	v16 =	vadd.f32 v16, v4;
	v17 =	vadd.f32 v12, v7;
	v12 =	vld [tilespmem:s15+$0x0];
	s15 =	sadd.s32 $0x100, s15  }
0xa2: {  	s14 =	sadd.s32 $0x5, s13  }
0xa3: {  	s14 =	smul.u32 @!p0 $0x320, s14;
	_ =	sdelay $0x1  }
0xa4: {  	s15 =	simm.s32 @!p0 $0x60;
	s16 =	simm.s32 @!p0 $0x7C00;
	s14 =	sshra.s32 @!p0 s14, $0x2  }
0xa5: {  	[tilespmem:s16], [sflag:$0x3] =	stream.indirect.gather @!p0 [hbm4b:s3+s15], $0x40, s14, s15, $0xb8;
	[tilespmem:$0x14C00] =	vst v63  }
0xa6: {  	_ =	swait.ge [sflag:s28], $0x1A00  }
0xa7: {  	[sflag:s28] =	ssyncset.done $0x0  }
0xa8: {  	s16 =	simm.s32 $0xDEF0;
	[sflag:s28] =	ssyncadd.s32 $0xFFFFE600  }
0xa9: {  	v5 =	vld [tilespmem:s16+$0xFFFFFFD0]  }
0xaa: {  	v4 =	vld [tilespmem:s16+$0xFFFFFFE0]  }
0xab: {  	v6 =	vld [tilespmem:s16+$0xFFFFFF90]  }
0xac: {  	v7 =	vld [tilespmem:s16+$0xFFFFFFA0]  }
0xad: {  	v18 =	vld [tilespmem:s16+$0xFFFFFF50]  }
0xae: {  	v19 =	vld [tilespmem:s16+$0xFFFFFF60]  }
0xaf: {  	v20 =	vld [tilespmem:s16+$0xFFFFFF10]  }
0xb0: {  	v21 =	vld [tilespmem:s16+$0xFFFFFF20]  }
0xb1: {  	v11 =	vadd.f32 v11, v14;
	v13 =	vadd.f32 v13, v15;
	v14 =	vld [tilespmem:s16+$0xFFFFFF30]  }
0xb2: {  	v15 =	vadd.f32 v2, v16;
	v3 =	vadd.f32 v3, v17;
	v63 =	vld [tilespmem:s16+$0xFFFFFF40]  }
0xb3: {  	v8 =	vadd.f32 v8, v11;
	v11 =	vadd.f32 v10, v13;
	v2 =	vld [tilespmem:s16+$0xFFFFFF70]  }
0xb4: {  	v0 =	vadd.f32 v0, v15;
	v3 =	vadd.f32 v1, v3;
	v10 =	vld [tilespmem:s16+$0xFFFFFF80]  }
0xb5: {  	v8 =	vadd.f32 v9, v8;
	v9 =	vadd.f32 v12, v11;
	v1 =	vld [tilespmem:s16+$0xFFFFFFB0]  }
0xb6: {  	v12 =	vadd.f32 v20, v0;
	v15 =	vadd.f32 v21, v3;
	v3 =	vld [tilespmem:s16+$0xFFFFFFC0]  }
0xb7: {  	v11 =	vadd.f32 v14, v8;
	v9 =	vadd.f32 v63, v9;
	v0 =	vld [tilespmem:s16+$0xFFFFFFF0]  }
0xb8: {  	s15 =	simm.s32 $0x0;
	v8 =	vld [tilespmem:s16+$0x0];
	s16 =	simm.s32 $0xDFF0;
	v13 =	vadd.f32 v18, v12;
	v12 =	vadd.f32 v19, v15  }
.LBB2_9:
0xb9: {  	v14 =	vld [tilespmem:s16+$0xFFFFFFD0];
	v2 =	vadd.f32 v2, v11;
	v9 =	vadd.f32 v10, v9  }
0xba: {  	v10 =	vld [tilespmem:s16+$0xFFFFFFE0];
	v11 =	vadd.f32 v6, v13;
	v12 =	vadd.f32 v7, v12  }
0xbb: {  	v6 =	vld [tilespmem:s16+$0xFFFFFF90];
	v1 =	vadd.f32 v1, v2;
	v2 =	vadd.f32 v3, v9  }
0xbc: {  	v7 =	vld [tilespmem:s16+$0xFFFFFFA0];
	v3 =	vadd.f32 v5, v11;
	v9 =	vadd.f32 v4, v12  }
0xbd: {  	v12 =	vld [tilespmem:s16+$0xFFFFFF50];
	v0 =	vadd.f32 v0, v1;
	v8 =	vadd.f32 v8, v2  }
0xbe: {  	v15 =	vld [tilespmem:s16+$0xFFFFFF60];
	v5 =	vmov v14  }
0xbf: {  	v11 =	vld [tilespmem:s16+$0xFFFFFF10];
	v4 =	vmov v10  }
0xc0: {  	v13 =	vld [tilespmem:s16+$0xFFFFFF20]  }
0xc1: {  	v14 =	vld [tilespmem:s16+$0xFFFFFF30]  }
0xc2: {  	s15 =	sadd.s32 $0x4, s15;
	v16 =	vld [tilespmem:s16+$0xFFFFFF40]  }
0xc3: {  	p1 =	slt.u32 s15, $0x64;
	v2 =	vld [tilespmem:s16+$0xFFFFFF70]  }
.Ltmp5:
0xc4: {  	v10 =	vld [tilespmem:s16+$0xFFFFFF80];
	(pc) =	sbr.rel @p1 .LBB2_9-.Ltmp5, $4  }
0xc5: {  	v1 =	vld [tilespmem:s16+$0xFFFFFFB0]  }
0xc6: {  	v17 =	vadd.f32 v11, v3;
	v18 =	vadd.f32 v13, v9;
	v3 =	vld [tilespmem:s16+$0xFFFFFFC0]  }
0xc7: {  	v11 =	vadd.f32 v14, v0;
	v9 =	vadd.f32 v16, v8;
	v0 =	vld [tilespmem:s16+$0xFFFFFFF0]  }
0xc8: {  	v13 =	vadd.f32 v12, v17;
	v12 =	vadd.f32 v15, v18;
	v8 =	vld [tilespmem:s16+$0x0];
	s16 =	sadd.s32 $0x100, s16  }
0xc9: {  	_ = 	snop  }
0xca: {  	v2 =	vadd.f32 v2, v11;
	v6 =	vadd.f32 v6, v13  }
0xcb: {  	v9 =	vadd.f32 v10, v9;
	v7 =	vadd.f32 v7, v12  }
0xcc: {  	s14 =	sadd.s32 @!p0 $0x60, s14;
	s15 =	simm.s32 @!p0 $0x68;
	s16 =	simm.s32 @!p0 $0xDE00;
	v1 =	vadd.f32 v1, v2;
	v2 =	vadd.f32 v5, v6  }
0xcd: {  	[tilespmem:s16], [sflag:$0x4] =	stream.indirect.gather @!p0 [hbm4b:s3+s15], $0x40, s14, s15, $0xb8;
	v3 =	vadd.f32 v3, v9;
	v4 =	vadd.f32 v4, v7;
	[tilespmem:$0x14C00] =	vst v63  }
0xce: {  	v0 =	vadd.f32 v0, v1;
	[tilespmem:s12+$0x12C40] =	vst v2  }
0xcf: {  	v1 =	vadd.f32 v8, v3;
	[tilespmem:s12+$0x12C50] =	vst v4  }
0xd0: {  	[tilespmem:s12+$0x12C60] =	vst v0  }
0xd1: {  	[tilespmem:s12+$0x12C70] =	vst v1  }
0xd2: {  	_ =	swait.ge [sflag:s29], $0x1800  }
0xd3: {  	[sflag:s29] =	ssyncset.done $0x0  }
0xd4: {  	s16 =	simm.s32 $0x94F0;
	[sflag:s29] =	ssyncadd.s32 $0xFFFFE800  }
0xd5: {  	v0 =	vld [tilespmem:s16+$0xFFFFFFD0]  }
0xd6: {  	v1 =	vld [tilespmem:s16+$0xFFFFFFE0]  }
0xd7: {  	v2 =	vld [tilespmem:s16+$0xFFFFFF90]  }
0xd8: {  	v3 =	vld [tilespmem:s16+$0xFFFFFFA0]  }
0xd9: {  	v4 =	vld [tilespmem:s16+$0xFFFFFF50]  }
0xda: {  	v5 =	vld [tilespmem:s16+$0xFFFFFF60]  }
0xdb: {  	v6 =	vld [tilespmem:s16+$0xFFFFFF10]  }
0xdc: {  	v7 =	vld [tilespmem:s16+$0xFFFFFF20]  }
0xdd: {  	v9 =	vld [tilespmem:s16+$0xFFFFFF30]  }
0xde: {  	v12 =	vld [tilespmem:s16+$0xFFFFFF40]  }
0xdf: {  	v11 =	vld [tilespmem:s16+$0xFFFFFF70]  }
0xe0: {  	v13 =	vld [tilespmem:s16+$0xFFFFFF80]  }
0xe1: {  	v15 =	vimm.f32 $0.0e+00;
	v8 =	vld [tilespmem:s16+$0xFFFFFFB0]  }
0xe2: {  	v10 =	vld [tilespmem:s16+$0xFFFFFFC0];
	v6 =	vadd.f32 v6, v15;
	v7 =	vadd.f32 v7, v15  }
0xe3: {  	v14 =	vadd.f32 v9, v15;
	v15 =	vadd.f32 v12, v15;
	v9 =	vld [tilespmem:s16+$0xFFFFFFF0]  }
0xe4: {  	s14 =	simm.s32 $0x0;
	s15 =	simm.s32 $0x95F0;
	v12 =	vld [tilespmem:s16+$0x0];
	v16 =	vadd.f32 v4, v6;
	v17 =	vadd.f32 v5, v7  }
.LBB2_11:
0xe5: {  	v4 =	vld [tilespmem:s15+$0xFFFFFFD0];
	v5 =	vadd.f32 v11, v14;
	v6 =	vadd.f32 v13, v15  }
0xe6: {  	v7 =	vld [tilespmem:s15+$0xFFFFFFE0];
	v11 =	vadd.f32 v2, v16;
	v13 =	vadd.f32 v3, v17  }
0xe7: {  	v2 =	vld [tilespmem:s15+$0xFFFFFF90];
	v5 =	vadd.f32 v8, v5;
	v6 =	vadd.f32 v10, v6  }
0xe8: {  	v3 =	vld [tilespmem:s15+$0xFFFFFFA0];
	v10 =	vadd.f32 v0, v11;
	v14 =	vadd.f32 v1, v13  }
0xe9: {  	v16 =	vld [tilespmem:s15+$0xFFFFFF50];
	v5 =	vadd.f32 v9, v5;
	v6 =	vadd.f32 v12, v6  }
0xea: {  	v12 =	vld [tilespmem:s15+$0xFFFFFF60];
	v0 =	vmov v4  }
0xeb: {  	v4 =	vld [tilespmem:s15+$0xFFFFFF10];
	v1 =	vmov v7  }
0xec: {  	v7 =	vld [tilespmem:s15+$0xFFFFFF20]  }
0xed: {  	v9 =	vld [tilespmem:s15+$0xFFFFFF30]  }
0xee: {  	s14 =	sadd.s32 $0x4, s14;
	v15 =	vld [tilespmem:s15+$0xFFFFFF40]  }
0xef: {  	p1 =	slt.u32 s14, $0x5C;
	v11 =	vld [tilespmem:s15+$0xFFFFFF70]  }
.Ltmp6:
0xf0: {  	v13 =	vld [tilespmem:s15+$0xFFFFFF80];
	(pc) =	sbr.rel @p1 .LBB2_11-.Ltmp6, $4  }
0xf1: {  	v8 =	vld [tilespmem:s15+$0xFFFFFFB0]  }
0xf2: {  	v4 =	vadd.f32 v4, v10;
	v7 =	vadd.f32 v7, v14;
	v10 =	vld [tilespmem:s15+$0xFFFFFFC0]  }
0xf3: {  	v14 =	vadd.f32 v9, v5;
	v15 =	vadd.f32 v15, v6;
	v9 =	vld [tilespmem:s15+$0xFFFFFFF0]  }
0xf4: {  	v16 =	vadd.f32 v16, v4;
	v17 =	vadd.f32 v12, v7;
	v12 =	vld [tilespmem:s15+$0x0];
	s15 =	sadd.s32 $0x100, s15  }
0xf5: {  	s14 =	sadd.s32 $0x6, s13  }
0xf6: {  	s14 =	smul.u32 @!p0 $0x320, s14;
	_ =	sdelay $0x1  }
0xf7: {  	s15 =	simm.s32 @!p0 $0x60;
	s16 =	simm.s32 @!p0 $0x9400;
	s14 =	sshra.s32 @!p0 s14, $0x2  }
0xf8: {  	[tilespmem:s16], [sflag:$0x5] =	stream.indirect.gather @!p0 [hbm4b:s3+s15], $0x40, s14, s15, $0xb8;
	[tilespmem:$0x14C00] =	vst v63  }
0xf9: {  	_ =	swait.ge [sflag:s30], $0x1A00  }
0xfa: {  	[sflag:s30] =	ssyncset.done $0x0  }
0xfb: {  	s16 =	simm.s32 $0xF8F0;
	[sflag:s30] =	ssyncadd.s32 $0xFFFFE600  }
0xfc: {  	v5 =	vld [tilespmem:s16+$0xFFFFFFD0]  }
0xfd: {  	v4 =	vld [tilespmem:s16+$0xFFFFFFE0]  }
0xfe: {  	v6 =	vld [tilespmem:s16+$0xFFFFFF90]  }
0xff: {  	v7 =	vld [tilespmem:s16+$0xFFFFFFA0]  }
0x100: {  	v18 =	vld [tilespmem:s16+$0xFFFFFF50]  }
0x101: {  	v19 =	vld [tilespmem:s16+$0xFFFFFF60]  }
0x102: {  	v20 =	vld [tilespmem:s16+$0xFFFFFF10]  }
0x103: {  	v21 =	vld [tilespmem:s16+$0xFFFFFF20]  }
0x104: {  	v11 =	vadd.f32 v11, v14;
	v13 =	vadd.f32 v13, v15;
	v14 =	vld [tilespmem:s16+$0xFFFFFF30]  }
0x105: {  	v15 =	vadd.f32 v2, v16;
	v3 =	vadd.f32 v3, v17;
	v63 =	vld [tilespmem:s16+$0xFFFFFF40]  }
0x106: {  	v8 =	vadd.f32 v8, v11;
	v11 =	vadd.f32 v10, v13;
	v2 =	vld [tilespmem:s16+$0xFFFFFF70]  }
0x107: {  	v0 =	vadd.f32 v0, v15;
	v3 =	vadd.f32 v1, v3;
	v10 =	vld [tilespmem:s16+$0xFFFFFF80]  }
0x108: {  	v8 =	vadd.f32 v9, v8;
	v9 =	vadd.f32 v12, v11;
	v1 =	vld [tilespmem:s16+$0xFFFFFFB0]  }
0x109: {  	v12 =	vadd.f32 v20, v0;
	v15 =	vadd.f32 v21, v3;
	v3 =	vld [tilespmem:s16+$0xFFFFFFC0]  }
0x10a: {  	v11 =	vadd.f32 v14, v8;
	v9 =	vadd.f32 v63, v9;
	v0 =	vld [tilespmem:s16+$0xFFFFFFF0]  }
0x10b: {  	s15 =	simm.s32 $0x0;
	v8 =	vld [tilespmem:s16+$0x0];
	s16 =	simm.s32 $0xF9F0;
	v13 =	vadd.f32 v18, v12;
	v12 =	vadd.f32 v19, v15  }
.LBB2_13:
0x10c: {  	v14 =	vld [tilespmem:s16+$0xFFFFFFD0];
	v2 =	vadd.f32 v2, v11;
	v9 =	vadd.f32 v10, v9  }
0x10d: {  	v10 =	vld [tilespmem:s16+$0xFFFFFFE0];
	v11 =	vadd.f32 v6, v13;
	v12 =	vadd.f32 v7, v12  }
0x10e: {  	v6 =	vld [tilespmem:s16+$0xFFFFFF90];
	v1 =	vadd.f32 v1, v2;
	v2 =	vadd.f32 v3, v9  }
0x10f: {  	v7 =	vld [tilespmem:s16+$0xFFFFFFA0];
	v3 =	vadd.f32 v5, v11;
	v9 =	vadd.f32 v4, v12  }
0x110: {  	v12 =	vld [tilespmem:s16+$0xFFFFFF50];
	v0 =	vadd.f32 v0, v1;
	v8 =	vadd.f32 v8, v2  }
0x111: {  	v15 =	vld [tilespmem:s16+$0xFFFFFF60];
	v5 =	vmov v14  }
0x112: {  	v11 =	vld [tilespmem:s16+$0xFFFFFF10];
	v4 =	vmov v10  }
0x113: {  	v13 =	vld [tilespmem:s16+$0xFFFFFF20]  }
0x114: {  	v14 =	vld [tilespmem:s16+$0xFFFFFF30]  }
0x115: {  	s15 =	sadd.s32 $0x4, s15;
	v16 =	vld [tilespmem:s16+$0xFFFFFF40]  }
0x116: {  	p1 =	slt.u32 s15, $0x64;
	v2 =	vld [tilespmem:s16+$0xFFFFFF70]  }
.Ltmp7:
0x117: {  	v10 =	vld [tilespmem:s16+$0xFFFFFF80];
	(pc) =	sbr.rel @p1 .LBB2_13-.Ltmp7, $4  }
0x118: {  	v1 =	vld [tilespmem:s16+$0xFFFFFFB0]  }
0x119: {  	v17 =	vadd.f32 v11, v3;
	v18 =	vadd.f32 v13, v9;
	v3 =	vld [tilespmem:s16+$0xFFFFFFC0]  }
0x11a: {  	v11 =	vadd.f32 v14, v0;
	v9 =	vadd.f32 v16, v8;
	v0 =	vld [tilespmem:s16+$0xFFFFFFF0]  }
0x11b: {  	v13 =	vadd.f32 v12, v17;
	v12 =	vadd.f32 v15, v18;
	v8 =	vld [tilespmem:s16+$0x0];
	s16 =	sadd.s32 $0x100, s16  }
0x11c: {  	_ = 	snop  }
0x11d: {  	v2 =	vadd.f32 v2, v11;
	v6 =	vadd.f32 v6, v13  }
0x11e: {  	v9 =	vadd.f32 v10, v9;
	v7 =	vadd.f32 v7, v12  }
0x11f: {  	s14 =	sadd.s32 @!p0 $0x60, s14;
	s15 =	simm.s32 @!p0 $0x68;
	s16 =	simm.s32 @!p0 $0xF800;
	v1 =	vadd.f32 v1, v2;
	v2 =	vadd.f32 v5, v6  }
0x120: {  	[tilespmem:s16], [sflag:$0x6] =	stream.indirect.gather @!p0 [hbm4b:s3+s15], $0x40, s14, s15, $0xb8;
	v3 =	vadd.f32 v3, v9;
	v4 =	vadd.f32 v4, v7;
	[tilespmem:$0x14C00] =	vst v63  }
0x121: {  	v0 =	vadd.f32 v0, v1;
	[tilespmem:s12+$0x12C80] =	vst v2  }
0x122: {  	v1 =	vadd.f32 v8, v3;
	[tilespmem:s12+$0x12C90] =	vst v4  }
0x123: {  	[tilespmem:s12+$0x12CA0] =	vst v0  }
0x124: {  	[tilespmem:s12+$0x12CB0] =	vst v1  }
0x125: {  	_ =	swait.ge [sflag:s31], $0x1800  }
0x126: {  	[sflag:s31] =	ssyncset.done $0x0  }
0x127: {  	s16 =	simm.s32 $0xAC00;
	[sflag:s31] =	ssyncadd.s32 $0xFFFFE800  }
0x128: {  	v0 =	vld [tilespmem:s16+$0xC0]  }
0x129: {  	v1 =	vld [tilespmem:s16+$0xD0]  }
0x12a: {  	v2 =	vld [tilespmem:s16+$0x80]  }
0x12b: {  	v3 =	vld [tilespmem:s16+$0x90]  }
0x12c: {  	v4 =	vld [tilespmem:s16+$0x40]  }
0x12d: {  	v5 =	vld [tilespmem:s16+$0x50]  }
0x12e: {  	v6 =	vld [tilespmem:s16+$0x0]  }
0x12f: {  	v7 =	vld [tilespmem:s16+$0x10]  }
0x130: {  	v9 =	vld [tilespmem:s16+$0x20]  }
0x131: {  	v12 =	vld [tilespmem:s16+$0x30]  }
0x132: {  	v11 =	vld [tilespmem:s16+$0x60]  }
0x133: {  	v13 =	vld [tilespmem:s16+$0x70]  }
0x134: {  	v15 =	vimm.f32 $0.0e+00;
	v8 =	vld [tilespmem:s16+$0xA0]  }
0x135: {  	v10 =	vld [tilespmem:s16+$0xB0];
	v6 =	vadd.f32 v6, v15;
	v7 =	vadd.f32 v7, v15  }
0x136: {  	v14 =	vadd.f32 v9, v15;
	v15 =	vadd.f32 v12, v15;
	v9 =	vld [tilespmem:s16+$0xE0]  }
0x137: {  	s14 =	simm.s32 $0x0;
	s15 =	simm.s32 $0xAD00;
	v12 =	vld [tilespmem:s16+$0xF0];
	v16 =	vadd.f32 v4, v6;
	v17 =	vadd.f32 v5, v7  }
.LBB2_15:
0x138: {  	v4 =	vld [tilespmem:s15+$0xC0];
	v5 =	vadd.f32 v11, v14;
	v6 =	vadd.f32 v13, v15  }
0x139: {  	v7 =	vld [tilespmem:s15+$0xD0];
	v11 =	vadd.f32 v2, v16;
	v13 =	vadd.f32 v3, v17  }
0x13a: {  	v2 =	vld [tilespmem:s15+$0x80];
	v5 =	vadd.f32 v8, v5;
	v6 =	vadd.f32 v10, v6  }
0x13b: {  	v3 =	vld [tilespmem:s15+$0x90];
	v10 =	vadd.f32 v0, v11;
	v14 =	vadd.f32 v1, v13  }
0x13c: {  	v16 =	vld [tilespmem:s15+$0x40];
	v5 =	vadd.f32 v9, v5;
	v6 =	vadd.f32 v12, v6  }
0x13d: {  	v12 =	vld [tilespmem:s15+$0x50];
	v0 =	vmov v4  }
0x13e: {  	v4 =	vld [tilespmem:s15+$0x0];
	v1 =	vmov v7  }
0x13f: {  	v7 =	vld [tilespmem:s15+$0x10]  }
0x140: {  	v9 =	vld [tilespmem:s15+$0x20]  }
0x141: {  	s14 =	sadd.s32 $0x4, s14;
	v15 =	vld [tilespmem:s15+$0x30]  }
0x142: {  	p1 =	slt.u32 s14, $0x5C;
	v11 =	vld [tilespmem:s15+$0x60]  }
.Ltmp8:
0x143: {  	v13 =	vld [tilespmem:s15+$0x70];
	(pc) =	sbr.rel @p1 .LBB2_15-.Ltmp8, $4  }
0x144: {  	v8 =	vld [tilespmem:s15+$0xA0]  }
0x145: {  	v4 =	vadd.f32 v4, v10;
	v7 =	vadd.f32 v7, v14;
	v10 =	vld [tilespmem:s15+$0xB0]  }
0x146: {  	v14 =	vadd.f32 v9, v5;
	v15 =	vadd.f32 v15, v6;
	v9 =	vld [tilespmem:s15+$0xE0]  }
0x147: {  	v16 =	vadd.f32 v16, v4;
	v17 =	vadd.f32 v12, v7;
	v12 =	vld [tilespmem:s15+$0xF0];
	s15 =	sadd.s32 $0x100, s15  }
0x148: {  	s13 =	sadd.s32 $0x7, s13  }
0x149: {  	s14 =	smul.u32 @!p0 $0x320, s13;
	_ =	sdelay $0x1  }
0x14a: {  	s15 =	simm.s32 @!p0 $0x60;
	s16 =	simm.s32 @!p0 $0xAC00;
	s14 =	sshra.s32 @!p0 s14, $0x2  }
0x14b: {  	[tilespmem:s16], [sflag:$0x7] =	stream.indirect.gather @!p0 [hbm4b:s3+s15], $0x40, s14, s15, $0xb8;
	[tilespmem:$0x14C00] =	vst v63  }
0x14c: {  	_ =	swait.ge [sflag:s1], $0x1A00  }
0x14d: {  	[sflag:s1] =	ssyncset.done $0x0  }
0x14e: {  	s16 =	simm.s32 $0x11200;
	[sflag:s1] =	ssyncadd.s32 $0xFFFFE600  }
0x14f: {  	v4 =	vld [tilespmem:s16+$0xC0]  }
0x150: {  	v6 =	vld [tilespmem:s16+$0xD0]  }
0x151: {  	v5 =	vld [tilespmem:s16+$0x80]  }
0x152: {  	v7 =	vld [tilespmem:s16+$0x90]  }
0x153: {  	v18 =	vld [tilespmem:s16+$0x40]  }
0x154: {  	v19 =	vld [tilespmem:s16+$0x50]  }
0x155: {  	v20 =	vld [tilespmem:s16+$0x0]  }
0x156: {  	v21 =	vld [tilespmem:s16+$0x10]  }
0x157: {  	v11 =	vadd.f32 v11, v14;
	v13 =	vadd.f32 v13, v15;
	v14 =	vld [tilespmem:s16+$0x20]  }
0x158: {  	v15 =	vadd.f32 v2, v16;
	v3 =	vadd.f32 v3, v17;
	v63 =	vld [tilespmem:s16+$0x30]  }
0x159: {  	v8 =	vadd.f32 v8, v11;
	v10 =	vadd.f32 v10, v13;
	v2 =	vld [tilespmem:s16+$0x60]  }
0x15a: {  	v11 =	vadd.f32 v0, v15;
	v1 =	vadd.f32 v1, v3;
	v3 =	vld [tilespmem:s16+$0x70]  }
0x15b: {  	v9 =	vadd.f32 v9, v8;
	v12 =	vadd.f32 v12, v10;
	v0 =	vld [tilespmem:s16+$0xA0]  }
0x15c: {  	v8 =	vld [tilespmem:s16+$0xB0];
	v13 =	vadd.f32 v20, v11;
	v15 =	vadd.f32 v21, v1  }
0x15d: {  	v10 =	vadd.f32 v14, v9;
	v11 =	vadd.f32 v63, v12;
	v1 =	vld [tilespmem:s16+$0xE0]  }
0x15e: {  	s14 =	simm.s32 $0x0;
	s15 =	simm.s32 $0x11300;
	v9 =	vld [tilespmem:s16+$0xF0];
	v12 =	vadd.f32 v18, v13;
	v13 =	vadd.f32 v19, v15  }
.LBB2_17:
0x15f: {  	v14 =	vld [tilespmem:s15+$0xC0];
	v2 =	vadd.f32 v2, v10;
	v3 =	vadd.f32 v3, v11  }
0x160: {  	v10 =	vld [tilespmem:s15+$0xD0];
	v11 =	vadd.f32 v5, v12;
	v12 =	vadd.f32 v7, v13  }
0x161: {  	v5 =	vld [tilespmem:s15+$0x80];
	v0 =	vadd.f32 v0, v2;
	v2 =	vadd.f32 v8, v3  }
0x162: {  	v7 =	vld [tilespmem:s15+$0x90];
	v8 =	vadd.f32 v4, v11;
	v11 =	vadd.f32 v6, v12  }
0x163: {  	v12 =	vld [tilespmem:s15+$0x40];
	v1 =	vadd.f32 v1, v0;
	v9 =	vadd.f32 v9, v2  }
0x164: {  	v13 =	vld [tilespmem:s15+$0x50];
	v4 =	vmov v14  }
0x165: {  	v14 =	vld [tilespmem:s15+$0x0];
	v6 =	vmov v10  }
0x166: {  	v10 =	vld [tilespmem:s15+$0x10]  }
0x167: {  	v15 =	vld [tilespmem:s15+$0x20]  }
0x168: {  	s14 =	sadd.s32 $0x4, s14;
	v16 =	vld [tilespmem:s15+$0x30]  }
0x169: {  	p1 =	slt.u32 s14, $0x64;
	v2 =	vld [tilespmem:s15+$0x60]  }
.Ltmp9:
0x16a: {  	v3 =	vld [tilespmem:s15+$0x70];
	(pc) =	sbr.rel @p1 .LBB2_17-.Ltmp9, $4  }
0x16b: {  	v0 =	vld [tilespmem:s15+$0xA0]  }
0x16c: {  	v14 =	vadd.f32 v14, v8;
	v17 =	vadd.f32 v10, v11;
	v8 =	vld [tilespmem:s15+$0xB0]  }
0x16d: {  	v10 =	vadd.f32 v15, v1;
	v11 =	vadd.f32 v16, v9;
	v1 =	vld [tilespmem:s15+$0xE0]  }
0x16e: {  	v12 =	vadd.f32 v12, v14;
	v13 =	vadd.f32 v13, v17;
	v9 =	vld [tilespmem:s15+$0xF0];
	s15 =	sadd.s32 $0x100, s15  }
.Ltmp10:
0x16f: {  	v2 =	vadd.f32 v2, v10;
	v3 =	vadd.f32 v3, v11;
	(pc) =	sbr.rel @p0 .LBB2_20-.Ltmp10, $4  }
0x170: {  	v5 =	vadd.f32 v5, v12;
	v7 =	vadd.f32 v7, v13  }
0x171: {  	v0 =	vadd.f32 v0, v2;
	v8 =	vadd.f32 v8, v3  }
0x172: {  	v3 =	vadd.f32 v4, v5;
	v2 =	vadd.f32 v6, v7  }
0x173: {  	v1 =	vadd.f32 v1, v0;
	v0 =	vadd.f32 v9, v8  }
0x174: {  	s13 =	smul.u32 $0x320, s13;
	_ =	sdelay $0x1  }
0x175: {  	s13 =	sshra.s32 s13, $0x2  }
0x176: {  	s13 =	sadd.s32 $0x60, s13  }
0x177: {  	[tilespmem:s23], [sflag:$0x8] =	stream.indirect.gather [hbm4b:s3+s10], $0x40, s13, s10, $0xb8;
	[tilespmem:$0x14C00] =	vst v63  }
.Ltmp11:
0x178: {  	_ = 	snop;
	(pc) =	sbr.rel .LBB2_2-.Ltmp11, $4  }
0x179: {  	[tilespmem:s12+$0x12CC0] =	vst v3  }
0x17a: {  	[tilespmem:s12+$0x12CD0] =	vst v2  }
0x17b: {  	[tilespmem:s12+$0x12CE0] =	vst v1  }
0x17c: {  	s11 =	sadd.s32 $0x1, s11;
	[tilespmem:s12+$0x12CF0] =	vst v0  }
.LBB2_21:
0x17d: {  	_ =	sfence.sel $0x180000  }
0x17e: {  	[bflag:$0x0] =	sbarrier.arrive $0xFFFF  }
0x17f: {  	_ =	strace $0x90000047  }
0x180: {  	s0 =	stileid.u32;
	[bflag:$0x2] =	sbarrier.arrive $0xFFFF  }
0x181: {  	p0 =	sne.s32 s0, $0x0;
	s0 =	rddreg [dreg:$0x2]  }
0x182: {  	s0 =	sadd.s32 @!p0 $0x100000, s0  }
0x183: {  	[sflag:s0] =	ssyncadd.tile.s32 @!p0 $0x1;
	_ =	shalt  }
.Lfunc_end2:
_tile_overlayer_lowered:
.L_overlay_start_2:
0x184: {  	(tag) =	ssettag $0x2  }
0x185: {  	s0 =	rddreg [dreg:$0x0];
	s2 =	stileid.u32  }
0x186: {  	s1 =	rddreg [dreg:$0x1];
	p0 =	sne.s32 s2, $0x0  }
0x187: {  	s3 =	rddreg [dreg:$0x2];
	[bflag:$0x3] =	sbarrier.arrive $0xFFFF;
	s2 =	simm.s32 @!p0 $0x1C09  }
0x188: {  	[timem:s3], [sflag:s2] =	dma.local @!p0 [hbm:s0], s1  }
0x189: {  	s0 =	simm.s32 @!p0 $0x9  }
0x18a: {  	_ =	swait.ge @!p0 [sflag:s0], s1  }
0x18b: {  	s1 =	ssub.s32 @!p0 $0x0, s1;
	[sflag:s0] =	ssyncset.done @!p0 $0x0  }
0x18c: {  	[sflag:s0] =	ssyncadd.s32 @!p0 s1  }
0x18d: {  	[bflag:$0x3] =	sbarrier.arrive $0xFFFF  }
0x18e: {  	_ =	shalt  }

</sc_bundles>
